<compile_context>
chip_gen: v7x
topology: tpu7x:2x2x1
jax: 0.10.2.dev20260603
libtpu: 0.0.44.dev20260713+nightly
codegen_flags: <defaults>
</compile_context>

<pallas_src>
import functools

import jax
import jax.numpy as jnp
from jax import lax
from jax.experimental import pallas as pl
from jax.experimental.pallas import tpu as pltpu
from jax.experimental.pallas import tpu_sc as plsc

NC = 2
NS = 16
K = 128
G = 8
SS = 8
SR = K // SS
LANES = 16


def _bcast_lane(v16, lane):
    idx = jnp.full((LANES, 1), lane, jnp.int32)
    dnums = lax.GatherDimensionNumbers(
        offset_dims=(), collapsed_slice_dims=(0,), start_index_map=(0,))
    return lax.gather(v16, idx, dnums, slice_sizes=(1,),
                      mode=lax.GatherScatterMode.PROMISE_IN_BOUNDS)


def _mm_body(x_ref, w_ref, o_ref):
    o_ref[...] = jnp.dot(x_ref[...], w_ref[...],
                         preferred_element_type=jnp.float32)


def _combine_body(p_ref, b_ref, o_ref):
    o_ref[...] = p_ref[0] + p_ref[1] + b_ref[...]


def _sc_body(ch, n_pad, xw, srcg, dstg, valsg, zeros, out,
             src_r, dst_r, vals_r, rows, acc, gsem, ssem, isem):
    c = lax.axis_index("c")
    s = lax.axis_index("s")
    ng = ch // G
    per_tile = n_pad // NS

    pltpu.sync_copy(zeros.at[pl.ds(s * per_tile, per_tile)],
                    acc.at[pl.ds(s * per_tile, per_tile)])

    pltpu.sync_copy(srcg.at[c, s, 0], src_r.at[0])
    pltpu.sync_copy(dstg.at[c, s, 0], dst_r.at[0])
    pltpu.sync_copy(valsg.at[c, s, 0], vals_r.at[0])
    plsc.subcore_barrier()

    def issue_gather(rs, jj, slot):
        for q in range(SS):
            pltpu.async_copy(
                xw.at[src_r.at[rs, jj, pl.ds(q * SR, SR)]],
                rows.at[pl.ds(slot * K + q * SR, SR)], gsem.at[slot])

    def wait_gather(rs, jj, slot):
        for q in range(SS):
            pltpu.make_async_copy(
                xw.at[src_r.at[rs, jj, pl.ds(q * SR, SR)]],
                rows.at[pl.ds(slot * K + q * SR, SR)], gsem.at[slot]).wait()

    issue_gather(0, 0, 0)

    def group_body(g, _):
        cur = lax.rem(g, 2)
        nxt = 1 - cur

        def jbody(jj, _):
            j = g * G + jj
            slot = lax.rem(j, 2)
            other = 1 - slot

            @pl.when(j >= 1)
            def _():
                jm = j - 1
                rs = lax.rem(jm // G, 2)
                pltpu.make_async_copy(
                    rows.at[pl.ds(other * K, K)],
                    acc.at[dst_r.at[rs, lax.rem(jm, G)]],
                    ssem.at[other]).wait()

            @pl.when(jnp.logical_and(jj == 0, g + 1 < ng))
            def _():
                pltpu.async_copy(srcg.at[c, s, g + 1], src_r.at[nxt],
                                 isem.at[nxt])
                pltpu.async_copy(dstg.at[c, s, g + 1], dst_r.at[nxt],
                                 isem.at[nxt])
                pltpu.async_copy(valsg.at[c, s, g + 1], vals_r.at[nxt],
                                 isem.at[nxt])

            @pl.when(jj + 1 < G)
            def _():
                issue_gather(cur, jj + 1, other)

            @pl.when(jnp.logical_and(jj + 1 == G, g + 1 < ng))
            def _():
                pltpu.make_async_copy(srcg.at[c, s, g + 1], src_r.at[nxt],
                                      isem.at[nxt]).wait()
                pltpu.make_async_copy(dstg.at[c, s, g + 1], dst_r.at[nxt],
                                      isem.at[nxt]).wait()
                pltpu.make_async_copy(valsg.at[c, s, g + 1], vals_r.at[nxt],
                                      isem.at[nxt]).wait()
                issue_gather(nxt, 0, other)

            wait_gather(cur, jj, slot)

            def sbody(q, _):
                v16 = vals_r[cur, jj, pl.ds(q * LANES, LANES)]
                for r in range(LANES):
                    bc = _bcast_lane(v16, r)
                    e = slot * K + q * LANES + r
                    for cb in range(8):
                        sl = pl.ds(cb * LANES, LANES)
                        rows[e, sl] = rows[e, sl] * bc
                return 0

            lax.fori_loop(0, K // LANES, sbody, 0)

            pltpu.async_copy(rows.at[pl.ds(slot * K, K)],
                             acc.at[dst_r.at[cur, jj]], ssem.at[slot],
                             add=True)
            return 0

        lax.fori_loop(0, G, jbody, 0)
        return 0

    lax.fori_loop(0, ng, group_body, 0)

    jm = ch - 1
    pltpu.make_async_copy(
        rows.at[pl.ds((jm % 2) * K, K)],
        acc.at[dst_r.at[(jm // G) % 2, jm % G]],
        ssem.at[jm % 2]).wait()
    plsc.subcore_barrier()

    pltpu.sync_copy(acc.at[pl.ds(s * per_tile, per_tile)],
                    out.at[c, pl.ds(s * per_tile, per_tile)])


def kernel(input, edge_index, adj_values, W, b):
    n, d_in = input.shape
    d_out = W.shape[1]
    e = adj_values.shape[0]
    nw = NC * NS

    src = edge_index[1].astype(jnp.int32)
    dst = edge_index[0].astype(jnp.int32)
    vals = adj_values.astype(jnp.float32)
    ept = -(-e // nw)
    ch = -(-ept // (K * G)) * G
    e_pad = nw * ch * K
    pad = e_pad - e
    pad_idx = jnp.arange(pad, dtype=jnp.int32) % n
    src = jnp.concatenate([src, pad_idx]).reshape(NC, NS, ch // G, G, K)
    dst = jnp.concatenate([dst, pad_idx]).reshape(NC, NS, ch // G, G, K)
    vals = jnp.concatenate([vals, jnp.zeros((pad,), jnp.float32)])
    vals = vals.reshape(NC, NS, ch // G, G, K)

    rb = 1000
    xw = pl.pallas_call(
        _mm_body,
        grid=(n // rb,),
        in_specs=[
            pl.BlockSpec((rb, d_in), lambda i: (i, 0)),
            pl.BlockSpec((d_in, d_out), lambda i: (0, 0)),
        ],
        out_specs=pl.BlockSpec((rb, d_out), lambda i: (i, 0)),
        out_shape=jax.ShapeDtypeStruct((n, d_out), jnp.float32),
    )(input, W)

    n_pad = -(-n // (NS * K)) * (NS * K)
    zeros = jnp.zeros((n_pad, d_out), jnp.float32)
    mesh = plsc.VectorSubcoreMesh(core_axis_name="c", subcore_axis_name="s")
    sc = pl.kernel(
        functools.partial(_sc_body, ch, n_pad),
        out_type=jax.ShapeDtypeStruct((NC, n_pad, d_out), jnp.float32),
        mesh=mesh,
        scratch_types=[
            pltpu.VMEM((2, G, K), jnp.int32),
            pltpu.VMEM((2, G, K), jnp.int32),
            pltpu.VMEM((2, G, K), jnp.float32),
            pltpu.VMEM((2 * K, d_out), jnp.float32),
            pltpu.VMEM_SHARED((n_pad, d_out), jnp.float32),
            pltpu.SemaphoreType.DMA((2,)),
            pltpu.SemaphoreType.DMA((2,)),
            pltpu.SemaphoreType.DMA((2,)),
        ],
    )
    partials = sc(xw, src, dst, vals, zeros)

    cb = 1024
    out_pad = pl.pallas_call(
        _combine_body,
        grid=(n_pad // cb,),
        in_specs=[
            pl.BlockSpec((NC, cb, d_out), lambda i: (0, i, 0)),
            pl.BlockSpec((1, d_out), lambda i: (0, 0)),
        ],
        out_specs=pl.BlockSpec((cb, d_out), lambda i: (i, 0)),
        out_shape=jax.ShapeDtypeStruct((n_pad, d_out), jnp.float32),
    )(partials, b.reshape(1, d_out))
    return out_pad[:n]

# --- scband reference (transcript-rebuilt; emitter-appended) ---
"""Pipeline reference for scband-snowball-layer-16724602650837 (READ-ONLY COPY).

The authoritative reference and input builder live on the scoring server;
editing this copy changes nothing except your own understanding.
"""

import jax, jax.numpy as jnp
import numpy as np
import math

N = 10000
E = 320000
D_IN = 128
D_OUT = 128

def setup_inputs(seed: int = 0) -> dict:
    key = jax.random.key(seed)
    k1, k2, k3, k4, k5 = jax.random.split(key, 5)
    x = jax.random.normal(k1, (N, D_IN), dtype=jnp.float32)
    edge_index = jax.random.randint(k2, (2, E), 0, N, dtype=jnp.int64)
    adj_values = jax.random.uniform(k3, (E,), dtype=jnp.float32)
    stdv_w = 1.0 / math.sqrt(D_OUT)
    stdv_b = 1.0 / math.sqrt(D_OUT)
    W = jax.random.uniform(k4, (D_IN, D_OUT), minval=-stdv_w, maxval=stdv_w, dtype=jnp.float32)
    b = jax.random.uniform(k5, (D_OUT,), minval=-stdv_b, maxval=stdv_b, dtype=jnp.float32)
    return {"input": x, "edge_index": edge_index, "adj_values": adj_values, "W": W, "b": b}

def reference(input, edge_index, adj_values, W, b):
    # XW = input @ weight
    XW = jnp.dot(input, W)
    # sparse adj multiplication: torch.spmm(adj, XW)
    # adj is COO sparse: adj[dst, src] = adj_values; out[dst] += val * XW[src]
    src = edge_index[1]
    dst = edge_index[0]
    gathered = adj_values[:, None] * jnp.take(XW, src, axis=0)
    out = jnp.zeros((input.shape[0], W.shape[1]), dtype=XW.dtype).at[dst].add(gathered)
    return out + b

if __name__ == "__main__":
    import jax
    _d = setup_inputs()
    print(jax.jit(kernel)(*tuple(_d.values())))

</pallas_src>

<mosaic_0001>
#map = affine_map<(d0, d1) -> (0, 0)>
#map1 = affine_map<(d0, d1) -> (0, 0, 0, 0, 0)>
#map2 = affine_map<(d0, d1) -> (0, 0, 0)>
module attributes {stable_mosaic.version = 14 : i64} {
  func.func @_sc_body(%arg0: i32, %arg1: i32, %arg2: memref<10000x128xf32, #tpu.memory_space<hbm>>, %arg3: memref<2x16x10x8x128xi32, #tpu.memory_space<hbm>>, %arg4: memref<2x16x10x8x128xi32, #tpu.memory_space<hbm>>, %arg5: memref<2x16x10x8x128xf32, #tpu.memory_space<hbm>>, %arg6: memref<10240x128xf32, #tpu.memory_space<hbm>>, %arg7: memref<2x10240x128xf32, #tpu.memory_space<hbm>>, %arg8: memref<2x8x128xi32, #tpu.memory_space<vmem>>, %arg9: memref<2x8x128xi32, #tpu.memory_space<vmem>>, %arg10: memref<2x8x128xf32, #tpu.memory_space<vmem>>, %arg11: memref<256x128xf32, #tpu.memory_space<vmem>>, %arg12: memref<10240x128xf32, #tpu.memory_space<vmem_shared>>, %arg13: memref<2x!tpu.dma_semaphore, #tpu.memory_space<semaphore_mem>>, %arg14: memref<2x!tpu.dma_semaphore, #tpu.memory_space<semaphore_mem>>, %arg15: memref<2x!tpu.dma_semaphore, #tpu.memory_space<semaphore_mem>>) attributes {dimension_semantics = [#tpu.dimension_semantics<core_parallel>, #tpu.dimension_semantics<subcore_parallel>], iteration_bounds = array<i64: 2, 16>, scalar_prefetch = 0 : i64, scratch_operands = 8 : i64, tpu.core_type = #tpu.core_type<sc_vector_subcore>, window_params = [{transform_indices = #map}, {transform_indices = #map1}, {transform_indices = #map1}, {transform_indices = #map1}, {transform_indices = #map}, {transform_indices = #map2}]} {
    %mul3A = arith.constant 640 : i32
    %mul3A_0 = arith.muli %arg1, %mul3A : i32
    %mul3A_1 = arith.constant 640 : i32
    %mul3A_2 = arith.muli %arg1, %mul3A_1 : i32
    "tpu.region"() ({
      %run_scoped3A_143 = tpu.sem_alloc : memref<!tpu.dma_semaphore, #tpu.memory_space<semaphore_mem>>
      %dma_start3A_144 = arith.constant 0 : i32
      %dma_start3A_145 = tpu.memref_slice %arg12[%mul3A_2, %dma_start3A_144] : memref<10240x128xf32, #tpu.memory_space<vmem_shared>> -> memref<640x128xf32, #tpu.memory_space<vmem_shared>>
      %dma_start3A_146 = arith.constant 0 : i32
      %dma_start3A_147 = tpu.memref_slice %arg6[%mul3A_0, %dma_start3A_146] : memref<10240x128xf32, #tpu.memory_space<hbm>> -> memref<640x128xf32, #tpu.memory_space<hbm>>
      tpu.enqueue_dma source(%dma_start3A_147 : memref<640x128xf32, #tpu.memory_space<hbm>>) target(%dma_start3A_145 : memref<640x128xf32, #tpu.memory_space<vmem_shared>>) target_semaphore(%run_scoped3A_143 : memref<!tpu.dma_semaphore, #tpu.memory_space<semaphore_mem>>)
      %dma_wait3A_148 = arith.constant 0 : i32
      %dma_wait3A_149 = tpu.memref_slice %arg12[%mul3A_2, %dma_wait3A_148] : memref<10240x128xf32, #tpu.memory_space<vmem_shared>> -> memref<640x128xf32, #tpu.memory_space<vmem_shared>>
      %dma_wait3A_150 = arith.constant 0 : i32
      %dma_wait3A_151 = tpu.memref_slice %arg6[%mul3A_0, %dma_wait3A_150] : memref<10240x128xf32, #tpu.memory_space<hbm>> -> memref<640x128xf32, #tpu.memory_space<hbm>>
      tpu.wait_dma2 semaphore(%run_scoped3A_143 : memref<!tpu.dma_semaphore, #tpu.memory_space<semaphore_mem>>) src(%dma_wait3A_151 : memref<640x128xf32, #tpu.memory_space<hbm>>) dst(%dma_wait3A_149 : memref<640x128xf32, #tpu.memory_space<vmem_shared>>)
      tpu.yield
    }) : () -> ()
    %run_scoped3A = arith.constant 0 : i32
    %run_scoped3A_3 = arith.constant 0 : i32
    "tpu.region"() ({
      %run_scoped3A_143 = tpu.sem_alloc : memref<!tpu.dma_semaphore, #tpu.memory_space<semaphore_mem>>
      %dma_start3A_144 = arith.constant 0 : i32
      %dma_start3A_145 = arith.constant 0 : i32
      %dma_start3A_146 = tpu.memref_slice %arg8[%run_scoped3A_3, %dma_start3A_144, %dma_start3A_145] : memref<2x8x128xi32, #tpu.memory_space<vmem>> -> memref<1x8x128xi32, #tpu.memory_space<vmem>>
      %dma_start3A_147 = tpu.memref_squeeze %dma_start3A_146 : memref<1x8x128xi32, #tpu.memory_space<vmem>> -> memref<8x128xi32, #tpu.memory_space<vmem>>
      %dma_start3A_148 = arith.constant 0 : i32
      %dma_start3A_149 = arith.constant 0 : i32
      %dma_start3A_150 = tpu.memref_slice %arg3[%arg0, %arg1, %run_scoped3A, %dma_start3A_148, %dma_start3A_149] : memref<2x16x10x8x128xi32, #tpu.memory_space<hbm>> -> memref<1x1x1x8x128xi32, #tpu.memory_space<hbm>>
      %dma_start3A_151 = tpu.memref_squeeze %dma_start3A_150 : memref<1x1x1x8x128xi32, #tpu.memory_space<hbm>> -> memref<8x128xi32, #tpu.memory_space<hbm>>
      %dma_start3A_152 = arith.constant 0 : i32
      %dma_start3A_153 = arith.constant 0 : i32
      %dma_start3A_154 = tpu.memref_slice %arg8[%run_scoped3A_3, %dma_start3A_152, %dma_start3A_153] : memref<2x8x128xi32, #tpu.memory_space<vmem>> -> memref<1x8x128xi32, #tpu.memory_space<vmem>>
      %dma_start3A_155 = tpu.memref_squeeze %dma_start3A_154 : memref<1x8x128xi32, #tpu.memory_space<vmem>> -> memref<8x128xi32, #tpu.memory_space<vmem>>
      %dma_start3A_156 = arith.constant 0 : i32
      %dma_start3A_157 = arith.constant 0 : i32
      %dma_start3A_158 = tpu.memref_slice %arg3[%arg0, %arg1, %run_scoped3A, %dma_start3A_156, %dma_start3A_157] : memref<2x16x10x8x128xi32, #tpu.memory_space<hbm>> -> memref<1x1x1x8x128xi32, #tpu.memory_space<hbm>>
      %dma_start3A_159 = tpu.memref_squeeze %dma_start3A_158 : memref<1x1x1x8x128xi32, #tpu.memory_space<hbm>> -> memref<8x128xi32, #tpu.memory_space<hbm>>
      tpu.enqueue_dma source(%dma_start3A_159 : memref<8x128xi32, #tpu.memory_space<hbm>>) target(%dma_start3A_155 : memref<8x128xi32, #tpu.memory_space<vmem>>) target_semaphore(%run_scoped3A_143 : memref<!tpu.dma_semaphore, #tpu.memory_space<semaphore_mem>>)
      %dma_wait3A_160 = arith.constant 0 : i32
      %dma_wait3A_161 = arith.constant 0 : i32
      %dma_wait3A_162 = tpu.memref_slice %arg8[%run_scoped3A_3, %dma_wait3A_160, %dma_wait3A_161] : memref<2x8x128xi32, #tpu.memory_space<vmem>> -> memref<1x8x128xi32, #tpu.memory_space<vmem>>
      %dma_wait3A_163 = tpu.memref_squeeze %dma_wait3A_162 : memref<1x8x128xi32, #tpu.memory_space<vmem>> -> memref<8x128xi32, #tpu.memory_space<vmem>>
      %dma_wait3A_164 = arith.constant 0 : i32
      %dma_wait3A_165 = arith.constant 0 : i32
      %dma_wait3A_166 = tpu.memref_slice %arg3[%arg0, %arg1, %run_scoped3A, %dma_wait3A_164, %dma_wait3A_165] : memref<2x16x10x8x128xi32, #tpu.memory_space<hbm>> -> memref<1x1x1x8x128xi32, #tpu.memory_space<hbm>>
      %dma_wait3A_167 = tpu.memref_squeeze %dma_wait3A_166 : memref<1x1x1x8x128xi32, #tpu.memory_space<hbm>> -> memref<8x128xi32, #tpu.memory_space<hbm>>
      %dma_wait3A_168 = arith.constant 0 : i32
      %dma_wait3A_169 = arith.constant 0 : i32
      %dma_wait3A_170 = tpu.memref_slice %arg8[%run_scoped3A_3, %dma_wait3A_168, %dma_wait3A_169] : memref<2x8x128xi32, #tpu.memory_space<vmem>> -> memref<1x8x128xi32, #tpu.memory_space<vmem>>
      %dma_wait3A_171 = tpu.memref_squeeze %dma_wait3A_170 : memref<1x8x128xi32, #tpu.memory_space<vmem>> -> memref<8x128xi32, #tpu.memory_space<vmem>>
      %dma_wait3A_172 = arith.constant 0 : i32
      %dma_wait3A_173 = arith.constant 0 : i32
      %dma_wait3A_174 = tpu.memref_slice %arg3[%arg0, %arg1, %run_scoped3A, %dma_wait3A_172, %dma_wait3A_173] : memref<2x16x10x8x128xi32, #tpu.memory_space<hbm>> -> memref<1x1x1x8x128xi32, #tpu.memory_space<hbm>>
      %dma_wait3A_175 = tpu.memref_squeeze %dma_wait3A_174 : memref<1x1x1x8x128xi32, #tpu.memory_space<hbm>> -> memref<8x128xi32, #tpu.memory_space<hbm>>
      tpu.wait_dma2 semaphore(%run_scoped3A_143 : memref<!tpu.dma_semaphore, #tpu.memory_space<semaphore_mem>>) src(%dma_wait3A_175 : memref<8x128xi32, #tpu.memory_space<hbm>>) dst(%dma_wait3A_171 : memref<8x128xi32, #tpu.memory_space<vmem>>)
      tpu.yield
    }) : () -> ()
    %run_scoped3A_4 = arith.constant 0 : i32
    %run_scoped3A_5 = arith.constant 0 : i32
    "tpu.region"() ({
      %run_scoped3A_143 = tpu.sem_alloc : memref<!tpu.dma_semaphore, #tpu.memory_space<semaphore_mem>>
      %dma_start3A_144 = arith.constant 0 : i32
      %dma_start3A_145 = arith.constant 0 : i32
      %dma_start3A_146 = tpu.memref_slice %arg9[%run_scoped3A_5, %dma_start3A_144, %dma_start3A_145] : memref<2x8x128xi32, #tpu.memory_space<vmem>> -> memref<1x8x128xi32, #tpu.memory_space<vmem>>
      %dma_start3A_147 = tpu.memref_squeeze %dma_start3A_146 : memref<1x8x128xi32, #tpu.memory_space<vmem>> -> memref<8x128xi32, #tpu.memory_space<vmem>>
      %dma_start3A_148 = arith.constant 0 : i32
      %dma_start3A_149 = arith.constant 0 : i32
      %dma_start3A_150 = tpu.memref_slice %arg4[%arg0, %arg1, %run_scoped3A_4, %dma_start3A_148, %dma_start3A_149] : memref<2x16x10x8x128xi32, #tpu.memory_space<hbm>> -> memref<1x1x1x8x128xi32, #tpu.memory_space<hbm>>
      %dma_start3A_151 = tpu.memref_squeeze %dma_start3A_150 : memref<1x1x1x8x128xi32, #tpu.memory_space<hbm>> -> memref<8x128xi32, #tpu.memory_space<hbm>>
      %dma_start3A_152 = arith.constant 0 : i32
      %dma_start3A_153 = arith.constant 0 : i32
      %dma_start3A_154 = tpu.memref_slice %arg9[%run_scoped3A_5, %dma_start3A_152, %dma_start3A_153] : memref<2x8x128xi32, #tpu.memory_space<vmem>> -> memref<1x8x128xi32, #tpu.memory_space<vmem>>
      %dma_start3A_155 = tpu.memref_squeeze %dma_start3A_154 : memref<1x8x128xi32, #tpu.memory_space<vmem>> -> memref<8x128xi32, #tpu.memory_space<vmem>>
      %dma_start3A_156 = arith.constant 0 : i32
      %dma_start3A_157 = arith.constant 0 : i32
      %dma_start3A_158 = tpu.memref_slice %arg4[%arg0, %arg1, %run_scoped3A_4, %dma_start3A_156, %dma_start3A_157] : memref<2x16x10x8x128xi32, #tpu.memory_space<hbm>> -> memref<1x1x1x8x128xi32, #tpu.memory_space<hbm>>
      %dma_start3A_159 = tpu.memref_squeeze %dma_start3A_158 : memref<1x1x1x8x128xi32, #tpu.memory_space<hbm>> -> memref<8x128xi32, #tpu.memory_space<hbm>>
      tpu.enqueue_dma source(%dma_start3A_159 : memref<8x128xi32, #tpu.memory_space<hbm>>) target(%dma_start3A_155 : memref<8x128xi32, #tpu.memory_space<vmem>>) target_semaphore(%run_scoped3A_143 : memref<!tpu.dma_semaphore, #tpu.memory_space<semaphore_mem>>)
      %dma_wait3A_160 = arith.constant 0 : i32
      %dma_wait3A_161 = arith.constant 0 : i32
      %dma_wait3A_162 = tpu.memref_slice %arg9[%run_scoped3A_5, %dma_wait3A_160, %dma_wait3A_161] : memref<2x8x128xi32, #tpu.memory_space<vmem>> -> memref<1x8x128xi32, #tpu.memory_space<vmem>>
      %dma_wait3A_163 = tpu.memref_squeeze %dma_wait3A_162 : memref<1x8x128xi32, #tpu.memory_space<vmem>> -> memref<8x128xi32, #tpu.memory_space<vmem>>
      %dma_wait3A_164 = arith.constant 0 : i32
      %dma_wait3A_165 = arith.constant 0 : i32
      %dma_wait3A_166 = tpu.memref_slice %arg4[%arg0, %arg1, %run_scoped3A_4, %dma_wait3A_164, %dma_wait3A_165] : memref<2x16x10x8x128xi32, #tpu.memory_space<hbm>> -> memref<1x1x1x8x128xi32, #tpu.memory_space<hbm>>
      %dma_wait3A_167 = tpu.memref_squeeze %dma_wait3A_166 : memref<1x1x1x8x128xi32, #tpu.memory_space<hbm>> -> memref<8x128xi32, #tpu.memory_space<hbm>>
      %dma_wait3A_168 = arith.constant 0 : i32
      %dma_wait3A_169 = arith.constant 0 : i32
      %dma_wait3A_170 = tpu.memref_slice %arg9[%run_scoped3A_5, %dma_wait3A_168, %dma_wait3A_169] : memref<2x8x128xi32, #tpu.memory_space<vmem>> -> memref<1x8x128xi32, #tpu.memory_space<vmem>>
      %dma_wait3A_171 = tpu.memref_squeeze %dma_wait3A_170 : memref<1x8x128xi32, #tpu.memory_space<vmem>> -> memref<8x128xi32, #tpu.memory_space<vmem>>
      %dma_wait3A_172 = arith.constant 0 : i32
      %dma_wait3A_173 = arith.constant 0 : i32
      %dma_wait3A_174 = tpu.memref_slice %arg4[%arg0, %arg1, %run_scoped3A_4, %dma_wait3A_172, %dma_wait3A_173] : memref<2x16x10x8x128xi32, #tpu.memory_space<hbm>> -> memref<1x1x1x8x128xi32, #tpu.memory_space<hbm>>
      %dma_wait3A_175 = tpu.memref_squeeze %dma_wait3A_174 : memref<1x1x1x8x128xi32, #tpu.memory_space<hbm>> -> memref<8x128xi32, #tpu.memory_space<hbm>>
      tpu.wait_dma2 semaphore(%run_scoped3A_143 : memref<!tpu.dma_semaphore, #tpu.memory_space<semaphore_mem>>) src(%dma_wait3A_175 : memref<8x128xi32, #tpu.memory_space<hbm>>) dst(%dma_wait3A_171 : memref<8x128xi32, #tpu.memory_space<vmem>>)
      tpu.yield
    }) : () -> ()
    %run_scoped3A_6 = arith.constant 0 : i32
    %run_scoped3A_7 = arith.constant 0 : i32
    "tpu.region"() ({
      %run_scoped3A_143 = tpu.sem_alloc : memref<!tpu.dma_semaphore, #tpu.memory_space<semaphore_mem>>
      %dma_start3A_144 = arith.constant 0 : i32
      %dma_start3A_145 = arith.constant 0 : i32
      %dma_start3A_146 = tpu.memref_slice %arg10[%run_scoped3A_7, %dma_start3A_144, %dma_start3A_145] : memref<2x8x128xf32, #tpu.memory_space<vmem>> -> memref<1x8x128xf32, #tpu.memory_space<vmem>>
      %dma_start3A_147 = tpu.memref_squeeze %dma_start3A_146 : memref<1x8x128xf32, #tpu.memory_space<vmem>> -> memref<8x128xf32, #tpu.memory_space<vmem>>
      %dma_start3A_148 = arith.constant 0 : i32
      %dma_start3A_149 = arith.constant 0 : i32
      %dma_start3A_150 = tpu.memref_slice %arg5[%arg0, %arg1, %run_scoped3A_6, %dma_start3A_148, %dma_start3A_149] : memref<2x16x10x8x128xf32, #tpu.memory_space<hbm>> -> memref<1x1x1x8x128xf32, #tpu.memory_space<hbm>>
      %dma_start3A_151 = tpu.memref_squeeze %dma_start3A_150 : memref<1x1x1x8x128xf32, #tpu.memory_space<hbm>> -> memref<8x128xf32, #tpu.memory_space<hbm>>
      %dma_start3A_152 = arith.constant 0 : i32
      %dma_start3A_153 = arith.constant 0 : i32
      %dma_start3A_154 = tpu.memref_slice %arg10[%run_scoped3A_7, %dma_start3A_152, %dma_start3A_153] : memref<2x8x128xf32, #tpu.memory_space<vmem>> -> memref<1x8x128xf32, #tpu.memory_space<vmem>>
      %dma_start3A_155 = tpu.memref_squeeze %dma_start3A_154 : memref<1x8x128xf32, #tpu.memory_space<vmem>> -> memref<8x128xf32, #tpu.memory_space<vmem>>
      %dma_start3A_156 = arith.constant 0 : i32
      %dma_start3A_157 = arith.constant 0 : i32
      %dma_start3A_158 = tpu.memref_slice %arg5[%arg0, %arg1, %run_scoped3A_6, %dma_start3A_156, %dma_start3A_157] : memref<2x16x10x8x128xf32, #tpu.memory_space<hbm>> -> memref<1x1x1x8x128xf32, #tpu.memory_space<hbm>>
      %dma_start3A_159 = tpu.memref_squeeze %dma_start3A_158 : memref<1x1x1x8x128xf32, #tpu.memory_space<hbm>> -> memref<8x128xf32, #tpu.memory_space<hbm>>
      tpu.enqueue_dma source(%dma_start3A_159 : memref<8x128xf32, #tpu.memory_space<hbm>>) target(%dma_start3A_155 : memref<8x128xf32, #tpu.memory_space<vmem>>) target_semaphore(%run_scoped3A_143 : memref<!tpu.dma_semaphore, #tpu.memory_space<semaphore_mem>>)
      %dma_wait3A_160 = arith.constant 0 : i32
      %dma_wait3A_161 = arith.constant 0 : i32
      %dma_wait3A_162 = tpu.memref_slice %arg10[%run_scoped3A_7, %dma_wait3A_160, %dma_wait3A_161] : memref<2x8x128xf32, #tpu.memory_space<vmem>> -> memref<1x8x128xf32, #tpu.memory_space<vmem>>
      %dma_wait3A_163 = tpu.memref_squeeze %dma_wait3A_162 : memref<1x8x128xf32, #tpu.memory_space<vmem>> -> memref<8x128xf32, #tpu.memory_space<vmem>>
      %dma_wait3A_164 = arith.constant 0 : i32
      %dma_wait3A_165 = arith.constant 0 : i32
      %dma_wait3A_166 = tpu.memref_slice %arg5[%arg0, %arg1, %run_scoped3A_6, %dma_wait3A_164, %dma_wait3A_165] : memref<2x16x10x8x128xf32, #tpu.memory_space<hbm>> -> memref<1x1x1x8x128xf32, #tpu.memory_space<hbm>>
      %dma_wait3A_167 = tpu.memref_squeeze %dma_wait3A_166 : memref<1x1x1x8x128xf32, #tpu.memory_space<hbm>> -> memref<8x128xf32, #tpu.memory_space<hbm>>
      %dma_wait3A_168 = arith.constant 0 : i32
      %dma_wait3A_169 = arith.constant 0 : i32
      %dma_wait3A_170 = tpu.memref_slice %arg10[%run_scoped3A_7, %dma_wait3A_168, %dma_wait3A_169] : memref<2x8x128xf32, #tpu.memory_space<vmem>> -> memref<1x8x128xf32, #tpu.memory_space<vmem>>
      %dma_wait3A_171 = tpu.memref_squeeze %dma_wait3A_170 : memref<1x8x128xf32, #tpu.memory_space<vmem>> -> memref<8x128xf32, #tpu.memory_space<vmem>>
      %dma_wait3A_172 = arith.constant 0 : i32
      %dma_wait3A_173 = arith.constant 0 : i32
      %dma_wait3A_174 = tpu.memref_slice %arg5[%arg0, %arg1, %run_scoped3A_6, %dma_wait3A_172, %dma_wait3A_173] : memref<2x16x10x8x128xf32, #tpu.memory_space<hbm>> -> memref<1x1x1x8x128xf32, #tpu.memory_space<hbm>>
      %dma_wait3A_175 = tpu.memref_squeeze %dma_wait3A_174 : memref<1x1x1x8x128xf32, #tpu.memory_space<hbm>> -> memref<8x128xf32, #tpu.memory_space<hbm>>
      tpu.wait_dma2 semaphore(%run_scoped3A_143 : memref<!tpu.dma_semaphore, #tpu.memory_space<semaphore_mem>>) src(%dma_wait3A_175 : memref<8x128xf32, #tpu.memory_space<hbm>>) dst(%dma_wait3A_171 : memref<8x128xf32, #tpu.memory_space<vmem>>)
      tpu.yield
    }) : () -> ()
    %barrier3A = arith.constant 0 : index
    tpu.barrier barrier_id(%barrier3A)
    %dma_start3A = arith.constant 0 : i32
    %dma_start3A_8 = arith.constant 0 : i32
    %dma_start3A_9 = arith.constant 0 : i32
    %dma_start3A_10 = arith.constant 0 : i32
    %dma_start3A_11 = arith.constant 0 : i32
    %dma_start3A_12 = tpu.memref_slice %arg11[%dma_start3A_10, %dma_start3A_11] : memref<256x128xf32, #tpu.memory_space<vmem>> -> memref<16x128xf32, #tpu.memory_space<vmem>>
    %dma_start3A_13 = arith.constant 0 : i32
    %dma_start3A_14 = tpu.memref_slice %arg8[%dma_start3A, %dma_start3A_8, %dma_start3A_13] : memref<2x8x128xi32, #tpu.memory_space<vmem>> -> memref<1x1x16xi32, #tpu.memory_space<vmem>>
    %dma_start3A_15 = tpu.memref_squeeze %dma_start3A_14 : memref<1x1x16xi32, #tpu.memory_space<vmem>> -> memref<16xi32, #tpu.memory_space<vmem>>
    %dma_start3A_16 = arith.constant 0 : i32
    %dma_start3A_17 = arith.constant 0 : i32
    %dma_start3A_18 = tpu.memref_slice %arg2[%dma_start3A_16, %dma_start3A_17] : memref<10000x128xf32, #tpu.memory_space<hbm>> -> memref<10000x128xf32, #tpu.memory_space<hbm>>
    %dma_start3A_19 = tpu.memref_slice %arg13[%dma_start3A_9] : memref<2x!tpu.dma_semaphore, #tpu.memory_space<semaphore_mem>> -> memref<1x!tpu.dma_semaphore, #tpu.memory_space<semaphore_mem>>
    %dma_start3A_20 = tpu.memref_squeeze %dma_start3A_19 : memref<1x!tpu.dma_semaphore, #tpu.memory_space<semaphore_mem>> -> memref<!tpu.dma_semaphore, #tpu.memory_space<semaphore_mem>>
    tpu.enqueue_indirect_dma source(%dma_start3A_18 : memref<10000x128xf32, #tpu.memory_space<hbm>>) target(%dma_start3A_12 : memref<16x128xf32, #tpu.memory_space<vmem>>) offsets(%dma_start3A_15 : memref<16xi32, #tpu.memory_space<vmem>>) semaphore(%dma_start3A_20 : memref<!tpu.dma_semaphore, #tpu.memory_space<semaphore_mem>>)
    %dma_start3A_21 = arith.constant 0 : i32
    %dma_start3A_22 = arith.constant 0 : i32
    %dma_start3A_23 = arith.constant 0 : i32
    %dma_start3A_24 = arith.constant 16 : i32
    %dma_start3A_25 = arith.constant 0 : i32
    %dma_start3A_26 = tpu.memref_slice %arg11[%dma_start3A_24, %dma_start3A_25] : memref<256x128xf32, #tpu.memory_space<vmem>> -> memref<16x128xf32, #tpu.memory_space<vmem>>
    %dma_start3A_27 = arith.constant 16 : i32
    %dma_start3A_28 = tpu.memref_slice %arg8[%dma_start3A_21, %dma_start3A_22, %dma_start3A_27] : memref<2x8x128xi32, #tpu.memory_space<vmem>> -> memref<1x1x16xi32, #tpu.memory_space<vmem>>
    %dma_start3A_29 = tpu.memref_squeeze %dma_start3A_28 : memref<1x1x16xi32, #tpu.memory_space<vmem>> -> memref<16xi32, #tpu.memory_space<vmem>>
    %dma_start3A_30 = arith.constant 0 : i32
    %dma_start3A_31 = arith.constant 0 : i32
    %dma_start3A_32 = tpu.memref_slice %arg2[%dma_start3A_30, %dma_start3A_31] : memref<10000x128xf32, #tpu.memory_space<hbm>> -> memref<10000x128xf32, #tpu.memory_space<hbm>>
    %dma_start3A_33 = tpu.memref_slice %arg13[%dma_start3A_23] : memref<2x!tpu.dma_semaphore, #tpu.memory_space<semaphore_mem>> -> memref<1x!tpu.dma_semaphore, #tpu.memory_space<semaphore_mem>>
    %dma_start3A_34 = tpu.memref_squeeze %dma_start3A_33 : memref<1x!tpu.dma_semaphore, #tpu.memory_space<semaphore_mem>> -> memref<!tpu.dma_semaphore, #tpu.memory_space<semaphore_mem>>
    tpu.enqueue_indirect_dma source(%dma_start3A_32 : memref<10000x128xf32, #tpu.memory_space<hbm>>) target(%dma_start3A_26 : memref<16x128xf32, #tpu.memory_space<vmem>>) offsets(%dma_start3A_29 : memref<16xi32, #tpu.memory_space<vmem>>) semaphore(%dma_start3A_34 : memref<!tpu.dma_semaphore, #tpu.memory_space<semaphore_mem>>)
    %dma_start3A_35 = arith.constant 0 : i32
    %dma_start3A_36 = arith.constant 0 : i32
    %dma_start3A_37 = arith.constant 0 : i32
    %dma_start3A_38 = arith.constant 32 : i32
    %dma_start3A_39 = arith.constant 0 : i32
    %dma_start3A_40 = tpu.memref_slice %arg11[%dma_start3A_38, %dma_start3A_39] : memref<256x128xf32, #tpu.memory_space<vmem>> -> memref<16x128xf32, #tpu.memory_space<vmem>>
    %dma_start3A_41 = arith.constant 32 : i32
    %dma_start3A_42 = tpu.memref_slice %arg8[%dma_start3A_35, %dma_start3A_36, %dma_start3A_41] : memref<2x8x128xi32, #tpu.memory_space<vmem>> -> memref<1x1x16xi32, #tpu.memory_space<vmem>>
    %dma_start3A_43 = tpu.memref_squeeze %dma_start3A_42 : memref<1x1x16xi32, #tpu.memory_space<vmem>> -> memref<16xi32, #tpu.memory_space<vmem>>
    %dma_start3A_44 = arith.constant 0 : i32
    %dma_start3A_45 = arith.constant 0 : i32
    %dma_start3A_46 = tpu.memref_slice %arg2[%dma_start3A_44, %dma_start3A_45] : memref<10000x128xf32, #tpu.memory_space<hbm>> -> memref<10000x128xf32, #tpu.memory_space<hbm>>
    %dma_start3A_47 = tpu.memref_slice %arg13[%dma_start3A_37] : memref<2x!tpu.dma_semaphore, #tpu.memory_space<semaphore_mem>> -> memref<1x!tpu.dma_semaphore, #tpu.memory_space<semaphore_mem>>
    %dma_start3A_48 = tpu.memref_squeeze %dma_start3A_47 : memref<1x!tpu.dma_semaphore, #tpu.memory_space<semaphore_mem>> -> memref<!tpu.dma_semaphore, #tpu.memory_space<semaphore_mem>>
    tpu.enqueue_indirect_dma source(%dma_start3A_46 : memref<10000x128xf32, #tpu.memory_space<hbm>>) target(%dma_start3A_40 : memref<16x128xf32, #tpu.memory_space<vmem>>) offsets(%dma_start3A_43 : memref<16xi32, #tpu.memory_space<vmem>>) semaphore(%dma_start3A_48 : memref<!tpu.dma_semaphore, #tpu.memory_space<semaphore_mem>>)
    %dma_start3A_49 = arith.constant 0 : i32
    %dma_start3A_50 = arith.constant 0 : i32
    %dma_start3A_51 = arith.constant 0 : i32
    %dma_start3A_52 = arith.constant 48 : i32
    %dma_start3A_53 = arith.constant 0 : i32
    %dma_start3A_54 = tpu.memref_slice %arg11[%dma_start3A_52, %dma_start3A_53] : memref<256x128xf32, #tpu.memory_space<vmem>> -> memref<16x128xf32, #tpu.memory_space<vmem>>
    %dma_start3A_55 = arith.constant 48 : i32
    %dma_start3A_56 = tpu.memref_slice %arg8[%dma_start3A_49, %dma_start3A_50, %dma_start3A_55] : memref<2x8x128xi32, #tpu.memory_space<vmem>> -> memref<1x1x16xi32, #tpu.memory_space<vmem>>
    %dma_start3A_57 = tpu.memref_squeeze %dma_start3A_56 : memref<1x1x16xi32, #tpu.memory_space<vmem>> -> memref<16xi32, #tpu.memory_space<vmem>>
    %dma_start3A_58 = arith.constant 0 : i32
    %dma_start3A_59 = arith.constant 0 : i32
    %dma_start3A_60 = tpu.memref_slice %arg2[%dma_start3A_58, %dma_start3A_59] : memref<10000x128xf32, #tpu.memory_space<hbm>> -> memref<10000x128xf32, #tpu.memory_space<hbm>>
    %dma_start3A_61 = tpu.memref_slice %arg13[%dma_start3A_51] : memref<2x!tpu.dma_semaphore, #tpu.memory_space<semaphore_mem>> -> memref<1x!tpu.dma_semaphore, #tpu.memory_space<semaphore_mem>>
    %dma_start3A_62 = tpu.memref_squeeze %dma_start3A_61 : memref<1x!tpu.dma_semaphore, #tpu.memory_space<semaphore_mem>> -> memref<!tpu.dma_semaphore, #tpu.memory_space<semaphore_mem>>
    tpu.enqueue_indirect_dma source(%dma_start3A_60 : memref<10000x128xf32, #tpu.memory_space<hbm>>) target(%dma_start3A_54 : memref<16x128xf32, #tpu.memory_space<vmem>>) offsets(%dma_start3A_57 : memref<16xi32, #tpu.memory_space<vmem>>) semaphore(%dma_start3A_62 : memref<!tpu.dma_semaphore, #tpu.memory_space<semaphore_mem>>)
    %dma_start3A_63 = arith.constant 0 : i32
    %dma_start3A_64 = arith.constant 0 : i32
    %dma_start3A_65 = arith.constant 0 : i32
    %dma_start3A_66 = arith.constant 64 : i32
    %dma_start3A_67 = arith.constant 0 : i32
    %dma_start3A_68 = tpu.memref_slice %arg11[%dma_start3A_66, %dma_start3A_67] : memref<256x128xf32, #tpu.memory_space<vmem>> -> memref<16x128xf32, #tpu.memory_space<vmem>>
    %dma_start3A_69 = arith.constant 64 : i32
    %dma_start3A_70 = tpu.memref_slice %arg8[%dma_start3A_63, %dma_start3A_64, %dma_start3A_69] : memref<2x8x128xi32, #tpu.memory_space<vmem>> -> memref<1x1x16xi32, #tpu.memory_space<vmem>>
    %dma_start3A_71 = tpu.memref_squeeze %dma_start3A_70 : memref<1x1x16xi32, #tpu.memory_space<vmem>> -> memref<16xi32, #tpu.memory_space<vmem>>
    %dma_start3A_72 = arith.constant 0 : i32
    %dma_start3A_73 = arith.constant 0 : i32
    %dma_start3A_74 = tpu.memref_slice %arg2[%dma_start3A_72, %dma_start3A_73] : memref<10000x128xf32, #tpu.memory_space<hbm>> -> memref<10000x128xf32, #tpu.memory_space<hbm>>
    %dma_start3A_75 = tpu.memref_slice %arg13[%dma_start3A_65] : memref<2x!tpu.dma_semaphore, #tpu.memory_space<semaphore_mem>> -> memref<1x!tpu.dma_semaphore, #tpu.memory_space<semaphore_mem>>
    %dma_start3A_76 = tpu.memref_squeeze %dma_start3A_75 : memref<1x!tpu.dma_semaphore, #tpu.memory_space<semaphore_mem>> -> memref<!tpu.dma_semaphore, #tpu.memory_space<semaphore_mem>>
    tpu.enqueue_indirect_dma source(%dma_start3A_74 : memref<10000x128xf32, #tpu.memory_space<hbm>>) target(%dma_start3A_68 : memref<16x128xf32, #tpu.memory_space<vmem>>) offsets(%dma_start3A_71 : memref<16xi32, #tpu.memory_space<vmem>>) semaphore(%dma_start3A_76 : memref<!tpu.dma_semaphore, #tpu.memory_space<semaphore_mem>>)
    %dma_start3A_77 = arith.constant 0 : i32
    %dma_start3A_78 = arith.constant 0 : i32
    %dma_start3A_79 = arith.constant 0 : i32
    %dma_start3A_80 = arith.constant 80 : i32
    %dma_start3A_81 = arith.constant 0 : i32
    %dma_start3A_82 = tpu.memref_slice %arg11[%dma_start3A_80, %dma_start3A_81] : memref<256x128xf32, #tpu.memory_space<vmem>> -> memref<16x128xf32, #tpu.memory_space<vmem>>
    %dma_start3A_83 = arith.constant 80 : i32
    %dma_start3A_84 = tpu.memref_slice %arg8[%dma_start3A_77, %dma_start3A_78, %dma_start3A_83] : memref<2x8x128xi32, #tpu.memory_space<vmem>> -> memref<1x1x16xi32, #tpu.memory_space<vmem>>
    %dma_start3A_85 = tpu.memref_squeeze %dma_start3A_84 : memref<1x1x16xi32, #tpu.memory_space<vmem>> -> memref<16xi32, #tpu.memory_space<vmem>>
    %dma_start3A_86 = arith.constant 0 : i32
    %dma_start3A_87 = arith.constant 0 : i32
    %dma_start3A_88 = tpu.memref_slice %arg2[%dma_start3A_86, %dma_start3A_87] : memref<10000x128xf32, #tpu.memory_space<hbm>> -> memref<10000x128xf32, #tpu.memory_space<hbm>>
    %dma_start3A_89 = tpu.memref_slice %arg13[%dma_start3A_79] : memref<2x!tpu.dma_semaphore, #tpu.memory_space<semaphore_mem>> -> memref<1x!tpu.dma_semaphore, #tpu.memory_space<semaphore_mem>>
    %dma_start3A_90 = tpu.memref_squeeze %dma_start3A_89 : memref<1x!tpu.dma_semaphore, #tpu.memory_space<semaphore_mem>> -> memref<!tpu.dma_semaphore, #tpu.memory_space<semaphore_mem>>
    tpu.enqueue_indirect_dma source(%dma_start3A_88 : memref<10000x128xf32, #tpu.memory_space<hbm>>) target(%dma_start3A_82 : memref<16x128xf32, #tpu.memory_space<vmem>>) offsets(%dma_start3A_85 : memref<16xi32, #tpu.memory_space<vmem>>) semaphore(%dma_start3A_90 : memref<!tpu.dma_semaphore, #tpu.memory_space<semaphore_mem>>)
    %dma_start3A_91 = arith.constant 0 : i32
    %dma_start3A_92 = arith.constant 0 : i32
    %dma_start3A_93 = arith.constant 0 : i32
    %dma_start3A_94 = arith.constant 96 : i32
    %dma_start3A_95 = arith.constant 0 : i32
    %dma_start3A_96 = tpu.memref_slice %arg11[%dma_start3A_94, %dma_start3A_95] : memref<256x128xf32, #tpu.memory_space<vmem>> -> memref<16x128xf32, #tpu.memory_space<vmem>>
    %dma_start3A_97 = arith.constant 96 : i32
    %dma_start3A_98 = tpu.memref_slice %arg8[%dma_start3A_91, %dma_start3A_92, %dma_start3A_97] : memref<2x8x128xi32, #tpu.memory_space<vmem>> -> memref<1x1x16xi32, #tpu.memory_space<vmem>>
    %dma_start3A_99 = tpu.memref_squeeze %dma_start3A_98 : memref<1x1x16xi32, #tpu.memory_space<vmem>> -> memref<16xi32, #tpu.memory_space<vmem>>
    %dma_start3A_100 = arith.constant 0 : i32
    %dma_start3A_101 = arith.constant 0 : i32
    %dma_start3A_102 = tpu.memref_slice %arg2[%dma_start3A_100, %dma_start3A_101] : memref<10000x128xf32, #tpu.memory_space<hbm>> -> memref<10000x128xf32, #tpu.memory_space<hbm>>
    %dma_start3A_103 = tpu.memref_slice %arg13[%dma_start3A_93] : memref<2x!tpu.dma_semaphore, #tpu.memory_space<semaphore_mem>> -> memref<1x!tpu.dma_semaphore, #tpu.memory_space<semaphore_mem>>
    %dma_start3A_104 = tpu.memref_squeeze %dma_start3A_103 : memref<1x!tpu.dma_semaphore, #tpu.memory_space<semaphore_mem>> -> memref<!tpu.dma_semaphore, #tpu.memory_space<semaphore_mem>>
    tpu.enqueue_indirect_dma source(%dma_start3A_102 : memref<10000x128xf32, #tpu.memory_space<hbm>>) target(%dma_start3A_96 : memref<16x128xf32, #tpu.memory_space<vmem>>) offsets(%dma_start3A_99 : memref<16xi32, #tpu.memory_space<vmem>>) semaphore(%dma_start3A_104 : memref<!tpu.dma_semaphore, #tpu.memory_space<semaphore_mem>>)
    %dma_start3A_105 = arith.constant 0 : i32
    %dma_start3A_106 = arith.constant 0 : i32
    %dma_start3A_107 = arith.constant 0 : i32
    %dma_start3A_108 = arith.constant 112 : i32
    %dma_start3A_109 = arith.constant 0 : i32
    %dma_start3A_110 = tpu.memref_slice %arg11[%dma_start3A_108, %dma_start3A_109] : memref<256x128xf32, #tpu.memory_space<vmem>> -> memref<16x128xf32, #tpu.memory_space<vmem>>
    %dma_start3A_111 = arith.constant 112 : i32
    %dma_start3A_112 = tpu.memref_slice %arg8[%dma_start3A_105, %dma_start3A_106, %dma_start3A_111] : memref<2x8x128xi32, #tpu.memory_space<vmem>> -> memref<1x1x16xi32, #tpu.memory_space<vmem>>
    %dma_start3A_113 = tpu.memref_squeeze %dma_start3A_112 : memref<1x1x16xi32, #tpu.memory_space<vmem>> -> memref<16xi32, #tpu.memory_space<vmem>>
    %dma_start3A_114 = arith.constant 0 : i32
    %dma_start3A_115 = arith.constant 0 : i32
    %dma_start3A_116 = tpu.memref_slice %arg2[%dma_start3A_114, %dma_start3A_115] : memref<10000x128xf32, #tpu.memory_space<hbm>> -> memref<10000x128xf32, #tpu.memory_space<hbm>>
    %dma_start3A_117 = tpu.memref_slice %arg13[%dma_start3A_107] : memref<2x!tpu.dma_semaphore, #tpu.memory_space<semaphore_mem>> -> memref<1x!tpu.dma_semaphore, #tpu.memory_space<semaphore_mem>>
    %dma_start3A_118 = tpu.memref_squeeze %dma_start3A_117 : memref<1x!tpu.dma_semaphore, #tpu.memory_space<semaphore_mem>> -> memref<!tpu.dma_semaphore, #tpu.memory_space<semaphore_mem>>
    tpu.enqueue_indirect_dma source(%dma_start3A_116 : memref<10000x128xf32, #tpu.memory_space<hbm>>) target(%dma_start3A_110 : memref<16x128xf32, #tpu.memory_space<vmem>>) offsets(%dma_start3A_113 : memref<16xi32, #tpu.memory_space<vmem>>) semaphore(%dma_start3A_118 : memref<!tpu.dma_semaphore, #tpu.memory_space<semaphore_mem>>)
    %scan3A = arith.constant 0 : i32
    %scan3A_119 = arith.constant 0 : i32
    %scan3A_120 = arith.constant 10 : i32
    %scan3A_121 = arith.addi %scan3A_119, %scan3A_120 : i32
    %scan3A_122 = arith.constant 1 : i32
    %scan3A_123 = scf.for %scan3A_143 = %scan3A_119 to %scan3A_121 step %scan3A_122 iter_args(%scan3A_144 = %scan3A) -> (i32)  : i32 {
      %rem3A = arith.constant 2 : i32
      %rem3A_145 = arith.remsi %scan3A_143, %rem3A : i32
      %sub3A = arith.constant 1 : i32
      %sub3A_146 = arith.subi %sub3A, %rem3A_145 : i32
      %scan3A_147 = arith.constant 0 : i32
      %scan3A_148 = arith.constant 0 : i32
      %scan3A_149 = arith.constant 8 : i32
      %scan3A_150 = arith.addi %scan3A_148, %scan3A_149 : i32
      %scan3A_151 = arith.constant 1 : i32
      %scan3A_152 = scf.for %scan3A_155 = %scan3A_148 to %scan3A_150 step %scan3A_151 iter_args(%scan3A_156 = %scan3A_147) -> (i32)  : i32 {
        %mul3A_157 = arith.constant 8 : i32
        %mul3A_158 = arith.muli %scan3A_143, %mul3A_157 : i32
        %add3A = arith.addi %mul3A_158, %scan3A_155 : i32
        %rem3A_159 = arith.constant 2 : i32
        %rem3A_160 = arith.remsi %add3A, %rem3A_159 : i32
        %sub3A_161 = arith.constant 1 : i32
        %sub3A_162 = arith.subi %sub3A_161, %rem3A_160 : i32
        %ge3A = arith.constant 1 : i32
        %ge3A_163 = arith.cmpi sge, %add3A, %ge3A : i32
        %convert_element_type3A = arith.extui %ge3A_163 : i1 to i32
        %cond3A = arith.constant 0 : i32
        %cond3A_164 = arith.cmpi ne, %convert_element_type3A, %cond3A : i32
        scf.if %cond3A_164 {
          %sub3A_323 = arith.constant 1 : i32
          %sub3A_324 = arith.subi %add3A, %sub3A_323 : i32
          %jit3A = arith.constant 8 : i32
          %div3A = arith.divsi %sub3A_324, %jit3A : i32
          %sign3A = arith.constant 0 : i32
          %sign3A_325 = arith.cmpi sgt, %sub3A_324, %sign3A : i32
          %sign3A_326 = arith.extui %sign3A_325 : i1 to i32
          %sign3A_327 = arith.constant 0 : i32
          %sign3A_328 = arith.cmpi slt, %sub3A_324, %sign3A_327 : i32
          %sign3A_329 = arith.extui %sign3A_328 : i1 to i32
          %sign3A_330 = arith.subi %sign3A_326, %sign3A_329 : i32
          %sign3A_331 = arith.constant 0 : i32
          %sign3A_332 = arith.cmpi sgt, %jit3A, %sign3A_331 : i32
          %sign3A_333 = arith.extui %sign3A_332 : i1 to i32
          %sign3A_334 = arith.constant 0 : i32
          %sign3A_335 = arith.cmpi slt, %jit3A, %sign3A_334 : i32
          %sign3A_336 = arith.extui %sign3A_335 : i1 to i32
          %sign3A_337 = arith.subi %sign3A_333, %sign3A_336 : i32
          %ne3A = arith.cmpi ne, %sign3A_330, %sign3A_337 : i32
          %rem3A_338 = arith.remsi %sub3A_324, %jit3A : i32
          %ne3A_339 = arith.constant 0 : i32
          %ne3A_340 = arith.cmpi ne, %rem3A_338, %ne3A_339 : i32
          %and3A_341 = arith.andi %ne3A, %ne3A_340 : i1
          %sub3A_342 = arith.constant 1 : i32
          %sub3A_343 = arith.subi %div3A, %sub3A_342 : i32
          %select_n3A = arith.select %and3A_341, %sub3A_343, %div3A : i32
          %rem3A_344 = arith.constant 2 : i32
          %rem3A_345 = arith.remsi %select_n3A, %rem3A_344 : i32
          %mul3A_346 = arith.constant 128 : i32
          %mul3A_347 = arith.muli %sub3A_162, %mul3A_346 : i32
          %rem3A_348 = arith.constant 8 : i32
          %rem3A_349 = arith.remsi %sub3A_324, %rem3A_348 : i32
          %dma_wait3A_350 = arith.constant 0 : i32
          %dma_wait3A_351 = tpu.memref_slice %arg11[%mul3A_347, %dma_wait3A_350] : memref<256x128xf32, #tpu.memory_space<vmem>> -> memref<128x128xf32, #tpu.memory_space<vmem>>
          %dma_wait3A_352 = arith.constant 0 : i32
          %dma_wait3A_353 = tpu.memref_slice %arg9[%rem3A_345, %rem3A_349, %dma_wait3A_352] : memref<2x8x128xi32, #tpu.memory_space<vmem>> -> memref<1x1x128xi32, #tpu.memory_space<vmem>>
          %dma_wait3A_354 = tpu.memref_squeeze %dma_wait3A_353 : memref<1x1x128xi32, #tpu.memory_space<vmem>> -> memref<128xi32, #tpu.memory_space<vmem>>
          %dma_wait3A_355 = arith.constant 0 : i32
          %dma_wait3A_356 = arith.constant 0 : i32
          %dma_wait3A_357 = tpu.memref_slice %arg12[%dma_wait3A_355, %dma_wait3A_356] : memref<10240x128xf32, #tpu.memory_space<vmem_shared>> -> memref<10240x128xf32, #tpu.memory_space<vmem_shared>>
          %dma_wait3A_358 = tpu.memref_slice %arg14[%sub3A_162] : memref<2x!tpu.dma_semaphore, #tpu.memory_space<semaphore_mem>> -> memref<1x!tpu.dma_semaphore, #tpu.memory_space<semaphore_mem>>
          %dma_wait3A_359 = tpu.memref_squeeze %dma_wait3A_358 : memref<1x!tpu.dma_semaphore, #tpu.memory_space<semaphore_mem>> -> memref<!tpu.dma_semaphore, #tpu.memory_space<semaphore_mem>>
          tpu.wait_indirect_dma semaphore(%dma_wait3A_359 : memref<!tpu.dma_semaphore, #tpu.memory_space<semaphore_mem>>) src(%dma_wait3A_351 : memref<128x128xf32, #tpu.memory_space<vmem>>) dst(%dma_wait3A_357 : memref<10240x128xf32, #tpu.memory_space<vmem_shared>>)
        } else {
        }
        %eq3A = arith.constant 0 : i32
        %eq3A_165 = arith.cmpi eq, %scan3A_155, %eq3A : i32
        %add3A_166 = arith.constant 1 : i32
        %add3A_167 = arith.addi %scan3A_143, %add3A_166 : i32
        %lt3A = arith.constant 10 : i32
        %lt3A_168 = arith.cmpi slt, %add3A_167, %lt3A : i32
        %and3A = arith.andi %eq3A_165, %lt3A_168 : i1
        %convert_element_type3A_169 = arith.extui %and3A : i1 to i32
        %cond3A_170 = arith.constant 0 : i32
        %cond3A_171 = arith.cmpi ne, %convert_element_type3A_169, %cond3A_170 : i32
        scf.if %cond3A_171 {
          %add3A_323 = arith.constant 1 : i32
          %add3A_324 = arith.addi %scan3A_143, %add3A_323 : i32
          %dma_start3A_325 = arith.constant 0 : i32
          %dma_start3A_326 = arith.constant 0 : i32
          %dma_start3A_327 = tpu.memref_slice %arg8[%sub3A_146, %dma_start3A_325, %dma_start3A_326] : memref<2x8x128xi32, #tpu.memory_space<vmem>> -> memref<1x8x128xi32, #tpu.memory_space<vmem>>
          %dma_start3A_328 = tpu.memref_squeeze %dma_start3A_327 : memref<1x8x128xi32, #tpu.memory_space<vmem>> -> memref<8x128xi32, #tpu.memory_space<vmem>>
          %dma_start3A_329 = arith.constant 0 : i32
          %dma_start3A_330 = arith.constant 0 : i32
          %dma_start3A_331 = tpu.memref_slice %arg3[%arg0, %arg1, %add3A_324, %dma_start3A_329, %dma_start3A_330] : memref<2x16x10x8x128xi32, #tpu.memory_space<hbm>> -> memref<1x1x1x8x128xi32, #tpu.memory_space<hbm>>
          %dma_start3A_332 = tpu.memref_squeeze %dma_start3A_331 : memref<1x1x1x8x128xi32, #tpu.memory_space<hbm>> -> memref<8x128xi32, #tpu.memory_space<hbm>>
          %dma_start3A_333 = tpu.memref_slice %arg15[%sub3A_146] : memref<2x!tpu.dma_semaphore, #tpu.memory_space<semaphore_mem>> -> memref<1x!tpu.dma_semaphore, #tpu.memory_space<semaphore_mem>>
          %dma_start3A_334 = tpu.memref_squeeze %dma_start3A_333 : memref<1x!tpu.dma_semaphore, #tpu.memory_space<semaphore_mem>> -> memref<!tpu.dma_semaphore, #tpu.memory_space<semaphore_mem>>
          %dma_start3A_335 = arith.constant 0 : i32
          %dma_start3A_336 = arith.constant 0 : i32
          %dma_start3A_337 = tpu.memref_slice %arg8[%sub3A_146, %dma_start3A_335, %dma_start3A_336] : memref<2x8x128xi32, #tpu.memory_space<vmem>> -> memref<1x8x128xi32, #tpu.memory_space<vmem>>
          %dma_start3A_338 = tpu.memref_squeeze %dma_start3A_337 : memref<1x8x128xi32, #tpu.memory_space<vmem>> -> memref<8x128xi32, #tpu.memory_space<vmem>>
          %dma_start3A_339 = arith.constant 0 : i32
          %dma_start3A_340 = arith.constant 0 : i32
          %dma_start3A_341 = tpu.memref_slice %arg3[%arg0, %arg1, %add3A_324, %dma_start3A_339, %dma_start3A_340] : memref<2x16x10x8x128xi32, #tpu.memory_space<hbm>> -> memref<1x1x1x8x128xi32, #tpu.memory_space<hbm>>
          %dma_start3A_342 = tpu.memref_squeeze %dma_start3A_341 : memref<1x1x1x8x128xi32, #tpu.memory_space<hbm>> -> memref<8x128xi32, #tpu.memory_space<hbm>>
          tpu.enqueue_dma source(%dma_start3A_342 : memref<8x128xi32, #tpu.memory_space<hbm>>) target(%dma_start3A_338 : memref<8x128xi32, #tpu.memory_space<vmem>>) target_semaphore(%dma_start3A_334 : memref<!tpu.dma_semaphore, #tpu.memory_space<semaphore_mem>>)
          %add3A_343 = arith.constant 1 : i32
          %add3A_344 = arith.addi %scan3A_143, %add3A_343 : i32
          %dma_start3A_345 = arith.constant 0 : i32
          %dma_start3A_346 = arith.constant 0 : i32
          %dma_start3A_347 = tpu.memref_slice %arg9[%sub3A_146, %dma_start3A_345, %dma_start3A_346] : memref<2x8x128xi32, #tpu.memory_space<vmem>> -> memref<1x8x128xi32, #tpu.memory_space<vmem>>
          %dma_start3A_348 = tpu.memref_squeeze %dma_start3A_347 : memref<1x8x128xi32, #tpu.memory_space<vmem>> -> memref<8x128xi32, #tpu.memory_space<vmem>>
          %dma_start3A_349 = arith.constant 0 : i32
          %dma_start3A_350 = arith.constant 0 : i32
          %dma_start3A_351 = tpu.memref_slice %arg4[%arg0, %arg1, %add3A_344, %dma_start3A_349, %dma_start3A_350] : memref<2x16x10x8x128xi32, #tpu.memory_space<hbm>> -> memref<1x1x1x8x128xi32, #tpu.memory_space<hbm>>
          %dma_start3A_352 = tpu.memref_squeeze %dma_start3A_351 : memref<1x1x1x8x128xi32, #tpu.memory_space<hbm>> -> memref<8x128xi32, #tpu.memory_space<hbm>>
          %dma_start3A_353 = tpu.memref_slice %arg15[%sub3A_146] : memref<2x!tpu.dma_semaphore, #tpu.memory_space<semaphore_mem>> -> memref<1x!tpu.dma_semaphore, #tpu.memory_space<semaphore_mem>>
          %dma_start3A_354 = tpu.memref_squeeze %dma_start3A_353 : memref<1x!tpu.dma_semaphore, #tpu.memory_space<semaphore_mem>> -> memref<!tpu.dma_semaphore, #tpu.memory_space<semaphore_mem>>
          %dma_start3A_355 = arith.constant 0 : i32
          %dma_start3A_356 = arith.constant 0 : i32
          %dma_start3A_357 = tpu.memref_slice %arg9[%sub3A_146, %dma_start3A_355, %dma_start3A_356] : memref<2x8x128xi32, #tpu.memory_space<vmem>> -> memref<1x8x128xi32, #tpu.memory_space<vmem>>
          %dma_start3A_358 = tpu.memref_squeeze %dma_start3A_357 : memref<1x8x128xi32, #tpu.memory_space<vmem>> -> memref<8x128xi32, #tpu.memory_space<vmem>>
          %dma_start3A_359 = arith.constant 0 : i32
          %dma_start3A_360 = arith.constant 0 : i32
          %dma_start3A_361 = tpu.memref_slice %arg4[%arg0, %arg1, %add3A_344, %dma_start3A_359, %dma_start3A_360] : memref<2x16x10x8x128xi32, #tpu.memory_space<hbm>> -> memref<1x1x1x8x128xi32, #tpu.memory_space<hbm>>
          %dma_start3A_362 = tpu.memref_squeeze %dma_start3A_361 : memref<1x1x1x8x128xi32, #tpu.memory_space<hbm>> -> memref<8x128xi32, #tpu.memory_space<hbm>>
          tpu.enqueue_dma source(%dma_start3A_362 : memref<8x128xi32, #tpu.memory_space<hbm>>) target(%dma_start3A_358 : memref<8x128xi32, #tpu.memory_space<vmem>>) target_semaphore(%dma_start3A_354 : memref<!tpu.dma_semaphore, #tpu.memory_space<semaphore_mem>>)
          %add3A_363 = arith.constant 1 : i32
          %add3A_364 = arith.addi %scan3A_143, %add3A_363 : i32
          %dma_start3A_365 = arith.constant 0 : i32
          %dma_start3A_366 = arith.constant 0 : i32
          %dma_start3A_367 = tpu.memref_slice %arg10[%sub3A_146, %dma_start3A_365, %dma_start3A_366] : memref<2x8x128xf32, #tpu.memory_space<vmem>> -> memref<1x8x128xf32, #tpu.memory_space<vmem>>
          %dma_start3A_368 = tpu.memref_squeeze %dma_start3A_367 : memref<1x8x128xf32, #tpu.memory_space<vmem>> -> memref<8x128xf32, #tpu.memory_space<vmem>>
          %dma_start3A_369 = arith.constant 0 : i32
          %dma_start3A_370 = arith.constant 0 : i32
          %dma_start3A_371 = tpu.memref_slice %arg5[%arg0, %arg1, %add3A_364, %dma_start3A_369, %dma_start3A_370] : memref<2x16x10x8x128xf32, #tpu.memory_space<hbm>> -> memref<1x1x1x8x128xf32, #tpu.memory_space<hbm>>
          %dma_start3A_372 = tpu.memref_squeeze %dma_start3A_371 : memref<1x1x1x8x128xf32, #tpu.memory_space<hbm>> -> memref<8x128xf32, #tpu.memory_space<hbm>>
          %dma_start3A_373 = tpu.memref_slice %arg15[%sub3A_146] : memref<2x!tpu.dma_semaphore, #tpu.memory_space<semaphore_mem>> -> memref<1x!tpu.dma_semaphore, #tpu.memory_space<semaphore_mem>>
          %dma_start3A_374 = tpu.memref_squeeze %dma_start3A_373 : memref<1x!tpu.dma_semaphore, #tpu.memory_space<semaphore_mem>> -> memref<!tpu.dma_semaphore, #tpu.memory_space<semaphore_mem>>
          %dma_start3A_375 = arith.constant 0 : i32
          %dma_start3A_376 = arith.constant 0 : i32
          %dma_start3A_377 = tpu.memref_slice %arg10[%sub3A_146, %dma_start3A_375, %dma_start3A_376] : memref<2x8x128xf32, #tpu.memory_space<vmem>> -> memref<1x8x128xf32, #tpu.memory_space<vmem>>
          %dma_start3A_378 = tpu.memref_squeeze %dma_start3A_377 : memref<1x8x128xf32, #tpu.memory_space<vmem>> -> memref<8x128xf32, #tpu.memory_space<vmem>>
          %dma_start3A_379 = arith.constant 0 : i32
          %dma_start3A_380 = arith.constant 0 : i32
          %dma_start3A_381 = tpu.memref_slice %arg5[%arg0, %arg1, %add3A_364, %dma_start3A_379, %dma_start3A_380] : memref<2x16x10x8x128xf32, #tpu.memory_space<hbm>> -> memref<1x1x1x8x128xf32, #tpu.memory_space<hbm>>
          %dma_start3A_382 = tpu.memref_squeeze %dma_start3A_381 : memref<1x1x1x8x128xf32, #tpu.memory_space<hbm>> -> memref<8x128xf32, #tpu.memory_space<hbm>>
          tpu.enqueue_dma source(%dma_start3A_382 : memref<8x128xf32, #tpu.memory_space<hbm>>) target(%dma_start3A_378 : memref<8x128xf32, #tpu.memory_space<vmem>>) target_semaphore(%dma_start3A_374 : memref<!tpu.dma_semaphore, #tpu.memory_space<semaphore_mem>>)
        } else {
        }
        %add3A_172 = arith.constant 1 : i32
        %add3A_173 = arith.addi %scan3A_155, %add3A_172 : i32
        %lt3A_174 = arith.constant 8 : i32
        %lt3A_175 = arith.cmpi slt, %add3A_173, %lt3A_174 : i32
        %convert_element_type3A_176 = arith.extui %lt3A_175 : i1 to i32
        %cond3A_177 = arith.constant 0 : i32
        %cond3A_178 = arith.cmpi ne, %convert_element_type3A_176, %cond3A_177 : i32
        scf.if %cond3A_178 {
          %add3A_323 = arith.constant 1 : i32
          %add3A_324 = arith.addi %scan3A_155, %add3A_323 : i32
          %mul3A_325 = arith.constant 128 : i32
          %mul3A_326 = arith.muli %sub3A_162, %mul3A_325 : i32
          %add3A_327 = arith.constant 0 : i32
          %add3A_328 = arith.addi %mul3A_326, %add3A_327 : i32
          %dma_start3A_329 = arith.constant 0 : i32
          %dma_start3A_330 = tpu.memref_slice %arg11[%add3A_328, %dma_start3A_329] : memref<256x128xf32, #tpu.memory_space<vmem>> -> memref<16x128xf32, #tpu.memory_space<vmem>>
          %dma_start3A_331 = arith.constant 0 : i32
          %dma_start3A_332 = tpu.memref_slice %arg8[%rem3A_145, %add3A_324, %dma_start3A_331] : memref<2x8x128xi32, #tpu.memory_space<vmem>> -> memref<1x1x16xi32, #tpu.memory_space<vmem>>
          %dma_start3A_333 = tpu.memref_squeeze %dma_start3A_332 : memref<1x1x16xi32, #tpu.memory_space<vmem>> -> memref<16xi32, #tpu.memory_space<vmem>>
          %dma_start3A_334 = arith.constant 0 : i32
          %dma_start3A_335 = arith.constant 0 : i32
          %dma_start3A_336 = tpu.memref_slice %arg2[%dma_start3A_334, %dma_start3A_335] : memref<10000x128xf32, #tpu.memory_space<hbm>> -> memref<10000x128xf32, #tpu.memory_space<hbm>>
          %dma_start3A_337 = tpu.memref_slice %arg13[%sub3A_162] : memref<2x!tpu.dma_semaphore, #tpu.memory_space<semaphore_mem>> -> memref<1x!tpu.dma_semaphore, #tpu.memory_space<semaphore_mem>>
          %dma_start3A_338 = tpu.memref_squeeze %dma_start3A_337 : memref<1x!tpu.dma_semaphore, #tpu.memory_space<semaphore_mem>> -> memref<!tpu.dma_semaphore, #tpu.memory_space<semaphore_mem>>
          tpu.enqueue_indirect_dma source(%dma_start3A_336 : memref<10000x128xf32, #tpu.memory_space<hbm>>) target(%dma_start3A_330 : memref<16x128xf32, #tpu.memory_space<vmem>>) offsets(%dma_start3A_333 : memref<16xi32, #tpu.memory_space<vmem>>) semaphore(%dma_start3A_338 : memref<!tpu.dma_semaphore, #tpu.memory_space<semaphore_mem>>)
          %mul3A_339 = arith.constant 128 : i32
          %mul3A_340 = arith.muli %sub3A_162, %mul3A_339 : i32
          %add3A_341 = arith.constant 16 : i32
          %add3A_342 = arith.addi %mul3A_340, %add3A_341 : i32
          %dma_start3A_343 = arith.constant 0 : i32
          %dma_start3A_344 = tpu.memref_slice %arg11[%add3A_342, %dma_start3A_343] : memref<256x128xf32, #tpu.memory_space<vmem>> -> memref<16x128xf32, #tpu.memory_space<vmem>>
          %dma_start3A_345 = arith.constant 16 : i32
          %dma_start3A_346 = tpu.memref_slice %arg8[%rem3A_145, %add3A_324, %dma_start3A_345] : memref<2x8x128xi32, #tpu.memory_space<vmem>> -> memref<1x1x16xi32, #tpu.memory_space<vmem>>
          %dma_start3A_347 = tpu.memref_squeeze %dma_start3A_346 : memref<1x1x16xi32, #tpu.memory_space<vmem>> -> memref<16xi32, #tpu.memory_space<vmem>>
          %dma_start3A_348 = arith.constant 0 : i32
          %dma_start3A_349 = arith.constant 0 : i32
          %dma_start3A_350 = tpu.memref_slice %arg2[%dma_start3A_348, %dma_start3A_349] : memref<10000x128xf32, #tpu.memory_space<hbm>> -> memref<10000x128xf32, #tpu.memory_space<hbm>>
          %dma_start3A_351 = tpu.memref_slice %arg13[%sub3A_162] : memref<2x!tpu.dma_semaphore, #tpu.memory_space<semaphore_mem>> -> memref<1x!tpu.dma_semaphore, #tpu.memory_space<semaphore_mem>>
          %dma_start3A_352 = tpu.memref_squeeze %dma_start3A_351 : memref<1x!tpu.dma_semaphore, #tpu.memory_space<semaphore_mem>> -> memref<!tpu.dma_semaphore, #tpu.memory_space<semaphore_mem>>
          tpu.enqueue_indirect_dma source(%dma_start3A_350 : memref<10000x128xf32, #tpu.memory_space<hbm>>) target(%dma_start3A_344 : memref<16x128xf32, #tpu.memory_space<vmem>>) offsets(%dma_start3A_347 : memref<16xi32, #tpu.memory_space<vmem>>) semaphore(%dma_start3A_352 : memref<!tpu.dma_semaphore, #tpu.memory_space<semaphore_mem>>)
          %mul3A_353 = arith.constant 128 : i32
          %mul3A_354 = arith.muli %sub3A_162, %mul3A_353 : i32
          %add3A_355 = arith.constant 32 : i32
          %add3A_356 = arith.addi %mul3A_354, %add3A_355 : i32
          %dma_start3A_357 = arith.constant 0 : i32
          %dma_start3A_358 = tpu.memref_slice %arg11[%add3A_356, %dma_start3A_357] : memref<256x128xf32, #tpu.memory_space<vmem>> -> memref<16x128xf32, #tpu.memory_space<vmem>>
          %dma_start3A_359 = arith.constant 32 : i32
          %dma_start3A_360 = tpu.memref_slice %arg8[%rem3A_145, %add3A_324, %dma_start3A_359] : memref<2x8x128xi32, #tpu.memory_space<vmem>> -> memref<1x1x16xi32, #tpu.memory_space<vmem>>
          %dma_start3A_361 = tpu.memref_squeeze %dma_start3A_360 : memref<1x1x16xi32, #tpu.memory_space<vmem>> -> memref<16xi32, #tpu.memory_space<vmem>>
          %dma_start3A_362 = arith.constant 0 : i32
          %dma_start3A_363 = arith.constant 0 : i32
          %dma_start3A_364 = tpu.memref_slice %arg2[%dma_start3A_362, %dma_start3A_363] : memref<10000x128xf32, #tpu.memory_space<hbm>> -> memref<10000x128xf32, #tpu.memory_space<hbm>>
          %dma_start3A_365 = tpu.memref_slice %arg13[%sub3A_162] : memref<2x!tpu.dma_semaphore, #tpu.memory_space<semaphore_mem>> -> memref<1x!tpu.dma_semaphore, #tpu.memory_space<semaphore_mem>>
          %dma_start3A_366 = tpu.memref_squeeze %dma_start3A_365 : memref<1x!tpu.dma_semaphore, #tpu.memory_space<semaphore_mem>> -> memref<!tpu.dma_semaphore, #tpu.memory_space<semaphore_mem>>
          tpu.enqueue_indirect_dma source(%dma_start3A_364 : memref<10000x128xf32, #tpu.memory_space<hbm>>) target(%dma_start3A_358 : memref<16x128xf32, #tpu.memory_space<vmem>>) offsets(%dma_start3A_361 : memref<16xi32, #tpu.memory_space<vmem>>) semaphore(%dma_start3A_366 : memref<!tpu.dma_semaphore, #tpu.memory_space<semaphore_mem>>)
          %mul3A_367 = arith.constant 128 : i32
          %mul3A_368 = arith.muli %sub3A_162, %mul3A_367 : i32
          %add3A_369 = arith.constant 48 : i32
          %add3A_370 = arith.addi %mul3A_368, %add3A_369 : i32
          %dma_start3A_371 = arith.constant 0 : i32
          %dma_start3A_372 = tpu.memref_slice %arg11[%add3A_370, %dma_start3A_371] : memref<256x128xf32, #tpu.memory_space<vmem>> -> memref<16x128xf32, #tpu.memory_space<vmem>>
          %dma_start3A_373 = arith.constant 48 : i32
          %dma_start3A_374 = tpu.memref_slice %arg8[%rem3A_145, %add3A_324, %dma_start3A_373] : memref<2x8x128xi32, #tpu.memory_space<vmem>> -> memref<1x1x16xi32, #tpu.memory_space<vmem>>
          %dma_start3A_375 = tpu.memref_squeeze %dma_start3A_374 : memref<1x1x16xi32, #tpu.memory_space<vmem>> -> memref<16xi32, #tpu.memory_space<vmem>>
          %dma_start3A_376 = arith.constant 0 : i32
          %dma_start3A_377 = arith.constant 0 : i32
          %dma_start3A_378 = tpu.memref_slice %arg2[%dma_start3A_376, %dma_start3A_377] : memref<10000x128xf32, #tpu.memory_space<hbm>> -> memref<10000x128xf32, #tpu.memory_space<hbm>>
          %dma_start3A_379 = tpu.memref_slice %arg13[%sub3A_162] : memref<2x!tpu.dma_semaphore, #tpu.memory_space<semaphore_mem>> -> memref<1x!tpu.dma_semaphore, #tpu.memory_space<semaphore_mem>>
          %dma_start3A_380 = tpu.memref_squeeze %dma_start3A_379 : memref<1x!tpu.dma_semaphore, #tpu.memory_space<semaphore_mem>> -> memref<!tpu.dma_semaphore, #tpu.memory_space<semaphore_mem>>
          tpu.enqueue_indirect_dma source(%dma_start3A_378 : memref<10000x128xf32, #tpu.memory_space<hbm>>) target(%dma_start3A_372 : memref<16x128xf32, #tpu.memory_space<vmem>>) offsets(%dma_start3A_375 : memref<16xi32, #tpu.memory_space<vmem>>) semaphore(%dma_start3A_380 : memref<!tpu.dma_semaphore, #tpu.memory_space<semaphore_mem>>)
          %mul3A_381 = arith.constant 128 : i32
          %mul3A_382 = arith.muli %sub3A_162, %mul3A_381 : i32
          %add3A_383 = arith.constant 64 : i32
          %add3A_384 = arith.addi %mul3A_382, %add3A_383 : i32
          %dma_start3A_385 = arith.constant 0 : i32
          %dma_start3A_386 = tpu.memref_slice %arg11[%add3A_384, %dma_start3A_385] : memref<256x128xf32, #tpu.memory_space<vmem>> -> memref<16x128xf32, #tpu.memory_space<vmem>>
          %dma_start3A_387 = arith.constant 64 : i32
          %dma_start3A_388 = tpu.memref_slice %arg8[%rem3A_145, %add3A_324, %dma_start3A_387] : memref<2x8x128xi32, #tpu.memory_space<vmem>> -> memref<1x1x16xi32, #tpu.memory_space<vmem>>
          %dma_start3A_389 = tpu.memref_squeeze %dma_start3A_388 : memref<1x1x16xi32, #tpu.memory_space<vmem>> -> memref<16xi32, #tpu.memory_space<vmem>>
          %dma_start3A_390 = arith.constant 0 : i32
          %dma_start3A_391 = arith.constant 0 : i32
          %dma_start3A_392 = tpu.memref_slice %arg2[%dma_start3A_390, %dma_start3A_391] : memref<10000x128xf32, #tpu.memory_space<hbm>> -> memref<10000x128xf32, #tpu.memory_space<hbm>>
          %dma_start3A_393 = tpu.memref_slice %arg13[%sub3A_162] : memref<2x!tpu.dma_semaphore, #tpu.memory_space<semaphore_mem>> -> memref<1x!tpu.dma_semaphore, #tpu.memory_space<semaphore_mem>>
          %dma_start3A_394 = tpu.memref_squeeze %dma_start3A_393 : memref<1x!tpu.dma_semaphore, #tpu.memory_space<semaphore_mem>> -> memref<!tpu.dma_semaphore, #tpu.memory_space<semaphore_mem>>
          tpu.enqueue_indirect_dma source(%dma_start3A_392 : memref<10000x128xf32, #tpu.memory_space<hbm>>) target(%dma_start3A_386 : memref<16x128xf32, #tpu.memory_space<vmem>>) offsets(%dma_start3A_389 : memref<16xi32, #tpu.memory_space<vmem>>) semaphore(%dma_start3A_394 : memref<!tpu.dma_semaphore, #tpu.memory_space<semaphore_mem>>)
          %mul3A_395 = arith.constant 128 : i32
          %mul3A_396 = arith.muli %sub3A_162, %mul3A_395 : i32
          %add3A_397 = arith.constant 80 : i32
          %add3A_398 = arith.addi %mul3A_396, %add3A_397 : i32
          %dma_start3A_399 = arith.constant 0 : i32
          %dma_start3A_400 = tpu.memref_slice %arg11[%add3A_398, %dma_start3A_399] : memref<256x128xf32, #tpu.memory_space<vmem>> -> memref<16x128xf32, #tpu.memory_space<vmem>>
          %dma_start3A_401 = arith.constant 80 : i32
          %dma_start3A_402 = tpu.memref_slice %arg8[%rem3A_145, %add3A_324, %dma_start3A_401] : memref<2x8x128xi32, #tpu.memory_space<vmem>> -> memref<1x1x16xi32, #tpu.memory_space<vmem>>
          %dma_start3A_403 = tpu.memref_squeeze %dma_start3A_402 : memref<1x1x16xi32, #tpu.memory_space<vmem>> -> memref<16xi32, #tpu.memory_space<vmem>>
          %dma_start3A_404 = arith.constant 0 : i32
          %dma_start3A_405 = arith.constant 0 : i32
          %dma_start3A_406 = tpu.memref_slice %arg2[%dma_start3A_404, %dma_start3A_405] : memref<10000x128xf32, #tpu.memory_space<hbm>> -> memref<10000x128xf32, #tpu.memory_space<hbm>>
          %dma_start3A_407 = tpu.memref_slice %arg13[%sub3A_162] : memref<2x!tpu.dma_semaphore, #tpu.memory_space<semaphore_mem>> -> memref<1x!tpu.dma_semaphore, #tpu.memory_space<semaphore_mem>>
          %dma_start3A_408 = tpu.memref_squeeze %dma_start3A_407 : memref<1x!tpu.dma_semaphore, #tpu.memory_space<semaphore_mem>> -> memref<!tpu.dma_semaphore, #tpu.memory_space<semaphore_mem>>
          tpu.enqueue_indirect_dma source(%dma_start3A_406 : memref<10000x128xf32, #tpu.memory_space<hbm>>) target(%dma_start3A_400 : memref<16x128xf32, #tpu.memory_space<vmem>>) offsets(%dma_start3A_403 : memref<16xi32, #tpu.memory_space<vmem>>) semaphore(%dma_start3A_408 : memref<!tpu.dma_semaphore, #tpu.memory_space<semaphore_mem>>)
          %mul3A_409 = arith.constant 128 : i32
          %mul3A_410 = arith.muli %sub3A_162, %mul3A_409 : i32
          %add3A_411 = arith.constant 96 : i32
          %add3A_412 = arith.addi %mul3A_410, %add3A_411 : i32
          %dma_start3A_413 = arith.constant 0 : i32
          %dma_start3A_414 = tpu.memref_slice %arg11[%add3A_412, %dma_start3A_413] : memref<256x128xf32, #tpu.memory_space<vmem>> -> memref<16x128xf32, #tpu.memory_space<vmem>>
          %dma_start3A_415 = arith.constant 96 : i32
          %dma_start3A_416 = tpu.memref_slice %arg8[%rem3A_145, %add3A_324, %dma_start3A_415] : memref<2x8x128xi32, #tpu.memory_space<vmem>> -> memref<1x1x16xi32, #tpu.memory_space<vmem>>
          %dma_start3A_417 = tpu.memref_squeeze %dma_start3A_416 : memref<1x1x16xi32, #tpu.memory_space<vmem>> -> memref<16xi32, #tpu.memory_space<vmem>>
          %dma_start3A_418 = arith.constant 0 : i32
          %dma_start3A_419 = arith.constant 0 : i32
          %dma_start3A_420 = tpu.memref_slice %arg2[%dma_start3A_418, %dma_start3A_419] : memref<10000x128xf32, #tpu.memory_space<hbm>> -> memref<10000x128xf32, #tpu.memory_space<hbm>>
          %dma_start3A_421 = tpu.memref_slice %arg13[%sub3A_162] : memref<2x!tpu.dma_semaphore, #tpu.memory_space<semaphore_mem>> -> memref<1x!tpu.dma_semaphore, #tpu.memory_space<semaphore_mem>>
          %dma_start3A_422 = tpu.memref_squeeze %dma_start3A_421 : memref<1x!tpu.dma_semaphore, #tpu.memory_space<semaphore_mem>> -> memref<!tpu.dma_semaphore, #tpu.memory_space<semaphore_mem>>
          tpu.enqueue_indirect_dma source(%dma_start3A_420 : memref<10000x128xf32, #tpu.memory_space<hbm>>) target(%dma_start3A_414 : memref<16x128xf32, #tpu.memory_space<vmem>>) offsets(%dma_start3A_417 : memref<16xi32, #tpu.memory_space<vmem>>) semaphore(%dma_start3A_422 : memref<!tpu.dma_semaphore, #tpu.memory_space<semaphore_mem>>)
          %mul3A_423 = arith.constant 128 : i32
          %mul3A_424 = arith.muli %sub3A_162, %mul3A_423 : i32
          %add3A_425 = arith.constant 112 : i32
          %add3A_426 = arith.addi %mul3A_424, %add3A_425 : i32
          %dma_start3A_427 = arith.constant 0 : i32
          %dma_start3A_428 = tpu.memref_slice %arg11[%add3A_426, %dma_start3A_427] : memref<256x128xf32, #tpu.memory_space<vmem>> -> memref<16x128xf32, #tpu.memory_space<vmem>>
          %dma_start3A_429 = arith.constant 112 : i32
          %dma_start3A_430 = tpu.memref_slice %arg8[%rem3A_145, %add3A_324, %dma_start3A_429] : memref<2x8x128xi32, #tpu.memory_space<vmem>> -> memref<1x1x16xi32, #tpu.memory_space<vmem>>
          %dma_start3A_431 = tpu.memref_squeeze %dma_start3A_430 : memref<1x1x16xi32, #tpu.memory_space<vmem>> -> memref<16xi32, #tpu.memory_space<vmem>>
          %dma_start3A_432 = arith.constant 0 : i32
          %dma_start3A_433 = arith.constant 0 : i32
          %dma_start3A_434 = tpu.memref_slice %arg2[%dma_start3A_432, %dma_start3A_433] : memref<10000x128xf32, #tpu.memory_space<hbm>> -> memref<10000x128xf32, #tpu.memory_space<hbm>>
          %dma_start3A_435 = tpu.memref_slice %arg13[%sub3A_162] : memref<2x!tpu.dma_semaphore, #tpu.memory_space<semaphore_mem>> -> memref<1x!tpu.dma_semaphore, #tpu.memory_space<semaphore_mem>>
          %dma_start3A_436 = tpu.memref_squeeze %dma_start3A_435 : memref<1x!tpu.dma_semaphore, #tpu.memory_space<semaphore_mem>> -> memref<!tpu.dma_semaphore, #tpu.memory_space<semaphore_mem>>
          tpu.enqueue_indirect_dma source(%dma_start3A_434 : memref<10000x128xf32, #tpu.memory_space<hbm>>) target(%dma_start3A_428 : memref<16x128xf32, #tpu.memory_space<vmem>>) offsets(%dma_start3A_431 : memref<16xi32, #tpu.memory_space<vmem>>) semaphore(%dma_start3A_436 : memref<!tpu.dma_semaphore, #tpu.memory_space<semaphore_mem>>)
        } else {
        }
        %add3A_179 = arith.constant 1 : i32
        %add3A_180 = arith.addi %scan3A_155, %add3A_179 : i32
        %eq3A_181 = arith.constant 8 : i32
        %eq3A_182 = arith.cmpi eq, %add3A_180, %eq3A_181 : i32
        %add3A_183 = arith.constant 1 : i32
        %add3A_184 = arith.addi %scan3A_143, %add3A_183 : i32
        %lt3A_185 = arith.constant 10 : i32
        %lt3A_186 = arith.cmpi slt, %add3A_184, %lt3A_185 : i32
        %and3A_187 = arith.andi %eq3A_182, %lt3A_186 : i1
        %convert_element_type3A_188 = arith.extui %and3A_187 : i1 to i32
        %cond3A_189 = arith.constant 0 : i32
        %cond3A_190 = arith.cmpi ne, %convert_element_type3A_188, %cond3A_189 : i32
        scf.if %cond3A_190 {
          %add3A_323 = arith.constant 1 : i32
          %add3A_324 = arith.addi %scan3A_143, %add3A_323 : i32
          %dma_wait3A_325 = arith.constant 0 : i32
          %dma_wait3A_326 = arith.constant 0 : i32
          %dma_wait3A_327 = tpu.memref_slice %arg8[%sub3A_146, %dma_wait3A_325, %dma_wait3A_326] : memref<2x8x128xi32, #tpu.memory_space<vmem>> -> memref<1x8x128xi32, #tpu.memory_space<vmem>>
          %dma_wait3A_328 = tpu.memref_squeeze %dma_wait3A_327 : memref<1x8x128xi32, #tpu.memory_space<vmem>> -> memref<8x128xi32, #tpu.memory_space<vmem>>
          %dma_wait3A_329 = arith.constant 0 : i32
          %dma_wait3A_330 = arith.constant 0 : i32
          %dma_wait3A_331 = tpu.memref_slice %arg3[%arg0, %arg1, %add3A_324, %dma_wait3A_329, %dma_wait3A_330] : memref<2x16x10x8x128xi32, #tpu.memory_space<hbm>> -> memref<1x1x1x8x128xi32, #tpu.memory_space<hbm>>
          %dma_wait3A_332 = tpu.memref_squeeze %dma_wait3A_331 : memref<1x1x1x8x128xi32, #tpu.memory_space<hbm>> -> memref<8x128xi32, #tpu.memory_space<hbm>>
          %dma_wait3A_333 = tpu.memref_slice %arg15[%sub3A_146] : memref<2x!tpu.dma_semaphore, #tpu.memory_space<semaphore_mem>> -> memref<1x!tpu.dma_semaphore, #tpu.memory_space<semaphore_mem>>
          %dma_wait3A_334 = tpu.memref_squeeze %dma_wait3A_333 : memref<1x!tpu.dma_semaphore, #tpu.memory_space<semaphore_mem>> -> memref<!tpu.dma_semaphore, #tpu.memory_space<semaphore_mem>>
          %dma_wait3A_335 = arith.constant 0 : i32
          %dma_wait3A_336 = arith.constant 0 : i32
          %dma_wait3A_337 = tpu.memref_slice %arg8[%sub3A_146, %dma_wait3A_335, %dma_wait3A_336] : memref<2x8x128xi32, #tpu.memory_space<vmem>> -> memref<1x8x128xi32, #tpu.memory_space<vmem>>
          %dma_wait3A_338 = tpu.memref_squeeze %dma_wait3A_337 : memref<1x8x128xi32, #tpu.memory_space<vmem>> -> memref<8x128xi32, #tpu.memory_space<vmem>>
          %dma_wait3A_339 = arith.constant 0 : i32
          %dma_wait3A_340 = arith.constant 0 : i32
          %dma_wait3A_341 = tpu.memref_slice %arg3[%arg0, %arg1, %add3A_324, %dma_wait3A_339, %dma_wait3A_340] : memref<2x16x10x8x128xi32, #tpu.memory_space<hbm>> -> memref<1x1x1x8x128xi32, #tpu.memory_space<hbm>>
          %dma_wait3A_342 = tpu.memref_squeeze %dma_wait3A_341 : memref<1x1x1x8x128xi32, #tpu.memory_space<hbm>> -> memref<8x128xi32, #tpu.memory_space<hbm>>
          tpu.wait_dma2 semaphore(%dma_wait3A_334 : memref<!tpu.dma_semaphore, #tpu.memory_space<semaphore_mem>>) src(%dma_wait3A_342 : memref<8x128xi32, #tpu.memory_space<hbm>>) dst(%dma_wait3A_338 : memref<8x128xi32, #tpu.memory_space<vmem>>)
          %add3A_343 = arith.constant 1 : i32
          %add3A_344 = arith.addi %scan3A_143, %add3A_343 : i32
          %dma_wait3A_345 = arith.constant 0 : i32
          %dma_wait3A_346 = arith.constant 0 : i32
          %dma_wait3A_347 = tpu.memref_slice %arg9[%sub3A_146, %dma_wait3A_345, %dma_wait3A_346] : memref<2x8x128xi32, #tpu.memory_space<vmem>> -> memref<1x8x128xi32, #tpu.memory_space<vmem>>
          %dma_wait3A_348 = tpu.memref_squeeze %dma_wait3A_347 : memref<1x8x128xi32, #tpu.memory_space<vmem>> -> memref<8x128xi32, #tpu.memory_space<vmem>>
          %dma_wait3A_349 = arith.constant 0 : i32
          %dma_wait3A_350 = arith.constant 0 : i32
          %dma_wait3A_351 = tpu.memref_slice %arg4[%arg0, %arg1, %add3A_344, %dma_wait3A_349, %dma_wait3A_350] : memref<2x16x10x8x128xi32, #tpu.memory_space<hbm>> -> memref<1x1x1x8x128xi32, #tpu.memory_space<hbm>>
          %dma_wait3A_352 = tpu.memref_squeeze %dma_wait3A_351 : memref<1x1x1x8x128xi32, #tpu.memory_space<hbm>> -> memref<8x128xi32, #tpu.memory_space<hbm>>
          %dma_wait3A_353 = tpu.memref_slice %arg15[%sub3A_146] : memref<2x!tpu.dma_semaphore, #tpu.memory_space<semaphore_mem>> -> memref<1x!tpu.dma_semaphore, #tpu.memory_space<semaphore_mem>>
          %dma_wait3A_354 = tpu.memref_squeeze %dma_wait3A_353 : memref<1x!tpu.dma_semaphore, #tpu.memory_space<semaphore_mem>> -> memref<!tpu.dma_semaphore, #tpu.memory_space<semaphore_mem>>
          %dma_wait3A_355 = arith.constant 0 : i32
          %dma_wait3A_356 = arith.constant 0 : i32
          %dma_wait3A_357 = tpu.memref_slice %arg9[%sub3A_146, %dma_wait3A_355, %dma_wait3A_356] : memref<2x8x128xi32, #tpu.memory_space<vmem>> -> memref<1x8x128xi32, #tpu.memory_space<vmem>>
          %dma_wait3A_358 = tpu.memref_squeeze %dma_wait3A_357 : memref<1x8x128xi32, #tpu.memory_space<vmem>> -> memref<8x128xi32, #tpu.memory_space<vmem>>
          %dma_wait3A_359 = arith.constant 0 : i32
          %dma_wait3A_360 = arith.constant 0 : i32
          %dma_wait3A_361 = tpu.memref_slice %arg4[%arg0, %arg1, %add3A_344, %dma_wait3A_359, %dma_wait3A_360] : memref<2x16x10x8x128xi32, #tpu.memory_space<hbm>> -> memref<1x1x1x8x128xi32, #tpu.memory_space<hbm>>
          %dma_wait3A_362 = tpu.memref_squeeze %dma_wait3A_361 : memref<1x1x1x8x128xi32, #tpu.memory_space<hbm>> -> memref<8x128xi32, #tpu.memory_space<hbm>>
          tpu.wait_dma2 semaphore(%dma_wait3A_354 : memref<!tpu.dma_semaphore, #tpu.memory_space<semaphore_mem>>) src(%dma_wait3A_362 : memref<8x128xi32, #tpu.memory_space<hbm>>) dst(%dma_wait3A_358 : memref<8x128xi32, #tpu.memory_space<vmem>>)
          %add3A_363 = arith.constant 1 : i32
          %add3A_364 = arith.addi %scan3A_143, %add3A_363 : i32
          %dma_wait3A_365 = arith.constant 0 : i32
          %dma_wait3A_366 = arith.constant 0 : i32
          %dma_wait3A_367 = tpu.memref_slice %arg10[%sub3A_146, %dma_wait3A_365, %dma_wait3A_366] : memref<2x8x128xf32, #tpu.memory_space<vmem>> -> memref<1x8x128xf32, #tpu.memory_space<vmem>>
          %dma_wait3A_368 = tpu.memref_squeeze %dma_wait3A_367 : memref<1x8x128xf32, #tpu.memory_space<vmem>> -> memref<8x128xf32, #tpu.memory_space<vmem>>
          %dma_wait3A_369 = arith.constant 0 : i32
          %dma_wait3A_370 = arith.constant 0 : i32
          %dma_wait3A_371 = tpu.memref_slice %arg5[%arg0, %arg1, %add3A_364, %dma_wait3A_369, %dma_wait3A_370] : memref<2x16x10x8x128xf32, #tpu.memory_space<hbm>> -> memref<1x1x1x8x128xf32, #tpu.memory_space<hbm>>
          %dma_wait3A_372 = tpu.memref_squeeze %dma_wait3A_371 : memref<1x1x1x8x128xf32, #tpu.memory_space<hbm>> -> memref<8x128xf32, #tpu.memory_space<hbm>>
          %dma_wait3A_373 = tpu.memref_slice %arg15[%sub3A_146] : memref<2x!tpu.dma_semaphore, #tpu.memory_space<semaphore_mem>> -> memref<1x!tpu.dma_semaphore, #tpu.memory_space<semaphore_mem>>
          %dma_wait3A_374 = tpu.memref_squeeze %dma_wait3A_373 : memref<1x!tpu.dma_semaphore, #tpu.memory_space<semaphore_mem>> -> memref<!tpu.dma_semaphore, #tpu.memory_space<semaphore_mem>>
          %dma_wait3A_375 = arith.constant 0 : i32
          %dma_wait3A_376 = arith.constant 0 : i32
          %dma_wait3A_377 = tpu.memref_slice %arg10[%sub3A_146, %dma_wait3A_375, %dma_wait3A_376] : memref<2x8x128xf32, #tpu.memory_space<vmem>> -> memref<1x8x128xf32, #tpu.memory_space<vmem>>
          %dma_wait3A_378 = tpu.memref_squeeze %dma_wait3A_377 : memref<1x8x128xf32, #tpu.memory_space<vmem>> -> memref<8x128xf32, #tpu.memory_space<vmem>>
          %dma_wait3A_379 = arith.constant 0 : i32
          %dma_wait3A_380 = arith.constant 0 : i32
          %dma_wait3A_381 = tpu.memref_slice %arg5[%arg0, %arg1, %add3A_364, %dma_wait3A_379, %dma_wait3A_380] : memref<2x16x10x8x128xf32, #tpu.memory_space<hbm>> -> memref<1x1x1x8x128xf32, #tpu.memory_space<hbm>>
          %dma_wait3A_382 = tpu.memref_squeeze %dma_wait3A_381 : memref<1x1x1x8x128xf32, #tpu.memory_space<hbm>> -> memref<8x128xf32, #tpu.memory_space<hbm>>
          tpu.wait_dma2 semaphore(%dma_wait3A_374 : memref<!tpu.dma_semaphore, #tpu.memory_space<semaphore_mem>>) src(%dma_wait3A_382 : memref<8x128xf32, #tpu.memory_space<hbm>>) dst(%dma_wait3A_378 : memref<8x128xf32, #tpu.memory_space<vmem>>)
          %mul3A_383 = arith.constant 128 : i32
          %mul3A_384 = arith.muli %sub3A_162, %mul3A_383 : i32
          %add3A_385 = arith.constant 0 : i32
          %add3A_386 = arith.addi %mul3A_384, %add3A_385 : i32
          %dma_start3A_387 = arith.constant 0 : i32
          %dma_start3A_388 = arith.constant 0 : i32
          %dma_start3A_389 = tpu.memref_slice %arg11[%add3A_386, %dma_start3A_388] : memref<256x128xf32, #tpu.memory_space<vmem>> -> memref<16x128xf32, #tpu.memory_space<vmem>>
          %dma_start3A_390 = arith.constant 0 : i32
          %dma_start3A_391 = tpu.memref_slice %arg8[%sub3A_146, %dma_start3A_387, %dma_start3A_390] : memref<2x8x128xi32, #tpu.memory_space<vmem>> -> memref<1x1x16xi32, #tpu.memory_space<vmem>>
          %dma_start3A_392 = tpu.memref_squeeze %dma_start3A_391 : memref<1x1x16xi32, #tpu.memory_space<vmem>> -> memref<16xi32, #tpu.memory_space<vmem>>
          %dma_start3A_393 = arith.constant 0 : i32
          %dma_start3A_394 = arith.constant 0 : i32
          %dma_start3A_395 = tpu.memref_slice %arg2[%dma_start3A_393, %dma_start3A_394] : memref<10000x128xf32, #tpu.memory_space<hbm>> -> memref<10000x128xf32, #tpu.memory_space<hbm>>
          %dma_start3A_396 = tpu.memref_slice %arg13[%sub3A_162] : memref<2x!tpu.dma_semaphore, #tpu.memory_space<semaphore_mem>> -> memref<1x!tpu.dma_semaphore, #tpu.memory_space<semaphore_mem>>
          %dma_start3A_397 = tpu.memref_squeeze %dma_start3A_396 : memref<1x!tpu.dma_semaphore, #tpu.memory_space<semaphore_mem>> -> memref<!tpu.dma_semaphore, #tpu.memory_space<semaphore_mem>>
          tpu.enqueue_indirect_dma source(%dma_start3A_395 : memref<10000x128xf32, #tpu.memory_space<hbm>>) target(%dma_start3A_389 : memref<16x128xf32, #tpu.memory_space<vmem>>) offsets(%dma_start3A_392 : memref<16xi32, #tpu.memory_space<vmem>>) semaphore(%dma_start3A_397 : memref<!tpu.dma_semaphore, #tpu.memory_space<semaphore_mem>>)
          %mul3A_398 = arith.constant 128 : i32
          %mul3A_399 = arith.muli %sub3A_162, %mul3A_398 : i32
          %add3A_400 = arith.constant 16 : i32
          %add3A_401 = arith.addi %mul3A_399, %add3A_400 : i32
          %dma_start3A_402 = arith.constant 0 : i32
          %dma_start3A_403 = arith.constant 0 : i32
          %dma_start3A_404 = tpu.memref_slice %arg11[%add3A_401, %dma_start3A_403] : memref<256x128xf32, #tpu.memory_space<vmem>> -> memref<16x128xf32, #tpu.memory_space<vmem>>
          %dma_start3A_405 = arith.constant 16 : i32
          %dma_start3A_406 = tpu.memref_slice %arg8[%sub3A_146, %dma_start3A_402, %dma_start3A_405] : memref<2x8x128xi32, #tpu.memory_space<vmem>> -> memref<1x1x16xi32, #tpu.memory_space<vmem>>
          %dma_start3A_407 = tpu.memref_squeeze %dma_start3A_406 : memref<1x1x16xi32, #tpu.memory_space<vmem>> -> memref<16xi32, #tpu.memory_space<vmem>>
          %dma_start3A_408 = arith.constant 0 : i32
          %dma_start3A_409 = arith.constant 0 : i32
          %dma_start3A_410 = tpu.memref_slice %arg2[%dma_start3A_408, %dma_start3A_409] : memref<10000x128xf32, #tpu.memory_space<hbm>> -> memref<10000x128xf32, #tpu.memory_space<hbm>>
          %dma_start3A_411 = tpu.memref_slice %arg13[%sub3A_162] : memref<2x!tpu.dma_semaphore, #tpu.memory_space<semaphore_mem>> -> memref<1x!tpu.dma_semaphore, #tpu.memory_space<semaphore_mem>>
          %dma_start3A_412 = tpu.memref_squeeze %dma_start3A_411 : memref<1x!tpu.dma_semaphore, #tpu.memory_space<semaphore_mem>> -> memref<!tpu.dma_semaphore, #tpu.memory_space<semaphore_mem>>
          tpu.enqueue_indirect_dma source(%dma_start3A_410 : memref<10000x128xf32, #tpu.memory_space<hbm>>) target(%dma_start3A_404 : memref<16x128xf32, #tpu.memory_space<vmem>>) offsets(%dma_start3A_407 : memref<16xi32, #tpu.memory_space<vmem>>) semaphore(%dma_start3A_412 : memref<!tpu.dma_semaphore, #tpu.memory_space<semaphore_mem>>)
          %mul3A_413 = arith.constant 128 : i32
          %mul3A_414 = arith.muli %sub3A_162, %mul3A_413 : i32
          %add3A_415 = arith.constant 32 : i32
          %add3A_416 = arith.addi %mul3A_414, %add3A_415 : i32
          %dma_start3A_417 = arith.constant 0 : i32
          %dma_start3A_418 = arith.constant 0 : i32
          %dma_start3A_419 = tpu.memref_slice %arg11[%add3A_416, %dma_start3A_418] : memref<256x128xf32, #tpu.memory_space<vmem>> -> memref<16x128xf32, #tpu.memory_space<vmem>>
          %dma_start3A_420 = arith.constant 32 : i32
          %dma_start3A_421 = tpu.memref_slice %arg8[%sub3A_146, %dma_start3A_417, %dma_start3A_420] : memref<2x8x128xi32, #tpu.memory_space<vmem>> -> memref<1x1x16xi32, #tpu.memory_space<vmem>>
          %dma_start3A_422 = tpu.memref_squeeze %dma_start3A_421 : memref<1x1x16xi32, #tpu.memory_space<vmem>> -> memref<16xi32, #tpu.memory_space<vmem>>
          %dma_start3A_423 = arith.constant 0 : i32
          %dma_start3A_424 = arith.constant 0 : i32
          %dma_start3A_425 = tpu.memref_slice %arg2[%dma_start3A_423, %dma_start3A_424] : memref<10000x128xf32, #tpu.memory_space<hbm>> -> memref<10000x128xf32, #tpu.memory_space<hbm>>
          %dma_start3A_426 = tpu.memref_slice %arg13[%sub3A_162] : memref<2x!tpu.dma_semaphore, #tpu.memory_space<semaphore_mem>> -> memref<1x!tpu.dma_semaphore, #tpu.memory_space<semaphore_mem>>
          %dma_start3A_427 = tpu.memref_squeeze %dma_start3A_426 : memref<1x!tpu.dma_semaphore, #tpu.memory_space<semaphore_mem>> -> memref<!tpu.dma_semaphore, #tpu.memory_space<semaphore_mem>>
          tpu.enqueue_indirect_dma source(%dma_start3A_425 : memref<10000x128xf32, #tpu.memory_space<hbm>>) target(%dma_start3A_419 : memref<16x128xf32, #tpu.memory_space<vmem>>) offsets(%dma_start3A_422 : memref<16xi32, #tpu.memory_space<vmem>>) semaphore(%dma_start3A_427 : memref<!tpu.dma_semaphore, #tpu.memory_space<semaphore_mem>>)
          %mul3A_428 = arith.constant 128 : i32
          %mul3A_429 = arith.muli %sub3A_162, %mul3A_428 : i32
          %add3A_430 = arith.constant 48 : i32
          %add3A_431 = arith.addi %mul3A_429, %add3A_430 : i32
          %dma_start3A_432 = arith.constant 0 : i32
          %dma_start3A_433 = arith.constant 0 : i32
          %dma_start3A_434 = tpu.memref_slice %arg11[%add3A_431, %dma_start3A_433] : memref<256x128xf32, #tpu.memory_space<vmem>> -> memref<16x128xf32, #tpu.memory_space<vmem>>
          %dma_start3A_435 = arith.constant 48 : i32
          %dma_start3A_436 = tpu.memref_slice %arg8[%sub3A_146, %dma_start3A_432, %dma_start3A_435] : memref<2x8x128xi32, #tpu.memory_space<vmem>> -> memref<1x1x16xi32, #tpu.memory_space<vmem>>
          %dma_start3A_437 = tpu.memref_squeeze %dma_start3A_436 : memref<1x1x16xi32, #tpu.memory_space<vmem>> -> memref<16xi32, #tpu.memory_space<vmem>>
          %dma_start3A_438 = arith.constant 0 : i32
          %dma_start3A_439 = arith.constant 0 : i32
          %dma_start3A_440 = tpu.memref_slice %arg2[%dma_start3A_438, %dma_start3A_439] : memref<10000x128xf32, #tpu.memory_space<hbm>> -> memref<10000x128xf32, #tpu.memory_space<hbm>>
          %dma_start3A_441 = tpu.memref_slice %arg13[%sub3A_162] : memref<2x!tpu.dma_semaphore, #tpu.memory_space<semaphore_mem>> -> memref<1x!tpu.dma_semaphore, #tpu.memory_space<semaphore_mem>>
          %dma_start3A_442 = tpu.memref_squeeze %dma_start3A_441 : memref<1x!tpu.dma_semaphore, #tpu.memory_space<semaphore_mem>> -> memref<!tpu.dma_semaphore, #tpu.memory_space<semaphore_mem>>
          tpu.enqueue_indirect_dma source(%dma_start3A_440 : memref<10000x128xf32, #tpu.memory_space<hbm>>) target(%dma_start3A_434 : memref<16x128xf32, #tpu.memory_space<vmem>>) offsets(%dma_start3A_437 : memref<16xi32, #tpu.memory_space<vmem>>) semaphore(%dma_start3A_442 : memref<!tpu.dma_semaphore, #tpu.memory_space<semaphore_mem>>)
          %mul3A_443 = arith.constant 128 : i32
          %mul3A_444 = arith.muli %sub3A_162, %mul3A_443 : i32
          %add3A_445 = arith.constant 64 : i32
          %add3A_446 = arith.addi %mul3A_444, %add3A_445 : i32
          %dma_start3A_447 = arith.constant 0 : i32
          %dma_start3A_448 = arith.constant 0 : i32
          %dma_start3A_449 = tpu.memref_slice %arg11[%add3A_446, %dma_start3A_448] : memref<256x128xf32, #tpu.memory_space<vmem>> -> memref<16x128xf32, #tpu.memory_space<vmem>>
          %dma_start3A_450 = arith.constant 64 : i32
          %dma_start3A_451 = tpu.memref_slice %arg8[%sub3A_146, %dma_start3A_447, %dma_start3A_450] : memref<2x8x128xi32, #tpu.memory_space<vmem>> -> memref<1x1x16xi32, #tpu.memory_space<vmem>>
          %dma_start3A_452 = tpu.memref_squeeze %dma_start3A_451 : memref<1x1x16xi32, #tpu.memory_space<vmem>> -> memref<16xi32, #tpu.memory_space<vmem>>
          %dma_start3A_453 = arith.constant 0 : i32
          %dma_start3A_454 = arith.constant 0 : i32
          %dma_start3A_455 = tpu.memref_slice %arg2[%dma_start3A_453, %dma_start3A_454] : memref<10000x128xf32, #tpu.memory_space<hbm>> -> memref<10000x128xf32, #tpu.memory_space<hbm>>
          %dma_start3A_456 = tpu.memref_slice %arg13[%sub3A_162] : memref<2x!tpu.dma_semaphore, #tpu.memory_space<semaphore_mem>> -> memref<1x!tpu.dma_semaphore, #tpu.memory_space<semaphore_mem>>
          %dma_start3A_457 = tpu.memref_squeeze %dma_start3A_456 : memref<1x!tpu.dma_semaphore, #tpu.memory_space<semaphore_mem>> -> memref<!tpu.dma_semaphore, #tpu.memory_space<semaphore_mem>>
          tpu.enqueue_indirect_dma source(%dma_start3A_455 : memref<10000x128xf32, #tpu.memory_space<hbm>>) target(%dma_start3A_449 : memref<16x128xf32, #tpu.memory_space<vmem>>) offsets(%dma_start3A_452 : memref<16xi32, #tpu.memory_space<vmem>>) semaphore(%dma_start3A_457 : memref<!tpu.dma_semaphore, #tpu.memory_space<semaphore_mem>>)
          %mul3A_458 = arith.constant 128 : i32
          %mul3A_459 = arith.muli %sub3A_162, %mul3A_458 : i32
          %add3A_460 = arith.constant 80 : i32
          %add3A_461 = arith.addi %mul3A_459, %add3A_460 : i32
          %dma_start3A_462 = arith.constant 0 : i32
          %dma_start3A_463 = arith.constant 0 : i32
          %dma_start3A_464 = tpu.memref_slice %arg11[%add3A_461, %dma_start3A_463] : memref<256x128xf32, #tpu.memory_space<vmem>> -> memref<16x128xf32, #tpu.memory_space<vmem>>
          %dma_start3A_465 = arith.constant 80 : i32
          %dma_start3A_466 = tpu.memref_slice %arg8[%sub3A_146, %dma_start3A_462, %dma_start3A_465] : memref<2x8x128xi32, #tpu.memory_space<vmem>> -> memref<1x1x16xi32, #tpu.memory_space<vmem>>
          %dma_start3A_467 = tpu.memref_squeeze %dma_start3A_466 : memref<1x1x16xi32, #tpu.memory_space<vmem>> -> memref<16xi32, #tpu.memory_space<vmem>>
          %dma_start3A_468 = arith.constant 0 : i32
          %dma_start3A_469 = arith.constant 0 : i32
          %dma_start3A_470 = tpu.memref_slice %arg2[%dma_start3A_468, %dma_start3A_469] : memref<10000x128xf32, #tpu.memory_space<hbm>> -> memref<10000x128xf32, #tpu.memory_space<hbm>>
          %dma_start3A_471 = tpu.memref_slice %arg13[%sub3A_162] : memref<2x!tpu.dma_semaphore, #tpu.memory_space<semaphore_mem>> -> memref<1x!tpu.dma_semaphore, #tpu.memory_space<semaphore_mem>>
          %dma_start3A_472 = tpu.memref_squeeze %dma_start3A_471 : memref<1x!tpu.dma_semaphore, #tpu.memory_space<semaphore_mem>> -> memref<!tpu.dma_semaphore, #tpu.memory_space<semaphore_mem>>
          tpu.enqueue_indirect_dma source(%dma_start3A_470 : memref<10000x128xf32, #tpu.memory_space<hbm>>) target(%dma_start3A_464 : memref<16x128xf32, #tpu.memory_space<vmem>>) offsets(%dma_start3A_467 : memref<16xi32, #tpu.memory_space<vmem>>) semaphore(%dma_start3A_472 : memref<!tpu.dma_semaphore, #tpu.memory_space<semaphore_mem>>)
          %mul3A_473 = arith.constant 128 : i32
          %mul3A_474 = arith.muli %sub3A_162, %mul3A_473 : i32
          %add3A_475 = arith.constant 96 : i32
          %add3A_476 = arith.addi %mul3A_474, %add3A_475 : i32
          %dma_start3A_477 = arith.constant 0 : i32
          %dma_start3A_478 = arith.constant 0 : i32
          %dma_start3A_479 = tpu.memref_slice %arg11[%add3A_476, %dma_start3A_478] : memref<256x128xf32, #tpu.memory_space<vmem>> -> memref<16x128xf32, #tpu.memory_space<vmem>>
          %dma_start3A_480 = arith.constant 96 : i32
          %dma_start3A_481 = tpu.memref_slice %arg8[%sub3A_146, %dma_start3A_477, %dma_start3A_480] : memref<2x8x128xi32, #tpu.memory_space<vmem>> -> memref<1x1x16xi32, #tpu.memory_space<vmem>>
          %dma_start3A_482 = tpu.memref_squeeze %dma_start3A_481 : memref<1x1x16xi32, #tpu.memory_space<vmem>> -> memref<16xi32, #tpu.memory_space<vmem>>
          %dma_start3A_483 = arith.constant 0 : i32
          %dma_start3A_484 = arith.constant 0 : i32
          %dma_start3A_485 = tpu.memref_slice %arg2[%dma_start3A_483, %dma_start3A_484] : memref<10000x128xf32, #tpu.memory_space<hbm>> -> memref<10000x128xf32, #tpu.memory_space<hbm>>
          %dma_start3A_486 = tpu.memref_slice %arg13[%sub3A_162] : memref<2x!tpu.dma_semaphore, #tpu.memory_space<semaphore_mem>> -> memref<1x!tpu.dma_semaphore, #tpu.memory_space<semaphore_mem>>
          %dma_start3A_487 = tpu.memref_squeeze %dma_start3A_486 : memref<1x!tpu.dma_semaphore, #tpu.memory_space<semaphore_mem>> -> memref<!tpu.dma_semaphore, #tpu.memory_space<semaphore_mem>>
          tpu.enqueue_indirect_dma source(%dma_start3A_485 : memref<10000x128xf32, #tpu.memory_space<hbm>>) target(%dma_start3A_479 : memref<16x128xf32, #tpu.memory_space<vmem>>) offsets(%dma_start3A_482 : memref<16xi32, #tpu.memory_space<vmem>>) semaphore(%dma_start3A_487 : memref<!tpu.dma_semaphore, #tpu.memory_space<semaphore_mem>>)
          %mul3A_488 = arith.constant 128 : i32
          %mul3A_489 = arith.muli %sub3A_162, %mul3A_488 : i32
          %add3A_490 = arith.constant 112 : i32
          %add3A_491 = arith.addi %mul3A_489, %add3A_490 : i32
          %dma_start3A_492 = arith.constant 0 : i32
          %dma_start3A_493 = arith.constant 0 : i32
          %dma_start3A_494 = tpu.memref_slice %arg11[%add3A_491, %dma_start3A_493] : memref<256x128xf32, #tpu.memory_space<vmem>> -> memref<16x128xf32, #tpu.memory_space<vmem>>
          %dma_start3A_495 = arith.constant 112 : i32
          %dma_start3A_496 = tpu.memref_slice %arg8[%sub3A_146, %dma_start3A_492, %dma_start3A_495] : memref<2x8x128xi32, #tpu.memory_space<vmem>> -> memref<1x1x16xi32, #tpu.memory_space<vmem>>
          %dma_start3A_497 = tpu.memref_squeeze %dma_start3A_496 : memref<1x1x16xi32, #tpu.memory_space<vmem>> -> memref<16xi32, #tpu.memory_space<vmem>>
          %dma_start3A_498 = arith.constant 0 : i32
          %dma_start3A_499 = arith.constant 0 : i32
          %dma_start3A_500 = tpu.memref_slice %arg2[%dma_start3A_498, %dma_start3A_499] : memref<10000x128xf32, #tpu.memory_space<hbm>> -> memref<10000x128xf32, #tpu.memory_space<hbm>>
          %dma_start3A_501 = tpu.memref_slice %arg13[%sub3A_162] : memref<2x!tpu.dma_semaphore, #tpu.memory_space<semaphore_mem>> -> memref<1x!tpu.dma_semaphore, #tpu.memory_space<semaphore_mem>>
          %dma_start3A_502 = tpu.memref_squeeze %dma_start3A_501 : memref<1x!tpu.dma_semaphore, #tpu.memory_space<semaphore_mem>> -> memref<!tpu.dma_semaphore, #tpu.memory_space<semaphore_mem>>
          tpu.enqueue_indirect_dma source(%dma_start3A_500 : memref<10000x128xf32, #tpu.memory_space<hbm>>) target(%dma_start3A_494 : memref<16x128xf32, #tpu.memory_space<vmem>>) offsets(%dma_start3A_497 : memref<16xi32, #tpu.memory_space<vmem>>) semaphore(%dma_start3A_502 : memref<!tpu.dma_semaphore, #tpu.memory_space<semaphore_mem>>)
        } else {
        }
        %mul3A_191 = arith.constant 128 : i32
        %mul3A_192 = arith.muli %rem3A_160, %mul3A_191 : i32
        %add3A_193 = arith.constant 0 : i32
        %add3A_194 = arith.addi %mul3A_192, %add3A_193 : i32
        %dma_wait3A_195 = arith.constant 0 : i32
        %dma_wait3A_196 = tpu.memref_slice %arg11[%add3A_194, %dma_wait3A_195] : memref<256x128xf32, #tpu.memory_space<vmem>> -> memref<16x128xf32, #tpu.memory_space<vmem>>
        %dma_wait3A_197 = arith.constant 0 : i32
        %dma_wait3A_198 = tpu.memref_slice %arg8[%rem3A_145, %scan3A_155, %dma_wait3A_197] : memref<2x8x128xi32, #tpu.memory_space<vmem>> -> memref<1x1x16xi32, #tpu.memory_space<vmem>>
        %dma_wait3A_199 = tpu.memref_squeeze %dma_wait3A_198 : memref<1x1x16xi32, #tpu.memory_space<vmem>> -> memref<16xi32, #tpu.memory_space<vmem>>
        %dma_wait3A_200 = arith.constant 0 : i32
        %dma_wait3A_201 = arith.constant 0 : i32
        %dma_wait3A_202 = tpu.memref_slice %arg2[%dma_wait3A_200, %dma_wait3A_201] : memref<10000x128xf32, #tpu.memory_space<hbm>> -> memref<10000x128xf32, #tpu.memory_space<hbm>>
        %dma_wait3A_203 = tpu.memref_slice %arg13[%rem3A_160] : memref<2x!tpu.dma_semaphore, #tpu.memory_space<semaphore_mem>> -> memref<1x!tpu.dma_semaphore, #tpu.memory_space<semaphore_mem>>
        %dma_wait3A_204 = tpu.memref_squeeze %dma_wait3A_203 : memref<1x!tpu.dma_semaphore, #tpu.memory_space<semaphore_mem>> -> memref<!tpu.dma_semaphore, #tpu.memory_space<semaphore_mem>>
        tpu.wait_indirect_dma semaphore(%dma_wait3A_204 : memref<!tpu.dma_semaphore, #tpu.memory_space<semaphore_mem>>) src(%dma_wait3A_202 : memref<10000x128xf32, #tpu.memory_space<hbm>>) dst(%dma_wait3A_196 : memref<16x128xf32, #tpu.memory_space<vmem>>)
        %mul3A_205 = arith.constant 128 : i32
        %mul3A_206 = arith.muli %rem3A_160, %mul3A_205 : i32
        %add3A_207 = arith.constant 16 : i32
        %add3A_208 = arith.addi %mul3A_206, %add3A_207 : i32
        %dma_wait3A_209 = arith.constant 0 : i32
        %dma_wait3A_210 = tpu.memref_slice %arg11[%add3A_208, %dma_wait3A_209] : memref<256x128xf32, #tpu.memory_space<vmem>> -> memref<16x128xf32, #tpu.memory_space<vmem>>
        %dma_wait3A_211 = arith.constant 16 : i32
        %dma_wait3A_212 = tpu.memref_slice %arg8[%rem3A_145, %scan3A_155, %dma_wait3A_211] : memref<2x8x128xi32, #tpu.memory_space<vmem>> -> memref<1x1x16xi32, #tpu.memory_space<vmem>>
        %dma_wait3A_213 = tpu.memref_squeeze %dma_wait3A_212 : memref<1x1x16xi32, #tpu.memory_space<vmem>> -> memref<16xi32, #tpu.memory_space<vmem>>
        %dma_wait3A_214 = arith.constant 0 : i32
        %dma_wait3A_215 = arith.constant 0 : i32
        %dma_wait3A_216 = tpu.memref_slice %arg2[%dma_wait3A_214, %dma_wait3A_215] : memref<10000x128xf32, #tpu.memory_space<hbm>> -> memref<10000x128xf32, #tpu.memory_space<hbm>>
        %dma_wait3A_217 = tpu.memref_slice %arg13[%rem3A_160] : memref<2x!tpu.dma_semaphore, #tpu.memory_space<semaphore_mem>> -> memref<1x!tpu.dma_semaphore, #tpu.memory_space<semaphore_mem>>
        %dma_wait3A_218 = tpu.memref_squeeze %dma_wait3A_217 : memref<1x!tpu.dma_semaphore, #tpu.memory_space<semaphore_mem>> -> memref<!tpu.dma_semaphore, #tpu.memory_space<semaphore_mem>>
        tpu.wait_indirect_dma semaphore(%dma_wait3A_218 : memref<!tpu.dma_semaphore, #tpu.memory_space<semaphore_mem>>) src(%dma_wait3A_216 : memref<10000x128xf32, #tpu.memory_space<hbm>>) dst(%dma_wait3A_210 : memref<16x128xf32, #tpu.memory_space<vmem>>)
        %mul3A_219 = arith.constant 128 : i32
        %mul3A_220 = arith.muli %rem3A_160, %mul3A_219 : i32
        %add3A_221 = arith.constant 32 : i32
        %add3A_222 = arith.addi %mul3A_220, %add3A_221 : i32
        %dma_wait3A_223 = arith.constant 0 : i32
        %dma_wait3A_224 = tpu.memref_slice %arg11[%add3A_222, %dma_wait3A_223] : memref<256x128xf32, #tpu.memory_space<vmem>> -> memref<16x128xf32, #tpu.memory_space<vmem>>
        %dma_wait3A_225 = arith.constant 32 : i32
        %dma_wait3A_226 = tpu.memref_slice %arg8[%rem3A_145, %scan3A_155, %dma_wait3A_225] : memref<2x8x128xi32, #tpu.memory_space<vmem>> -> memref<1x1x16xi32, #tpu.memory_space<vmem>>
        %dma_wait3A_227 = tpu.memref_squeeze %dma_wait3A_226 : memref<1x1x16xi32, #tpu.memory_space<vmem>> -> memref<16xi32, #tpu.memory_space<vmem>>
        %dma_wait3A_228 = arith.constant 0 : i32
        %dma_wait3A_229 = arith.constant 0 : i32
        %dma_wait3A_230 = tpu.memref_slice %arg2[%dma_wait3A_228, %dma_wait3A_229] : memref<10000x128xf32, #tpu.memory_space<hbm>> -> memref<10000x128xf32, #tpu.memory_space<hbm>>
        %dma_wait3A_231 = tpu.memref_slice %arg13[%rem3A_160] : memref<2x!tpu.dma_semaphore, #tpu.memory_space<semaphore_mem>> -> memref<1x!tpu.dma_semaphore, #tpu.memory_space<semaphore_mem>>
        %dma_wait3A_232 = tpu.memref_squeeze %dma_wait3A_231 : memref<1x!tpu.dma_semaphore, #tpu.memory_space<semaphore_mem>> -> memref<!tpu.dma_semaphore, #tpu.memory_space<semaphore_mem>>
        tpu.wait_indirect_dma semaphore(%dma_wait3A_232 : memref<!tpu.dma_semaphore, #tpu.memory_space<semaphore_mem>>) src(%dma_wait3A_230 : memref<10000x128xf32, #tpu.memory_space<hbm>>) dst(%dma_wait3A_224 : memref<16x128xf32, #tpu.memory_space<vmem>>)
        %mul3A_233 = arith.constant 128 : i32
        %mul3A_234 = arith.muli %rem3A_160, %mul3A_233 : i32
        %add3A_235 = arith.constant 48 : i32
        %add3A_236 = arith.addi %mul3A_234, %add3A_235 : i32
        %dma_wait3A_237 = arith.constant 0 : i32
        %dma_wait3A_238 = tpu.memref_slice %arg11[%add3A_236, %dma_wait3A_237] : memref<256x128xf32, #tpu.memory_space<vmem>> -> memref<16x128xf32, #tpu.memory_space<vmem>>
        %dma_wait3A_239 = arith.constant 48 : i32
        %dma_wait3A_240 = tpu.memref_slice %arg8[%rem3A_145, %scan3A_155, %dma_wait3A_239] : memref<2x8x128xi32, #tpu.memory_space<vmem>> -> memref<1x1x16xi32, #tpu.memory_space<vmem>>
        %dma_wait3A_241 = tpu.memref_squeeze %dma_wait3A_240 : memref<1x1x16xi32, #tpu.memory_space<vmem>> -> memref<16xi32, #tpu.memory_space<vmem>>
        %dma_wait3A_242 = arith.constant 0 : i32
        %dma_wait3A_243 = arith.constant 0 : i32
        %dma_wait3A_244 = tpu.memref_slice %arg2[%dma_wait3A_242, %dma_wait3A_243] : memref<10000x128xf32, #tpu.memory_space<hbm>> -> memref<10000x128xf32, #tpu.memory_space<hbm>>
        %dma_wait3A_245 = tpu.memref_slice %arg13[%rem3A_160] : memref<2x!tpu.dma_semaphore, #tpu.memory_space<semaphore_mem>> -> memref<1x!tpu.dma_semaphore, #tpu.memory_space<semaphore_mem>>
        %dma_wait3A_246 = tpu.memref_squeeze %dma_wait3A_245 : memref<1x!tpu.dma_semaphore, #tpu.memory_space<semaphore_mem>> -> memref<!tpu.dma_semaphore, #tpu.memory_space<semaphore_mem>>
        tpu.wait_indirect_dma semaphore(%dma_wait3A_246 : memref<!tpu.dma_semaphore, #tpu.memory_space<semaphore_mem>>) src(%dma_wait3A_244 : memref<10000x128xf32, #tpu.memory_space<hbm>>) dst(%dma_wait3A_238 : memref<16x128xf32, #tpu.memory_space<vmem>>)
        %mul3A_247 = arith.constant 128 : i32
        %mul3A_248 = arith.muli %rem3A_160, %mul3A_247 : i32
        %add3A_249 = arith.constant 64 : i32
        %add3A_250 = arith.addi %mul3A_248, %add3A_249 : i32
        %dma_wait3A_251 = arith.constant 0 : i32
        %dma_wait3A_252 = tpu.memref_slice %arg11[%add3A_250, %dma_wait3A_251] : memref<256x128xf32, #tpu.memory_space<vmem>> -> memref<16x128xf32, #tpu.memory_space<vmem>>
        %dma_wait3A_253 = arith.constant 64 : i32
        %dma_wait3A_254 = tpu.memref_slice %arg8[%rem3A_145, %scan3A_155, %dma_wait3A_253] : memref<2x8x128xi32, #tpu.memory_space<vmem>> -> memref<1x1x16xi32, #tpu.memory_space<vmem>>
        %dma_wait3A_255 = tpu.memref_squeeze %dma_wait3A_254 : memref<1x1x16xi32, #tpu.memory_space<vmem>> -> memref<16xi32, #tpu.memory_space<vmem>>
        %dma_wait3A_256 = arith.constant 0 : i32
        %dma_wait3A_257 = arith.constant 0 : i32
        %dma_wait3A_258 = tpu.memref_slice %arg2[%dma_wait3A_256, %dma_wait3A_257] : memref<10000x128xf32, #tpu.memory_space<hbm>> -> memref<10000x128xf32, #tpu.memory_space<hbm>>
        %dma_wait3A_259 = tpu.memref_slice %arg13[%rem3A_160] : memref<2x!tpu.dma_semaphore, #tpu.memory_space<semaphore_mem>> -> memref<1x!tpu.dma_semaphore, #tpu.memory_space<semaphore_mem>>
        %dma_wait3A_260 = tpu.memref_squeeze %dma_wait3A_259 : memref<1x!tpu.dma_semaphore, #tpu.memory_space<semaphore_mem>> -> memref<!tpu.dma_semaphore, #tpu.memory_space<semaphore_mem>>
        tpu.wait_indirect_dma semaphore(%dma_wait3A_260 : memref<!tpu.dma_semaphore, #tpu.memory_space<semaphore_mem>>) src(%dma_wait3A_258 : memref<10000x128xf32, #tpu.memory_space<hbm>>) dst(%dma_wait3A_252 : memref<16x128xf32, #tpu.memory_space<vmem>>)
        %mul3A_261 = arith.constant 128 : i32
        %mul3A_262 = arith.muli %rem3A_160, %mul3A_261 : i32
        %add3A_263 = arith.constant 80 : i32
        %add3A_264 = arith.addi %mul3A_262, %add3A_263 : i32
        %dma_wait3A_265 = arith.constant 0 : i32
        %dma_wait3A_266 = tpu.memref_slice %arg11[%add3A_264, %dma_wait3A_265] : memref<256x128xf32, #tpu.memory_space<vmem>> -> memref<16x128xf32, #tpu.memory_space<vmem>>
        %dma_wait3A_267 = arith.constant 80 : i32
        %dma_wait3A_268 = tpu.memref_slice %arg8[%rem3A_145, %scan3A_155, %dma_wait3A_267] : memref<2x8x128xi32, #tpu.memory_space<vmem>> -> memref<1x1x16xi32, #tpu.memory_space<vmem>>
        %dma_wait3A_269 = tpu.memref_squeeze %dma_wait3A_268 : memref<1x1x16xi32, #tpu.memory_space<vmem>> -> memref<16xi32, #tpu.memory_space<vmem>>
        %dma_wait3A_270 = arith.constant 0 : i32
        %dma_wait3A_271 = arith.constant 0 : i32
        %dma_wait3A_272 = tpu.memref_slice %arg2[%dma_wait3A_270, %dma_wait3A_271] : memref<10000x128xf32, #tpu.memory_space<hbm>> -> memref<10000x128xf32, #tpu.memory_space<hbm>>
        %dma_wait3A_273 = tpu.memref_slice %arg13[%rem3A_160] : memref<2x!tpu.dma_semaphore, #tpu.memory_space<semaphore_mem>> -> memref<1x!tpu.dma_semaphore, #tpu.memory_space<semaphore_mem>>
        %dma_wait3A_274 = tpu.memref_squeeze %dma_wait3A_273 : memref<1x!tpu.dma_semaphore, #tpu.memory_space<semaphore_mem>> -> memref<!tpu.dma_semaphore, #tpu.memory_space<semaphore_mem>>
        tpu.wait_indirect_dma semaphore(%dma_wait3A_274 : memref<!tpu.dma_semaphore, #tpu.memory_space<semaphore_mem>>) src(%dma_wait3A_272 : memref<10000x128xf32, #tpu.memory_space<hbm>>) dst(%dma_wait3A_266 : memref<16x128xf32, #tpu.memory_space<vmem>>)
        %mul3A_275 = arith.constant 128 : i32
        %mul3A_276 = arith.muli %rem3A_160, %mul3A_275 : i32
        %add3A_277 = arith.constant 96 : i32
        %add3A_278 = arith.addi %mul3A_276, %add3A_277 : i32
        %dma_wait3A_279 = arith.constant 0 : i32
        %dma_wait3A_280 = tpu.memref_slice %arg11[%add3A_278, %dma_wait3A_279] : memref<256x128xf32, #tpu.memory_space<vmem>> -> memref<16x128xf32, #tpu.memory_space<vmem>>
        %dma_wait3A_281 = arith.constant 96 : i32
        %dma_wait3A_282 = tpu.memref_slice %arg8[%rem3A_145, %scan3A_155, %dma_wait3A_281] : memref<2x8x128xi32, #tpu.memory_space<vmem>> -> memref<1x1x16xi32, #tpu.memory_space<vmem>>
        %dma_wait3A_283 = tpu.memref_squeeze %dma_wait3A_282 : memref<1x1x16xi32, #tpu.memory_space<vmem>> -> memref<16xi32, #tpu.memory_space<vmem>>
        %dma_wait3A_284 = arith.constant 0 : i32
        %dma_wait3A_285 = arith.constant 0 : i32
        %dma_wait3A_286 = tpu.memref_slice %arg2[%dma_wait3A_284, %dma_wait3A_285] : memref<10000x128xf32, #tpu.memory_space<hbm>> -> memref<10000x128xf32, #tpu.memory_space<hbm>>
        %dma_wait3A_287 = tpu.memref_slice %arg13[%rem3A_160] : memref<2x!tpu.dma_semaphore, #tpu.memory_space<semaphore_mem>> -> memref<1x!tpu.dma_semaphore, #tpu.memory_space<semaphore_mem>>
        %dma_wait3A_288 = tpu.memref_squeeze %dma_wait3A_287 : memref<1x!tpu.dma_semaphore, #tpu.memory_space<semaphore_mem>> -> memref<!tpu.dma_semaphore, #tpu.memory_space<semaphore_mem>>
        tpu.wait_indirect_dma semaphore(%dma_wait3A_288 : memref<!tpu.dma_semaphore, #tpu.memory_space<semaphore_mem>>) src(%dma_wait3A_286 : memref<10000x128xf32, #tpu.memory_space<hbm>>) dst(%dma_wait3A_280 : memref<16x128xf32, #tpu.memory_space<vmem>>)
        %mul3A_289 = arith.constant 128 : i32
        %mul3A_290 = arith.muli %rem3A_160, %mul3A_289 : i32
        %add3A_291 = arith.constant 112 : i32
        %add3A_292 = arith.addi %mul3A_290, %add3A_291 : i32
        %dma_wait3A_293 = arith.constant 0 : i32
        %dma_wait3A_294 = tpu.memref_slice %arg11[%add3A_292, %dma_wait3A_293] : memref<256x128xf32, #tpu.memory_space<vmem>> -> memref<16x128xf32, #tpu.memory_space<vmem>>
        %dma_wait3A_295 = arith.constant 112 : i32
        %dma_wait3A_296 = tpu.memref_slice %arg8[%rem3A_145, %scan3A_155, %dma_wait3A_295] : memref<2x8x128xi32, #tpu.memory_space<vmem>> -> memref<1x1x16xi32, #tpu.memory_space<vmem>>
        %dma_wait3A_297 = tpu.memref_squeeze %dma_wait3A_296 : memref<1x1x16xi32, #tpu.memory_space<vmem>> -> memref<16xi32, #tpu.memory_space<vmem>>
        %dma_wait3A_298 = arith.constant 0 : i32
        %dma_wait3A_299 = arith.constant 0 : i32
        %dma_wait3A_300 = tpu.memref_slice %arg2[%dma_wait3A_298, %dma_wait3A_299] : memref<10000x128xf32, #tpu.memory_space<hbm>> -> memref<10000x128xf32, #tpu.memory_space<hbm>>
        %dma_wait3A_301 = tpu.memref_slice %arg13[%rem3A_160] : memref<2x!tpu.dma_semaphore, #tpu.memory_space<semaphore_mem>> -> memref<1x!tpu.dma_semaphore, #tpu.memory_space<semaphore_mem>>
        %dma_wait3A_302 = tpu.memref_squeeze %dma_wait3A_301 : memref<1x!tpu.dma_semaphore, #tpu.memory_space<semaphore_mem>> -> memref<!tpu.dma_semaphore, #tpu.memory_space<semaphore_mem>>
        tpu.wait_indirect_dma semaphore(%dma_wait3A_302 : memref<!tpu.dma_semaphore, #tpu.memory_space<semaphore_mem>>) src(%dma_wait3A_300 : memref<10000x128xf32, #tpu.memory_space<hbm>>) dst(%dma_wait3A_294 : memref<16x128xf32, #tpu.memory_space<vmem>>)
        %scan3A_303 = arith.constant 0 : i32
        %scan3A_304 = arith.constant 0 : i32
        %scan3A_305 = arith.constant 8 : i32
        %scan3A_306 = arith.addi %scan3A_304, %scan3A_305 : i32
        %scan3A_307 = arith.constant 1 : i32
        %scan3A_308 = scf.for %scan3A_323 = %scan3A_304 to %scan3A_306 step %scan3A_307 iter_args(%scan3A_324 = %scan3A_303) -> (i32)  : i32 {
          %mul3A_325 = arith.constant 16 : i32
          %mul3A_326 = arith.muli %scan3A_323, %mul3A_325 : i32
          %get3A = arith.index_cast %rem3A_145 : i32 to index
          %get3A_327 = arith.index_cast %scan3A_155 : i32 to index
          %get3A_328 = arith.index_cast %mul3A_326 : i32 to index
          %get3A_329 = tpu.vector_load %arg10[%get3A, %get3A_327, %get3A_328] {strides = array<i32>} : memref<2x8x128xf32, #tpu.memory_space<vmem>>, vector<1x1x16xf32>,
          %get3A_330 = vector.shape_cast %get3A_329 : vector<1x1x16xf32> to vector<16xf32>
          %broadcast_in_dim3A = arith.constant 0 : i32
          %broadcast_in_dim3A_331 = vector.broadcast %broadcast_in_dim3A : i32 to vector<16x1xi32>
          %gather3A = vector.shape_cast %broadcast_in_dim3A_331 : vector<16x1xi32> to vector<16xi32>
          %gather3A_332 = tpu.dynamic_gather %get3A_330[%gather3A] in [0] : vector<16xf32>, vector<16xi32> -> vector<16xf32>
          %mul3A_333 = arith.constant 128 : i32
          %mul3A_334 = arith.muli %rem3A_160, %mul3A_333 : i32
          %mul3A_335 = arith.constant 16 : i32
          %mul3A_336 = arith.muli %scan3A_323, %mul3A_335 : i32
          %add3A_337 = arith.addi %mul3A_334, %mul3A_336 : i32
          %add3A_338 = arith.constant 0 : i32
          %add3A_339 = arith.addi %add3A_337, %add3A_338 : i32
          %get3A_340 = arith.index_cast %add3A_339 : i32 to index
          %get3A_341 = arith.constant 0 : index
          %get3A_342 = tpu.vector_load %arg11[%get3A_340, %get3A_341] {strides = array<i32>} : memref<256x128xf32, #tpu.memory_space<vmem>>, vector<1x16xf32>,
          %get3A_343 = vector.shape_cast %get3A_342 : vector<1x16xf32> to vector<16xf32>
          %mul3A_344 = arith.mulf %get3A_343, %gather3A_332 : vector<16xf32>
          %swap3A = arith.index_cast %add3A_339 : i32 to index
          %swap3A_345 = arith.constant 0 : index
          %swap3A_346 = tpu.vector_load %arg11[%swap3A, %swap3A_345] {strides = array<i32>} : memref<256x128xf32, #tpu.memory_space<vmem>>, vector<1x16xf32>,
          %swap3A_347 = vector.shape_cast %swap3A_346 : vector<1x16xf32> to vector<16xf32>
          %swap3A_348 = vector.shape_cast %mul3A_344 : vector<16xf32> to vector<1x16xf32>
          tpu.vector_store %arg11[%swap3A, %swap3A_345], %swap3A_348 {strides = array<i32>} : memref<256x128xf32, #tpu.memory_space<vmem>>, vector<1x16xf32>,
          %get3A_349 = arith.index_cast %add3A_339 : i32 to index
          %get3A_350 = arith.constant 16 : index
          %get3A_351 = tpu.vector_load %arg11[%get3A_349, %get3A_350] {strides = array<i32>} : memref<256x128xf32, #tpu.memory_space<vmem>>, vector<1x16xf32>,
          %get3A_352 = vector.shape_cast %get3A_351 : vector<1x16xf32> to vector<16xf32>
          %mul3A_353 = arith.mulf %get3A_352, %gather3A_332 : vector<16xf32>
          %swap3A_354 = arith.index_cast %add3A_339 : i32 to index
          %swap3A_355 = arith.constant 16 : index
          %swap3A_356 = tpu.vector_load %arg11[%swap3A_354, %swap3A_355] {strides = array<i32>} : memref<256x128xf32, #tpu.memory_space<vmem>>, vector<1x16xf32>,
          %swap3A_357 = vector.shape_cast %swap3A_356 : vector<1x16xf32> to vector<16xf32>
          %swap3A_358 = vector.shape_cast %mul3A_353 : vector<16xf32> to vector<1x16xf32>
          tpu.vector_store %arg11[%swap3A_354, %swap3A_355], %swap3A_358 {strides = array<i32>} : memref<256x128xf32, #tpu.memory_space<vmem>>, vector<1x16xf32>,
          %get3A_359 = arith.index_cast %add3A_339 : i32 to index
          %get3A_360 = arith.constant 32 : index
          %get3A_361 = tpu.vector_load %arg11[%get3A_359, %get3A_360] {strides = array<i32>} : memref<256x128xf32, #tpu.memory_space<vmem>>, vector<1x16xf32>,
          %get3A_362 = vector.shape_cast %get3A_361 : vector<1x16xf32> to vector<16xf32>
          %mul3A_363 = arith.mulf %get3A_362, %gather3A_332 : vector<16xf32>
          %swap3A_364 = arith.index_cast %add3A_339 : i32 to index
          %swap3A_365 = arith.constant 32 : index
          %swap3A_366 = tpu.vector_load %arg11[%swap3A_364, %swap3A_365] {strides = array<i32>} : memref<256x128xf32, #tpu.memory_space<vmem>>, vector<1x16xf32>,
          %swap3A_367 = vector.shape_cast %swap3A_366 : vector<1x16xf32> to vector<16xf32>
          %swap3A_368 = vector.shape_cast %mul3A_363 : vector<16xf32> to vector<1x16xf32>
          tpu.vector_store %arg11[%swap3A_364, %swap3A_365], %swap3A_368 {strides = array<i32>} : memref<256x128xf32, #tpu.memory_space<vmem>>, vector<1x16xf32>,
          %get3A_369 = arith.index_cast %add3A_339 : i32 to index
          %get3A_370 = arith.constant 48 : index
          %get3A_371 = tpu.vector_load %arg11[%get3A_369, %get3A_370] {strides = array<i32>} : memref<256x128xf32, #tpu.memory_space<vmem>>, vector<1x16xf32>,
          %get3A_372 = vector.shape_cast %get3A_371 : vector<1x16xf32> to vector<16xf32>
          %mul3A_373 = arith.mulf %get3A_372, %gather3A_332 : vector<16xf32>
          %swap3A_374 = arith.index_cast %add3A_339 : i32 to index
          %swap3A_375 = arith.constant 48 : index
          %swap3A_376 = tpu.vector_load %arg11[%swap3A_374, %swap3A_375] {strides = array<i32>} : memref<256x128xf32, #tpu.memory_space<vmem>>, vector<1x16xf32>,
          %swap3A_377 = vector.shape_cast %swap3A_376 : vector<1x16xf32> to vector<16xf32>
          %swap3A_378 = vector.shape_cast %mul3A_373 : vector<16xf32> to vector<1x16xf32>
          tpu.vector_store %arg11[%swap3A_374, %swap3A_375], %swap3A_378 {strides = array<i32>} : memref<256x128xf32, #tpu.memory_space<vmem>>, vector<1x16xf32>,
          %get3A_379 = arith.index_cast %add3A_339 : i32 to index
          %get3A_380 = arith.constant 64 : index
          %get3A_381 = tpu.vector_load %arg11[%get3A_379, %get3A_380] {strides = array<i32>} : memref<256x128xf32, #tpu.memory_space<vmem>>, vector<1x16xf32>,
          %get3A_382 = vector.shape_cast %get3A_381 : vector<1x16xf32> to vector<16xf32>
          %mul3A_383 = arith.mulf %get3A_382, %gather3A_332 : vector<16xf32>
          %swap3A_384 = arith.index_cast %add3A_339 : i32 to index
          %swap3A_385 = arith.constant 64 : index
          %swap3A_386 = tpu.vector_load %arg11[%swap3A_384, %swap3A_385] {strides = array<i32>} : memref<256x128xf32, #tpu.memory_space<vmem>>, vector<1x16xf32>,
          %swap3A_387 = vector.shape_cast %swap3A_386 : vector<1x16xf32> to vector<16xf32>
          %swap3A_388 = vector.shape_cast %mul3A_383 : vector<16xf32> to vector<1x16xf32>
          tpu.vector_store %arg11[%swap3A_384, %swap3A_385], %swap3A_388 {strides = array<i32>} : memref<256x128xf32, #tpu.memory_space<vmem>>, vector<1x16xf32>,
          %get3A_389 = arith.index_cast %add3A_339 : i32 to index
          %get3A_390 = arith.constant 80 : index
          %get3A_391 = tpu.vector_load %arg11[%get3A_389, %get3A_390] {strides = array<i32>} : memref<256x128xf32, #tpu.memory_space<vmem>>, vector<1x16xf32>,
          %get3A_392 = vector.shape_cast %get3A_391 : vector<1x16xf32> to vector<16xf32>
          %mul3A_393 = arith.mulf %get3A_392, %gather3A_332 : vector<16xf32>
          %swap3A_394 = arith.index_cast %add3A_339 : i32 to index
          %swap3A_395 = arith.constant 80 : index
          %swap3A_396 = tpu.vector_load %arg11[%swap3A_394, %swap3A_395] {strides = array<i32>} : memref<256x128xf32, #tpu.memory_space<vmem>>, vector<1x16xf32>,
          %swap3A_397 = vector.shape_cast %swap3A_396 : vector<1x16xf32> to vector<16xf32>
          %swap3A_398 = vector.shape_cast %mul3A_393 : vector<16xf32> to vector<1x16xf32>
          tpu.vector_store %arg11[%swap3A_394, %swap3A_395], %swap3A_398 {strides = array<i32>} : memref<256x128xf32, #tpu.memory_space<vmem>>, vector<1x16xf32>,
          %get3A_399 = arith.index_cast %add3A_339 : i32 to index
          %get3A_400 = arith.constant 96 : index
          %get3A_401 = tpu.vector_load %arg11[%get3A_399, %get3A_400] {strides = array<i32>} : memref<256x128xf32, #tpu.memory_space<vmem>>, vector<1x16xf32>,
          %get3A_402 = vector.shape_cast %get3A_401 : vector<1x16xf32> to vector<16xf32>
          %mul3A_403 = arith.mulf %get3A_402, %gather3A_332 : vector<16xf32>
          %swap3A_404 = arith.index_cast %add3A_339 : i32 to index
          %swap3A_405 = arith.constant 96 : index
          %swap3A_406 = tpu.vector_load %arg11[%swap3A_404, %swap3A_405] {strides = array<i32>} : memref<256x128xf32, #tpu.memory_space<vmem>>, vector<1x16xf32>,
          %swap3A_407 = vector.shape_cast %swap3A_406 : vector<1x16xf32> to vector<16xf32>
          %swap3A_408 = vector.shape_cast %mul3A_403 : vector<16xf32> to vector<1x16xf32>
          tpu.vector_store %arg11[%swap3A_404, %swap3A_405], %swap3A_408 {strides = array<i32>} : memref<256x128xf32, #tpu.memory_space<vmem>>, vector<1x16xf32>,
          %get3A_409 = arith.index_cast %add3A_339 : i32 to index
          %get3A_410 = arith.constant 112 : index
          %get3A_411 = tpu.vector_load %arg11[%get3A_409, %get3A_410] {strides = array<i32>} : memref<256x128xf32, #tpu.memory_space<vmem>>, vector<1x16xf32>,
          %get3A_412 = vector.shape_cast %get3A_411 : vector<1x16xf32> to vector<16xf32>
          %mul3A_413 = arith.mulf %get3A_412, %gather3A_332 : vector<16xf32>
          %swap3A_414 = arith.index_cast %add3A_339 : i32 to index
          %swap3A_415 = arith.constant 112 : index
          %swap3A_416 = tpu.vector_load %arg11[%swap3A_414, %swap3A_415] {strides = array<i32>} : memref<256x128xf32, #tpu.memory_space<vmem>>, vector<1x16xf32>,
          %swap3A_417 = vector.shape_cast %swap3A_416 : vector<1x16xf32> to vector<16xf32>
          %swap3A_418 = vector.shape_cast %mul3A_413 : vector<16xf32> to vector<1x16xf32>
          tpu.vector_store %arg11[%swap3A_414, %swap3A_415], %swap3A_418 {strides = array<i32>} : memref<256x128xf32, #tpu.memory_space<vmem>>, vector<1x16xf32>,
          %broadcast_in_dim3A_419 = arith.constant 1 : i32
          %broadcast_in_dim3A_420 = vector.broadcast %broadcast_in_dim3A_419 : i32 to vector<16x1xi32>
          %gather3A_421 = vector.shape_cast %broadcast_in_dim3A_420 : vector<16x1xi32> to vector<16xi32>
          %gather3A_422 = tpu.dynamic_gather %get3A_330[%gather3A_421] in [0] : vector<16xf32>, vector<16xi32> -> vector<16xf32>
          %mul3A_423 = arith.constant 128 : i32
          %mul3A_424 = arith.muli %rem3A_160, %mul3A_423 : i32
          %mul3A_425 = arith.constant 16 : i32
          %mul3A_426 = arith.muli %scan3A_323, %mul3A_425 : i32
          %add3A_427 = arith.addi %mul3A_424, %mul3A_426 : i32
          %add3A_428 = arith.constant 1 : i32
          %add3A_429 = arith.addi %add3A_427, %add3A_428 : i32
          %get3A_430 = arith.index_cast %add3A_429 : i32 to index
          %get3A_431 = arith.constant 0 : index
          %get3A_432 = tpu.vector_load %arg11[%get3A_430, %get3A_431] {strides = array<i32>} : memref<256x128xf32, #tpu.memory_space<vmem>>, vector<1x16xf32>,
          %get3A_433 = vector.shape_cast %get3A_432 : vector<1x16xf32> to vector<16xf32>
          %mul3A_434 = arith.mulf %get3A_433, %gather3A_422 : vector<16xf32>
          %swap3A_435 = arith.index_cast %add3A_429 : i32 to index
          %swap3A_436 = arith.constant 0 : index
          %swap3A_437 = tpu.vector_load %arg11[%swap3A_435, %swap3A_436] {strides = array<i32>} : memref<256x128xf32, #tpu.memory_space<vmem>>, vector<1x16xf32>,
          %swap3A_438 = vector.shape_cast %swap3A_437 : vector<1x16xf32> to vector<16xf32>
          %swap3A_439 = vector.shape_cast %mul3A_434 : vector<16xf32> to vector<1x16xf32>
          tpu.vector_store %arg11[%swap3A_435, %swap3A_436], %swap3A_439 {strides = array<i32>} : memref<256x128xf32, #tpu.memory_space<vmem>>, vector<1x16xf32>,
          %get3A_440 = arith.index_cast %add3A_429 : i32 to index
          %get3A_441 = arith.constant 16 : index
          %get3A_442 = tpu.vector_load %arg11[%get3A_440, %get3A_441] {strides = array<i32>} : memref<256x128xf32, #tpu.memory_space<vmem>>, vector<1x16xf32>,
          %get3A_443 = vector.shape_cast %get3A_442 : vector<1x16xf32> to vector<16xf32>
          %mul3A_444 = arith.mulf %get3A_443, %gather3A_422 : vector<16xf32>
          %swap3A_445 = arith.index_cast %add3A_429 : i32 to index
          %swap3A_446 = arith.constant 16 : index
          %swap3A_447 = tpu.vector_load %arg11[%swap3A_445, %swap3A_446] {strides = array<i32>} : memref<256x128xf32, #tpu.memory_space<vmem>>, vector<1x16xf32>,
          %swap3A_448 = vector.shape_cast %swap3A_447 : vector<1x16xf32> to vector<16xf32>
          %swap3A_449 = vector.shape_cast %mul3A_444 : vector<16xf32> to vector<1x16xf32>
          tpu.vector_store %arg11[%swap3A_445, %swap3A_446], %swap3A_449 {strides = array<i32>} : memref<256x128xf32, #tpu.memory_space<vmem>>, vector<1x16xf32>,
          %get3A_450 = arith.index_cast %add3A_429 : i32 to index
          %get3A_451 = arith.constant 32 : index
          %get3A_452 = tpu.vector_load %arg11[%get3A_450, %get3A_451] {strides = array<i32>} : memref<256x128xf32, #tpu.memory_space<vmem>>, vector<1x16xf32>,
          %get3A_453 = vector.shape_cast %get3A_452 : vector<1x16xf32> to vector<16xf32>
          %mul3A_454 = arith.mulf %get3A_453, %gather3A_422 : vector<16xf32>
          %swap3A_455 = arith.index_cast %add3A_429 : i32 to index
          %swap3A_456 = arith.constant 32 : index
          %swap3A_457 = tpu.vector_load %arg11[%swap3A_455, %swap3A_456] {strides = array<i32>} : memref<256x128xf32, #tpu.memory_space<vmem>>, vector<1x16xf32>,
          %swap3A_458 = vector.shape_cast %swap3A_457 : vector<1x16xf32> to vector<16xf32>
          %swap3A_459 = vector.shape_cast %mul3A_454 : vector<16xf32> to vector<1x16xf32>
          tpu.vector_store %arg11[%swap3A_455, %swap3A_456], %swap3A_459 {strides = array<i32>} : memref<256x128xf32, #tpu.memory_space<vmem>>, vector<1x16xf32>,
          %get3A_460 = arith.index_cast %add3A_429 : i32 to index
          %get3A_461 = arith.constant 48 : index
          %get3A_462 = tpu.vector_load %arg11[%get3A_460, %get3A_461] {strides = array<i32>} : memref<256x128xf32, #tpu.memory_space<vmem>>, vector<1x16xf32>,
          %get3A_463 = vector.shape_cast %get3A_462 : vector<1x16xf32> to vector<16xf32>
          %mul3A_464 = arith.mulf %get3A_463, %gather3A_422 : vector<16xf32>
          %swap3A_465 = arith.index_cast %add3A_429 : i32 to index
          %swap3A_466 = arith.constant 48 : index
          %swap3A_467 = tpu.vector_load %arg11[%swap3A_465, %swap3A_466] {strides = array<i32>} : memref<256x128xf32, #tpu.memory_space<vmem>>, vector<1x16xf32>,
          %swap3A_468 = vector.shape_cast %swap3A_467 : vector<1x16xf32> to vector<16xf32>
          %swap3A_469 = vector.shape_cast %mul3A_464 : vector<16xf32> to vector<1x16xf32>
          tpu.vector_store %arg11[%swap3A_465, %swap3A_466], %swap3A_469 {strides = array<i32>} : memref<256x128xf32, #tpu.memory_space<vmem>>, vector<1x16xf32>,
          %get3A_470 = arith.index_cast %add3A_429 : i32 to index
          %get3A_471 = arith.constant 64 : index
          %get3A_472 = tpu.vector_load %arg11[%get3A_470, %get3A_471] {strides = array<i32>} : memref<256x128xf32, #tpu.memory_space<vmem>>, vector<1x16xf32>,
          %get3A_473 = vector.shape_cast %get3A_472 : vector<1x16xf32> to vector<16xf32>
          %mul3A_474 = arith.mulf %get3A_473, %gather3A_422 : vector<16xf32>
          %swap3A_475 = arith.index_cast %add3A_429 : i32 to index
          %swap3A_476 = arith.constant 64 : index
          %swap3A_477 = tpu.vector_load %arg11[%swap3A_475, %swap3A_476] {strides = array<i32>} : memref<256x128xf32, #tpu.memory_space<vmem>>, vector<1x16xf32>,
          %swap3A_478 = vector.shape_cast %swap3A_477 : vector<1x16xf32> to vector<16xf32>
          %swap3A_479 = vector.shape_cast %mul3A_474 : vector<16xf32> to vector<1x16xf32>
          tpu.vector_store %arg11[%swap3A_475, %swap3A_476], %swap3A_479 {strides = array<i32>} : memref<256x128xf32, #tpu.memory_space<vmem>>, vector<1x16xf32>,
          %get3A_480 = arith.index_cast %add3A_429 : i32 to index
          %get3A_481 = arith.constant 80 : index
          %get3A_482 = tpu.vector_load %arg11[%get3A_480, %get3A_481] {strides = array<i32>} : memref<256x128xf32, #tpu.memory_space<vmem>>, vector<1x16xf32>,
          %get3A_483 = vector.shape_cast %get3A_482 : vector<1x16xf32> to vector<16xf32>
          %mul3A_484 = arith.mulf %get3A_483, %gather3A_422 : vector<16xf32>
          %swap3A_485 = arith.index_cast %add3A_429 : i32 to index
          %swap3A_486 = arith.constant 80 : index
          %swap3A_487 = tpu.vector_load %arg11[%swap3A_485, %swap3A_486] {strides = array<i32>} : memref<256x128xf32, #tpu.memory_space<vmem>>, vector<1x16xf32>,
          %swap3A_488 = vector.shape_cast %swap3A_487 : vector<1x16xf32> to vector<16xf32>
          %swap3A_489 = vector.shape_cast %mul3A_484 : vector<16xf32> to vector<1x16xf32>
          tpu.vector_store %arg11[%swap3A_485, %swap3A_486], %swap3A_489 {strides = array<i32>} : memref<256x128xf32, #tpu.memory_space<vmem>>, vector<1x16xf32>,
          %get3A_490 = arith.index_cast %add3A_429 : i32 to index
          %get3A_491 = arith.constant 96 : index
          %get3A_492 = tpu.vector_load %arg11[%get3A_490, %get3A_491] {strides = array<i32>} : memref<256x128xf32, #tpu.memory_space<vmem>>, vector<1x16xf32>,
          %get3A_493 = vector.shape_cast %get3A_492 : vector<1x16xf32> to vector<16xf32>
          %mul3A_494 = arith.mulf %get3A_493, %gather3A_422 : vector<16xf32>
          %swap3A_495 = arith.index_cast %add3A_429 : i32 to index
          %swap3A_496 = arith.constant 96 : index
          %swap3A_497 = tpu.vector_load %arg11[%swap3A_495, %swap3A_496] {strides = array<i32>} : memref<256x128xf32, #tpu.memory_space<vmem>>, vector<1x16xf32>,
          %swap3A_498 = vector.shape_cast %swap3A_497 : vector<1x16xf32> to vector<16xf32>
          %swap3A_499 = vector.shape_cast %mul3A_494 : vector<16xf32> to vector<1x16xf32>
          tpu.vector_store %arg11[%swap3A_495, %swap3A_496], %swap3A_499 {strides = array<i32>} : memref<256x128xf32, #tpu.memory_space<vmem>>, vector<1x16xf32>,
          %get3A_500 = arith.index_cast %add3A_429 : i32 to index
          %get3A_501 = arith.constant 112 : index
          %get3A_502 = tpu.vector_load %arg11[%get3A_500, %get3A_501] {strides = array<i32>} : memref<256x128xf32, #tpu.memory_space<vmem>>, vector<1x16xf32>,
          %get3A_503 = vector.shape_cast %get3A_502 : vector<1x16xf32> to vector<16xf32>
          %mul3A_504 = arith.mulf %get3A_503, %gather3A_422 : vector<16xf32>
          %swap3A_505 = arith.index_cast %add3A_429 : i32 to index
          %swap3A_506 = arith.constant 112 : index
          %swap3A_507 = tpu.vector_load %arg11[%swap3A_505, %swap3A_506] {strides = array<i32>} : memref<256x128xf32, #tpu.memory_space<vmem>>, vector<1x16xf32>,
          %swap3A_508 = vector.shape_cast %swap3A_507 : vector<1x16xf32> to vector<16xf32>
          %swap3A_509 = vector.shape_cast %mul3A_504 : vector<16xf32> to vector<1x16xf32>
          tpu.vector_store %arg11[%swap3A_505, %swap3A_506], %swap3A_509 {strides = array<i32>} : memref<256x128xf32, #tpu.memory_space<vmem>>, vector<1x16xf32>,
          %broadcast_in_dim3A_510 = arith.constant 2 : i32
          %broadcast_in_dim3A_511 = vector.broadcast %broadcast_in_dim3A_510 : i32 to vector<16x1xi32>
          %gather3A_512 = vector.shape_cast %broadcast_in_dim3A_511 : vector<16x1xi32> to vector<16xi32>
          %gather3A_513 = tpu.dynamic_gather %get3A_330[%gather3A_512] in [0] : vector<16xf32>, vector<16xi32> -> vector<16xf32>
          %mul3A_514 = arith.constant 128 : i32
          %mul3A_515 = arith.muli %rem3A_160, %mul3A_514 : i32
          %mul3A_516 = arith.constant 16 : i32
          %mul3A_517 = arith.muli %scan3A_323, %mul3A_516 : i32
          %add3A_518 = arith.addi %mul3A_515, %mul3A_517 : i32
          %add3A_519 = arith.constant 2 : i32
          %add3A_520 = arith.addi %add3A_518, %add3A_519 : i32
          %get3A_521 = arith.index_cast %add3A_520 : i32 to index
          %get3A_522 = arith.constant 0 : index
          %get3A_523 = tpu.vector_load %arg11[%get3A_521, %get3A_522] {strides = array<i32>} : memref<256x128xf32, #tpu.memory_space<vmem>>, vector<1x16xf32>,
          %get3A_524 = vector.shape_cast %get3A_523 : vector<1x16xf32> to vector<16xf32>
          %mul3A_525 = arith.mulf %get3A_524, %gather3A_513 : vector<16xf32>
          %swap3A_526 = arith.index_cast %add3A_520 : i32 to index
          %swap3A_527 = arith.constant 0 : index
          %swap3A_528 = tpu.vector_load %arg11[%swap3A_526, %swap3A_527] {strides = array<i32>} : memref<256x128xf32, #tpu.memory_space<vmem>>, vector<1x16xf32>,
          %swap3A_529 = vector.shape_cast %swap3A_528 : vector<1x16xf32> to vector<16xf32>
          %swap3A_530 = vector.shape_cast %mul3A_525 : vector<16xf32> to vector<1x16xf32>
          tpu.vector_store %arg11[%swap3A_526, %swap3A_527], %swap3A_530 {strides = array<i32>} : memref<256x128xf32, #tpu.memory_space<vmem>>, vector<1x16xf32>,
          %get3A_531 = arith.index_cast %add3A_520 : i32 to index
          %get3A_532 = arith.constant 16 : index
          %get3A_533 = tpu.vector_load %arg11[%get3A_531, %get3A_532] {strides = array<i32>} : memref<256x128xf32, #tpu.memory_space<vmem>>, vector<1x16xf32>,
          %get3A_534 = vector.shape_cast %get3A_533 : vector<1x16xf32> to vector<16xf32>
          %mul3A_535 = arith.mulf %get3A_534, %gather3A_513 : vector<16xf32>
          %swap3A_536 = arith.index_cast %add3A_520 : i32 to index
          %swap3A_537 = arith.constant 16 : index
          %swap3A_538 = tpu.vector_load %arg11[%swap3A_536, %swap3A_537] {strides = array<i32>} : memref<256x128xf32, #tpu.memory_space<vmem>>, vector<1x16xf32>,
          %swap3A_539 = vector.shape_cast %swap3A_538 : vector<1x16xf32> to vector<16xf32>
          %swap3A_540 = vector.shape_cast %mul3A_535 : vector<16xf32> to vector<1x16xf32>
          tpu.vector_store %arg11[%swap3A_536, %swap3A_537], %swap3A_540 {strides = array<i32>} : memref<256x128xf32, #tpu.memory_space<vmem>>, vector<1x16xf32>,
          %get3A_541 = arith.index_cast %add3A_520 : i32 to index
          %get3A_542 = arith.constant 32 : index
          %get3A_543 = tpu.vector_load %arg11[%get3A_541, %get3A_542] {strides = array<i32>} : memref<256x128xf32, #tpu.memory_space<vmem>>, vector<1x16xf32>,
          %get3A_544 = vector.shape_cast %get3A_543 : vector<1x16xf32> to vector<16xf32>
          %mul3A_545 = arith.mulf %get3A_544, %gather3A_513 : vector<16xf32>
          %swap3A_546 = arith.index_cast %add3A_520 : i32 to index
          %swap3A_547 = arith.constant 32 : index
          %swap3A_548 = tpu.vector_load %arg11[%swap3A_546, %swap3A_547] {strides = array<i32>} : memref<256x128xf32, #tpu.memory_space<vmem>>, vector<1x16xf32>,
          %swap3A_549 = vector.shape_cast %swap3A_548 : vector<1x16xf32> to vector<16xf32>
          %swap3A_550 = vector.shape_cast %mul3A_545 : vector<16xf32> to vector<1x16xf32>
          tpu.vector_store %arg11[%swap3A_546, %swap3A_547], %swap3A_550 {strides = array<i32>} : memref<256x128xf32, #tpu.memory_space<vmem>>, vector<1x16xf32>,
          %get3A_551 = arith.index_cast %add3A_520 : i32 to index
          %get3A_552 = arith.constant 48 : index
          %get3A_553 = tpu.vector_load %arg11[%get3A_551, %get3A_552] {strides = array<i32>} : memref<256x128xf32, #tpu.memory_space<vmem>>, vector<1x16xf32>,
          %get3A_554 = vector.shape_cast %get3A_553 : vector<1x16xf32> to vector<16xf32>
          %mul3A_555 = arith.mulf %get3A_554, %gather3A_513 : vector<16xf32>
          %swap3A_556 = arith.index_cast %add3A_520 : i32 to index
          %swap3A_557 = arith.constant 48 : index
          %swap3A_558 = tpu.vector_load %arg11[%swap3A_556, %swap3A_557] {strides = array<i32>} : memref<256x128xf32, #tpu.memory_space<vmem>>, vector<1x16xf32>,
          %swap3A_559 = vector.shape_cast %swap3A_558 : vector<1x16xf32> to vector<16xf32>
          %swap3A_560 = vector.shape_cast %mul3A_555 : vector<16xf32> to vector<1x16xf32>
          tpu.vector_store %arg11[%swap3A_556, %swap3A_557], %swap3A_560 {strides = array<i32>} : memref<256x128xf32, #tpu.memory_space<vmem>>, vector<1x16xf32>,
          %get3A_561 = arith.index_cast %add3A_520 : i32 to index
          %get3A_562 = arith.constant 64 : index
          %get3A_563 = tpu.vector_load %arg11[%get3A_561, %get3A_562] {strides = array<i32>} : memref<256x128xf32, #tpu.memory_space<vmem>>, vector<1x16xf32>,
          %get3A_564 = vector.shape_cast %get3A_563 : vector<1x16xf32> to vector<16xf32>
          %mul3A_565 = arith.mulf %get3A_564, %gather3A_513 : vector<16xf32>
          %swap3A_566 = arith.index_cast %add3A_520 : i32 to index
          %swap3A_567 = arith.constant 64 : index
          %swap3A_568 = tpu.vector_load %arg11[%swap3A_566, %swap3A_567] {strides = array<i32>} : memref<256x128xf32, #tpu.memory_space<vmem>>, vector<1x16xf32>,
          %swap3A_569 = vector.shape_cast %swap3A_568 : vector<1x16xf32> to vector<16xf32>
          %swap3A_570 = vector.shape_cast %mul3A_565 : vector<16xf32> to vector<1x16xf32>
          tpu.vector_store %arg11[%swap3A_566, %swap3A_567], %swap3A_570 {strides = array<i32>} : memref<256x128xf32, #tpu.memory_space<vmem>>, vector<1x16xf32>,
          %get3A_571 = arith.index_cast %add3A_520 : i32 to index
          %get3A_572 = arith.constant 80 : index
          %get3A_573 = tpu.vector_load %arg11[%get3A_571, %get3A_572] {strides = array<i32>} : memref<256x128xf32, #tpu.memory_space<vmem>>, vector<1x16xf32>,
          %get3A_574 = vector.shape_cast %get3A_573 : vector<1x16xf32> to vector<16xf32>
          %mul3A_575 = arith.mulf %get3A_574, %gather3A_513 : vector<16xf32>
          %swap3A_576 = arith.index_cast %add3A_520 : i32 to index
          %swap3A_577 = arith.constant 80 : index
          %swap3A_578 = tpu.vector_load %arg11[%swap3A_576, %swap3A_577] {strides = array<i32>} : memref<256x128xf32, #tpu.memory_space<vmem>>, vector<1x16xf32>,
          %swap3A_579 = vector.shape_cast %swap3A_578 : vector<1x16xf32> to vector<16xf32>
          %swap3A_580 = vector.shape_cast %mul3A_575 : vector<16xf32> to vector<1x16xf32>
          tpu.vector_store %arg11[%swap3A_576, %swap3A_577], %swap3A_580 {strides = array<i32>} : memref<256x128xf32, #tpu.memory_space<vmem>>, vector<1x16xf32>,
          %get3A_581 = arith.index_cast %add3A_520 : i32 to index
          %get3A_582 = arith.constant 96 : index
          %get3A_583 = tpu.vector_load %arg11[%get3A_581, %get3A_582] {strides = array<i32>} : memref<256x128xf32, #tpu.memory_space<vmem>>, vector<1x16xf32>,
          %get3A_584 = vector.shape_cast %get3A_583 : vector<1x16xf32> to vector<16xf32>
          %mul3A_585 = arith.mulf %get3A_584, %gather3A_513 : vector<16xf32>
          %swap3A_586 = arith.index_cast %add3A_520 : i32 to index
          %swap3A_587 = arith.constant 96 : index
          %swap3A_588 = tpu.vector_load %arg11[%swap3A_586, %swap3A_587] {strides = array<i32>} : memref<256x128xf32, #tpu.memory_space<vmem>>, vector<1x16xf32>,
          %swap3A_589 = vector.shape_cast %swap3A_588 : vector<1x16xf32> to vector<16xf32>
          %swap3A_590 = vector.shape_cast %mul3A_585 : vector<16xf32> to vector<1x16xf32>
          tpu.vector_store %arg11[%swap3A_586, %swap3A_587], %swap3A_590 {strides = array<i32>} : memref<256x128xf32, #tpu.memory_space<vmem>>, vector<1x16xf32>,
          %get3A_591 = arith.index_cast %add3A_520 : i32 to index
          %get3A_592 = arith.constant 112 : index
          %get3A_593 = tpu.vector_load %arg11[%get3A_591, %get3A_592] {strides = array<i32>} : memref<256x128xf32, #tpu.memory_space<vmem>>, vector<1x16xf32>,
          %get3A_594 = vector.shape_cast %get3A_593 : vector<1x16xf32> to vector<16xf32>
          %mul3A_595 = arith.mulf %get3A_594, %gather3A_513 : vector<16xf32>
          %swap3A_596 = arith.index_cast %add3A_520 : i32 to index
          %swap3A_597 = arith.constant 112 : index
          %swap3A_598 = tpu.vector_load %arg11[%swap3A_596, %swap3A_597] {strides = array<i32>} : memref<256x128xf32, #tpu.memory_space<vmem>>, vector<1x16xf32>,
          %swap3A_599 = vector.shape_cast %swap3A_598 : vector<1x16xf32> to vector<16xf32>
          %swap3A_600 = vector.shape_cast %mul3A_595 : vector<16xf32> to vector<1x16xf32>
          tpu.vector_store %arg11[%swap3A_596, %swap3A_597], %swap3A_600 {strides = array<i32>} : memref<256x128xf32, #tpu.memory_space<vmem>>, vector<1x16xf32>,
          %broadcast_in_dim3A_601 = arith.constant 3 : i32
          %broadcast_in_dim3A_602 = vector.broadcast %broadcast_in_dim3A_601 : i32 to vector<16x1xi32>
          %gather3A_603 = vector.shape_cast %broadcast_in_dim3A_602 : vector<16x1xi32> to vector<16xi32>
          %gather3A_604 = tpu.dynamic_gather %get3A_330[%gather3A_603] in [0] : vector<16xf32>, vector<16xi32> -> vector<16xf32>
          %mul3A_605 = arith.constant 128 : i32
          %mul3A_606 = arith.muli %rem3A_160, %mul3A_605 : i32
          %mul3A_607 = arith.constant 16 : i32
          %mul3A_608 = arith.muli %scan3A_323, %mul3A_607 : i32
          %add3A_609 = arith.addi %mul3A_606, %mul3A_608 : i32
          %add3A_610 = arith.constant 3 : i32
          %add3A_611 = arith.addi %add3A_609, %add3A_610 : i32
          %get3A_612 = arith.index_cast %add3A_611 : i32 to index
          %get3A_613 = arith.constant 0 : index
          %get3A_614 = tpu.vector_load %arg11[%get3A_612, %get3A_613] {strides = array<i32>} : memref<256x128xf32, #tpu.memory_space<vmem>>, vector<1x16xf32>,
          %get3A_615 = vector.shape_cast %get3A_614 : vector<1x16xf32> to vector<16xf32>
          %mul3A_616 = arith.mulf %get3A_615, %gather3A_604 : vector<16xf32>
          %swap3A_617 = arith.index_cast %add3A_611 : i32 to index
          %swap3A_618 = arith.constant 0 : index
          %swap3A_619 = tpu.vector_load %arg11[%swap3A_617, %swap3A_618] {strides = array<i32>} : memref<256x128xf32, #tpu.memory_space<vmem>>, vector<1x16xf32>,
          %swap3A_620 = vector.shape_cast %swap3A_619 : vector<1x16xf32> to vector<16xf32>
          %swap3A_621 = vector.shape_cast %mul3A_616 : vector<16xf32> to vector<1x16xf32>
          tpu.vector_store %arg11[%swap3A_617, %swap3A_618], %swap3A_621 {strides = array<i32>} : memref<256x128xf32, #tpu.memory_space<vmem>>, vector<1x16xf32>,
          %get3A_622 = arith.index_cast %add3A_611 : i32 to index
          %get3A_623 = arith.constant 16 : index
          %get3A_624 = tpu.vector_load %arg11[%get3A_622, %get3A_623] {strides = array<i32>} : memref<256x128xf32, #tpu.memory_space<vmem>>, vector<1x16xf32>,
          %get3A_625 = vector.shape_cast %get3A_624 : vector<1x16xf32> to vector<16xf32>
          %mul3A_626 = arith.mulf %get3A_625, %gather3A_604 : vector<16xf32>
          %swap3A_627 = arith.index_cast %add3A_611 : i32 to index
          %swap3A_628 = arith.constant 16 : index
          %swap3A_629 = tpu.vector_load %arg11[%swap3A_627, %swap3A_628] {strides = array<i32>} : memref<256x128xf32, #tpu.memory_space<vmem>>, vector<1x16xf32>,
          %swap3A_630 = vector.shape_cast %swap3A_629 : vector<1x16xf32> to vector<16xf32>
          %swap3A_631 = vector.shape_cast %mul3A_626 : vector<16xf32> to vector<1x16xf32>
          tpu.vector_store %arg11[%swap3A_627, %swap3A_628], %swap3A_631 {strides = array<i32>} : memref<256x128xf32, #tpu.memory_space<vmem>>, vector<1x16xf32>,
          %get3A_632 = arith.index_cast %add3A_611 : i32 to index
          %get3A_633 = arith.constant 32 : index
          %get3A_634 = tpu.vector_load %arg11[%get3A_632, %get3A_633] {strides = array<i32>} : memref<256x128xf32, #tpu.memory_space<vmem>>, vector<1x16xf32>,
          %get3A_635 = vector.shape_cast %get3A_634 : vector<1x16xf32> to vector<16xf32>
          %mul3A_636 = arith.mulf %get3A_635, %gather3A_604 : vector<16xf32>
          %swap3A_637 = arith.index_cast %add3A_611 : i32 to index
          %swap3A_638 = arith.constant 32 : index
          %swap3A_639 = tpu.vector_load %arg11[%swap3A_637, %swap3A_638] {strides = array<i32>} : memref<256x128xf32, #tpu.memory_space<vmem>>, vector<1x16xf32>,
          %swap3A_640 = vector.shape_cast %swap3A_639 : vector<1x16xf32> to vector<16xf32>
          %swap3A_641 = vector.shape_cast %mul3A_636 : vector<16xf32> to vector<1x16xf32>
          tpu.vector_store %arg11[%swap3A_637, %swap3A_638], %swap3A_641 {strides = array<i32>} : memref<256x128xf32, #tpu.memory_space<vmem>>, vector<1x16xf32>,
          %get3A_642 = arith.index_cast %add3A_611 : i32 to index
          %get3A_643 = arith.constant 48 : index
          %get3A_644 = tpu.vector_load %arg11[%get3A_642, %get3A_643] {strides = array<i32>} : memref<256x128xf32, #tpu.memory_space<vmem>>, vector<1x16xf32>,
          %get3A_645 = vector.shape_cast %get3A_644 : vector<1x16xf32> to vector<16xf32>
          %mul3A_646 = arith.mulf %get3A_645, %gather3A_604 : vector<16xf32>
          %swap3A_647 = arith.index_cast %add3A_611 : i32 to index
          %swap3A_648 = arith.constant 48 : index
          %swap3A_649 = tpu.vector_load %arg11[%swap3A_647, %swap3A_648] {strides = array<i32>} : memref<256x128xf32, #tpu.memory_space<vmem>>, vector<1x16xf32>,
          %swap3A_650 = vector.shape_cast %swap3A_649 : vector<1x16xf32> to vector<16xf32>
          %swap3A_651 = vector.shape_cast %mul3A_646 : vector<16xf32> to vector<1x16xf32>
          tpu.vector_store %arg11[%swap3A_647, %swap3A_648], %swap3A_651 {strides = array<i32>} : memref<256x128xf32, #tpu.memory_space<vmem>>, vector<1x16xf32>,
          %get3A_652 = arith.index_cast %add3A_611 : i32 to index
          %get3A_653 = arith.constant 64 : index
          %get3A_654 = tpu.vector_load %arg11[%get3A_652, %get3A_653] {strides = array<i32>} : memref<256x128xf32, #tpu.memory_space<vmem>>, vector<1x16xf32>,
          %get3A_655 = vector.shape_cast %get3A_654 : vector<1x16xf32> to vector<16xf32>
          %mul3A_656 = arith.mulf %get3A_655, %gather3A_604 : vector<16xf32>
          %swap3A_657 = arith.index_cast %add3A_611 : i32 to index
          %swap3A_658 = arith.constant 64 : index
          %swap3A_659 = tpu.vector_load %arg11[%swap3A_657, %swap3A_658] {strides = array<i32>} : memref<256x128xf32, #tpu.memory_space<vmem>>, vector<1x16xf32>,
          %swap3A_660 = vector.shape_cast %swap3A_659 : vector<1x16xf32> to vector<16xf32>
          %swap3A_661 = vector.shape_cast %mul3A_656 : vector<16xf32> to vector<1x16xf32>
          tpu.vector_store %arg11[%swap3A_657, %swap3A_658], %swap3A_661 {strides = array<i32>} : memref<256x128xf32, #tpu.memory_space<vmem>>, vector<1x16xf32>,
          %get3A_662 = arith.index_cast %add3A_611 : i32 to index
          %get3A_663 = arith.constant 80 : index
          %get3A_664 = tpu.vector_load %arg11[%get3A_662, %get3A_663] {strides = array<i32>} : memref<256x128xf32, #tpu.memory_space<vmem>>, vector<1x16xf32>,
          %get3A_665 = vector.shape_cast %get3A_664 : vector<1x16xf32> to vector<16xf32>
          %mul3A_666 = arith.mulf %get3A_665, %gather3A_604 : vector<16xf32>
          %swap3A_667 = arith.index_cast %add3A_611 : i32 to index
          %swap3A_668 = arith.constant 80 : index
          %swap3A_669 = tpu.vector_load %arg11[%swap3A_667, %swap3A_668] {strides = array<i32>} : memref<256x128xf32, #tpu.memory_space<vmem>>, vector<1x16xf32>,
          %swap3A_670 = vector.shape_cast %swap3A_669 : vector<1x16xf32> to vector<16xf32>
          %swap3A_671 = vector.shape_cast %mul3A_666 : vector<16xf32> to vector<1x16xf32>
          tpu.vector_store %arg11[%swap3A_667, %swap3A_668], %swap3A_671 {strides = array<i32>} : memref<256x128xf32, #tpu.memory_space<vmem>>, vector<1x16xf32>,
          %get3A_672 = arith.index_cast %add3A_611 : i32 to index
          %get3A_673 = arith.constant 96 : index
          %get3A_674 = tpu.vector_load %arg11[%get3A_672, %get3A_673] {strides = array<i32>} : memref<256x128xf32, #tpu.memory_space<vmem>>, vector<1x16xf32>,
          %get3A_675 = vector.shape_cast %get3A_674 : vector<1x16xf32> to vector<16xf32>
          %mul3A_676 = arith.mulf %get3A_675, %gather3A_604 : vector<16xf32>
          %swap3A_677 = arith.index_cast %add3A_611 : i32 to index
          %swap3A_678 = arith.constant 96 : index
          %swap3A_679 = tpu.vector_load %arg11[%swap3A_677, %swap3A_678] {strides = array<i32>} : memref<256x128xf32, #tpu.memory_space<vmem>>, vector<1x16xf32>,
          %swap3A_680 = vector.shape_cast %swap3A_679 : vector<1x16xf32> to vector<16xf32>
          %swap3A_681 = vector.shape_cast %mul3A_676 : vector<16xf32> to vector<1x16xf32>
          tpu.vector_store %arg11[%swap3A_677, %swap3A_678], %swap3A_681 {strides = array<i32>} : memref<256x128xf32, #tpu.memory_space<vmem>>, vector<1x16xf32>,
          %get3A_682 = arith.index_cast %add3A_611 : i32 to index
          %get3A_683 = arith.constant 112 : index
          %get3A_684 = tpu.vector_load %arg11[%get3A_682, %get3A_683] {strides = array<i32>} : memref<256x128xf32, #tpu.memory_space<vmem>>, vector<1x16xf32>,
          %get3A_685 = vector.shape_cast %get3A_684 : vector<1x16xf32> to vector<16xf32>
          %mul3A_686 = arith.mulf %get3A_685, %gather3A_604 : vector<16xf32>
          %swap3A_687 = arith.index_cast %add3A_611 : i32 to index
          %swap3A_688 = arith.constant 112 : index
          %swap3A_689 = tpu.vector_load %arg11[%swap3A_687, %swap3A_688] {strides = array<i32>} : memref<256x128xf32, #tpu.memory_space<vmem>>, vector<1x16xf32>,
          %swap3A_690 = vector.shape_cast %swap3A_689 : vector<1x16xf32> to vector<16xf32>
          %swap3A_691 = vector.shape_cast %mul3A_686 : vector<16xf32> to vector<1x16xf32>
          tpu.vector_store %arg11[%swap3A_687, %swap3A_688], %swap3A_691 {strides = array<i32>} : memref<256x128xf32, #tpu.memory_space<vmem>>, vector<1x16xf32>,
          %broadcast_in_dim3A_692 = arith.constant 4 : i32
          %broadcast_in_dim3A_693 = vector.broadcast %broadcast_in_dim3A_692 : i32 to vector<16x1xi32>
          %gather3A_694 = vector.shape_cast %broadcast_in_dim3A_693 : vector<16x1xi32> to vector<16xi32>
          %gather3A_695 = tpu.dynamic_gather %get3A_330[%gather3A_694] in [0] : vector<16xf32>, vector<16xi32> -> vector<16xf32>
          %mul3A_696 = arith.constant 128 : i32
          %mul3A_697 = arith.muli %rem3A_160, %mul3A_696 : i32
          %mul3A_698 = arith.constant 16 : i32
          %mul3A_699 = arith.muli %scan3A_323, %mul3A_698 : i32
          %add3A_700 = arith.addi %mul3A_697, %mul3A_699 : i32
          %add3A_701 = arith.constant 4 : i32
          %add3A_702 = arith.addi %add3A_700, %add3A_701 : i32
          %get3A_703 = arith.index_cast %add3A_702 : i32 to index
          %get3A_704 = arith.constant 0 : index
          %get3A_705 = tpu.vector_load %arg11[%get3A_703, %get3A_704] {strides = array<i32>} : memref<256x128xf32, #tpu.memory_space<vmem>>, vector<1x16xf32>,
          %get3A_706 = vector.shape_cast %get3A_705 : vector<1x16xf32> to vector<16xf32>
          %mul3A_707 = arith.mulf %get3A_706, %gather3A_695 : vector<16xf32>
          %swap3A_708 = arith.index_cast %add3A_702 : i32 to index
          %swap3A_709 = arith.constant 0 : index
          %swap3A_710 = tpu.vector_load %arg11[%swap3A_708, %swap3A_709] {strides = array<i32>} : memref<256x128xf32, #tpu.memory_space<vmem>>, vector<1x16xf32>,
          %swap3A_711 = vector.shape_cast %swap3A_710 : vector<1x16xf32> to vector<16xf32>
          %swap3A_712 = vector.shape_cast %mul3A_707 : vector<16xf32> to vector<1x16xf32>
          tpu.vector_store %arg11[%swap3A_708, %swap3A_709], %swap3A_712 {strides = array<i32>} : memref<256x128xf32, #tpu.memory_space<vmem>>, vector<1x16xf32>,
          %get3A_713 = arith.index_cast %add3A_702 : i32 to index
          %get3A_714 = arith.constant 16 : index
          %get3A_715 = tpu.vector_load %arg11[%get3A_713, %get3A_714] {strides = array<i32>} : memref<256x128xf32, #tpu.memory_space<vmem>>, vector<1x16xf32>,
          %get3A_716 = vector.shape_cast %get3A_715 : vector<1x16xf32> to vector<16xf32>
          %mul3A_717 = arith.mulf %get3A_716, %gather3A_695 : vector<16xf32>
          %swap3A_718 = arith.index_cast %add3A_702 : i32 to index
          %swap3A_719 = arith.constant 16 : index
          %swap3A_720 = tpu.vector_load %arg11[%swap3A_718, %swap3A_719] {strides = array<i32>} : memref<256x128xf32, #tpu.memory_space<vmem>>, vector<1x16xf32>,
          %swap3A_721 = vector.shape_cast %swap3A_720 : vector<1x16xf32> to vector<16xf32>
          %swap3A_722 = vector.shape_cast %mul3A_717 : vector<16xf32> to vector<1x16xf32>
          tpu.vector_store %arg11[%swap3A_718, %swap3A_719], %swap3A_722 {strides = array<i32>} : memref<256x128xf32, #tpu.memory_space<vmem>>, vector<1x16xf32>,
          %get3A_723 = arith.index_cast %add3A_702 : i32 to index
          %get3A_724 = arith.constant 32 : index
          %get3A_725 = tpu.vector_load %arg11[%get3A_723, %get3A_724] {strides = array<i32>} : memref<256x128xf32, #tpu.memory_space<vmem>>, vector<1x16xf32>,
          %get3A_726 = vector.shape_cast %get3A_725 : vector<1x16xf32> to vector<16xf32>
          %mul3A_727 = arith.mulf %get3A_726, %gather3A_695 : vector<16xf32>
          %swap3A_728 = arith.index_cast %add3A_702 : i32 to index
          %swap3A_729 = arith.constant 32 : index
          %swap3A_730 = tpu.vector_load %arg11[%swap3A_728, %swap3A_729] {strides = array<i32>} : memref<256x128xf32, #tpu.memory_space<vmem>>, vector<1x16xf32>,
          %swap3A_731 = vector.shape_cast %swap3A_730 : vector<1x16xf32> to vector<16xf32>
          %swap3A_732 = vector.shape_cast %mul3A_727 : vector<16xf32> to vector<1x16xf32>
          tpu.vector_store %arg11[%swap3A_728, %swap3A_729], %swap3A_732 {strides = array<i32>} : memref<256x128xf32, #tpu.memory_space<vmem>>, vector<1x16xf32>,
          %get3A_733 = arith.index_cast %add3A_702 : i32 to index
          %get3A_734 = arith.constant 48 : index
          %get3A_735 = tpu.vector_load %arg11[%get3A_733, %get3A_734] {strides = array<i32>} : memref<256x128xf32, #tpu.memory_space<vmem>>, vector<1x16xf32>,
          %get3A_736 = vector.shape_cast %get3A_735 : vector<1x16xf32> to vector<16xf32>
          %mul3A_737 = arith.mulf %get3A_736, %gather3A_695 : vector<16xf32>
          %swap3A_738 = arith.index_cast %add3A_702 : i32 to index
          %swap3A_739 = arith.constant 48 : index
          %swap3A_740 = tpu.vector_load %arg11[%swap3A_738, %swap3A_739] {strides = array<i32>} : memref<256x128xf32, #tpu.memory_space<vmem>>, vector<1x16xf32>,
          %swap3A_741 = vector.shape_cast %swap3A_740 : vector<1x16xf32> to vector<16xf32>
          %swap3A_742 = vector.shape_cast %mul3A_737 : vector<16xf32> to vector<1x16xf32>
          tpu.vector_store %arg11[%swap3A_738, %swap3A_739], %swap3A_742 {strides = array<i32>} : memref<256x128xf32, #tpu.memory_space<vmem>>, vector<1x16xf32>,
          %get3A_743 = arith.index_cast %add3A_702 : i32 to index
          %get3A_744 = arith.constant 64 : index
          %get3A_745 = tpu.vector_load %arg11[%get3A_743, %get3A_744] {strides = array<i32>} : memref<256x128xf32, #tpu.memory_space<vmem>>, vector<1x16xf32>,
          %get3A_746 = vector.shape_cast %get3A_745 : vector<1x16xf32> to vector<16xf32>
          %mul3A_747 = arith.mulf %get3A_746, %gather3A_695 : vector<16xf32>
          %swap3A_748 = arith.index_cast %add3A_702 : i32 to index
          %swap3A_749 = arith.constant 64 : index
          %swap3A_750 = tpu.vector_load %arg11[%swap3A_748, %swap3A_749] {strides = array<i32>} : memref<256x128xf32, #tpu.memory_space<vmem>>, vector<1x16xf32>,
          %swap3A_751 = vector.shape_cast %swap3A_750 : vector<1x16xf32> to vector<16xf32>
          %swap3A_752 = vector.shape_cast %mul3A_747 : vector<16xf32> to vector<1x16xf32>
          tpu.vector_store %arg11[%swap3A_748, %swap3A_749], %swap3A_752 {strides = array<i32>} : memref<256x128xf32, #tpu.memory_space<vmem>>, vector<1x16xf32>,
          %get3A_753 = arith.index_cast %add3A_702 : i32 to index
          %get3A_754 = arith.constant 80 : index
          %get3A_755 = tpu.vector_load %arg11[%get3A_753, %get3A_754] {strides = array<i32>} : memref<256x128xf32, #tpu.memory_space<vmem>>, vector<1x16xf32>,
          %get3A_756 = vector.shape_cast %get3A_755 : vector<1x16xf32> to vector<16xf32>
          %mul3A_757 = arith.mulf %get3A_756, %gather3A_695 : vector<16xf32>
          %swap3A_758 = arith.index_cast %add3A_702 : i32 to index
          %swap3A_759 = arith.constant 80 : index
          %swap3A_760 = tpu.vector_load %arg11[%swap3A_758, %swap3A_759] {strides = array<i32>} : memref<256x128xf32, #tpu.memory_space<vmem>>, vector<1x16xf32>,
          %swap3A_761 = vector.shape_cast %swap3A_760 : vector<1x16xf32> to vector<16xf32>
          %swap3A_762 = vector.shape_cast %mul3A_757 : vector<16xf32> to vector<1x16xf32>
          tpu.vector_store %arg11[%swap3A_758, %swap3A_759], %swap3A_762 {strides = array<i32>} : memref<256x128xf32, #tpu.memory_space<vmem>>, vector<1x16xf32>,
          %get3A_763 = arith.index_cast %add3A_702 : i32 to index
          %get3A_764 = arith.constant 96 : index
          %get3A_765 = tpu.vector_load %arg11[%get3A_763, %get3A_764] {strides = array<i32>} : memref<256x128xf32, #tpu.memory_space<vmem>>, vector<1x16xf32>,
          %get3A_766 = vector.shape_cast %get3A_765 : vector<1x16xf32> to vector<16xf32>
          %mul3A_767 = arith.mulf %get3A_766, %gather3A_695 : vector<16xf32>
          %swap3A_768 = arith.index_cast %add3A_702 : i32 to index
          %swap3A_769 = arith.constant 96 : index
          %swap3A_770 = tpu.vector_load %arg11[%swap3A_768, %swap3A_769] {strides = array<i32>} : memref<256x128xf32, #tpu.memory_space<vmem>>, vector<1x16xf32>,
          %swap3A_771 = vector.shape_cast %swap3A_770 : vector<1x16xf32> to vector<16xf32>
          %swap3A_772 = vector.shape_cast %mul3A_767 : vector<16xf32> to vector<1x16xf32>
          tpu.vector_store %arg11[%swap3A_768, %swap3A_769], %swap3A_772 {strides = array<i32>} : memref<256x128xf32, #tpu.memory_space<vmem>>, vector<1x16xf32>,
          %get3A_773 = arith.index_cast %add3A_702 : i32 to index
          %get3A_774 = arith.constant 112 : index
          %get3A_775 = tpu.vector_load %arg11[%get3A_773, %get3A_774] {strides = array<i32>} : memref<256x128xf32, #tpu.memory_space<vmem>>, vector<1x16xf32>,
          %get3A_776 = vector.shape_cast %get3A_775 : vector<1x16xf32> to vector<16xf32>
          %mul3A_777 = arith.mulf %get3A_776, %gather3A_695 : vector<16xf32>
          %swap3A_778 = arith.index_cast %add3A_702 : i32 to index
          %swap3A_779 = arith.constant 112 : index
          %swap3A_780 = tpu.vector_load %arg11[%swap3A_778, %swap3A_779] {strides = array<i32>} : memref<256x128xf32, #tpu.memory_space<vmem>>, vector<1x16xf32>,
          %swap3A_781 = vector.shape_cast %swap3A_780 : vector<1x16xf32> to vector<16xf32>
          %swap3A_782 = vector.shape_cast %mul3A_777 : vector<16xf32> to vector<1x16xf32>
          tpu.vector_store %arg11[%swap3A_778, %swap3A_779], %swap3A_782 {strides = array<i32>} : memref<256x128xf32, #tpu.memory_space<vmem>>, vector<1x16xf32>,
          %broadcast_in_dim3A_783 = arith.constant 5 : i32
          %broadcast_in_dim3A_784 = vector.broadcast %broadcast_in_dim3A_783 : i32 to vector<16x1xi32>
          %gather3A_785 = vector.shape_cast %broadcast_in_dim3A_784 : vector<16x1xi32> to vector<16xi32>
          %gather3A_786 = tpu.dynamic_gather %get3A_330[%gather3A_785] in [0] : vector<16xf32>, vector<16xi32> -> vector<16xf32>
          %mul3A_787 = arith.constant 128 : i32
          %mul3A_788 = arith.muli %rem3A_160, %mul3A_787 : i32
          %mul3A_789 = arith.constant 16 : i32
          %mul3A_790 = arith.muli %scan3A_323, %mul3A_789 : i32
          %add3A_791 = arith.addi %mul3A_788, %mul3A_790 : i32
          %add3A_792 = arith.constant 5 : i32
          %add3A_793 = arith.addi %add3A_791, %add3A_792 : i32
          %get3A_794 = arith.index_cast %add3A_793 : i32 to index
          %get3A_795 = arith.constant 0 : index
          %get3A_796 = tpu.vector_load %arg11[%get3A_794, %get3A_795] {strides = array<i32>} : memref<256x128xf32, #tpu.memory_space<vmem>>, vector<1x16xf32>,
          %get3A_797 = vector.shape_cast %get3A_796 : vector<1x16xf32> to vector<16xf32>
          %mul3A_798 = arith.mulf %get3A_797, %gather3A_786 : vector<16xf32>
          %swap3A_799 = arith.index_cast %add3A_793 : i32 to index
          %swap3A_800 = arith.constant 0 : index
          %swap3A_801 = tpu.vector_load %arg11[%swap3A_799, %swap3A_800] {strides = array<i32>} : memref<256x128xf32, #tpu.memory_space<vmem>>, vector<1x16xf32>,
          %swap3A_802 = vector.shape_cast %swap3A_801 : vector<1x16xf32> to vector<16xf32>
          %swap3A_803 = vector.shape_cast %mul3A_798 : vector<16xf32> to vector<1x16xf32>
          tpu.vector_store %arg11[%swap3A_799, %swap3A_800], %swap3A_803 {strides = array<i32>} : memref<256x128xf32, #tpu.memory_space<vmem>>, vector<1x16xf32>,
          %get3A_804 = arith.index_cast %add3A_793 : i32 to index
          %get3A_805 = arith.constant 16 : index
          %get3A_806 = tpu.vector_load %arg11[%get3A_804, %get3A_805] {strides = array<i32>} : memref<256x128xf32, #tpu.memory_space<vmem>>, vector<1x16xf32>,
          %get3A_807 = vector.shape_cast %get3A_806 : vector<1x16xf32> to vector<16xf32>
          %mul3A_808 = arith.mulf %get3A_807, %gather3A_786 : vector<16xf32>
          %swap3A_809 = arith.index_cast %add3A_793 : i32 to index
          %swap3A_810 = arith.constant 16 : index
          %swap3A_811 = tpu.vector_load %arg11[%swap3A_809, %swap3A_810] {strides = array<i32>} : memref<256x128xf32, #tpu.memory_space<vmem>>, vector<1x16xf32>,
          %swap3A_812 = vector.shape_cast %swap3A_811 : vector<1x16xf32> to vector<16xf32>
          %swap3A_813 = vector.shape_cast %mul3A_808 : vector<16xf32> to vector<1x16xf32>
          tpu.vector_store %arg11[%swap3A_809, %swap3A_810], %swap3A_813 {strides = array<i32>} : memref<256x128xf32, #tpu.memory_space<vmem>>, vector<1x16xf32>,
          %get3A_814 = arith.index_cast %add3A_793 : i32 to index
          %get3A_815 = arith.constant 32 : index
          %get3A_816 = tpu.vector_load %arg11[%get3A_814, %get3A_815] {strides = array<i32>} : memref<256x128xf32, #tpu.memory_space<vmem>>, vector<1x16xf32>,
          %get3A_817 = vector.shape_cast %get3A_816 : vector<1x16xf32> to vector<16xf32>
          %mul3A_818 = arith.mulf %get3A_817, %gather3A_786 : vector<16xf32>
          %swap3A_819 = arith.index_cast %add3A_793 : i32 to index
          %swap3A_820 = arith.constant 32 : index
          %swap3A_821 = tpu.vector_load %arg11[%swap3A_819, %swap3A_820] {strides = array<i32>} : memref<256x128xf32, #tpu.memory_space<vmem>>, vector<1x16xf32>,
          %swap3A_822 = vector.shape_cast %swap3A_821 : vector<1x16xf32> to vector<16xf32>
          %swap3A_823 = vector.shape_cast %mul3A_818 : vector<16xf32> to vector<1x16xf32>
          tpu.vector_store %arg11[%swap3A_819, %swap3A_820], %swap3A_823 {strides = array<i32>} : memref<256x128xf32, #tpu.memory_space<vmem>>, vector<1x16xf32>,
          %get3A_824 = arith.index_cast %add3A_793 : i32 to index
          %get3A_825 = arith.constant 48 : index
          %get3A_826 = tpu.vector_load %arg11[%get3A_824, %get3A_825] {strides = array<i32>} : memref<256x128xf32, #tpu.memory_space<vmem>>, vector<1x16xf32>,
          %get3A_827 = vector.shape_cast %get3A_826 : vector<1x16xf32> to vector<16xf32>
          %mul3A_828 = arith.mulf %get3A_827, %gather3A_786 : vector<16xf32>
          %swap3A_829 = arith.index_cast %add3A_793 : i32 to index
          %swap3A_830 = arith.constant 48 : index
          %swap3A_831 = tpu.vector_load %arg11[%swap3A_829, %swap3A_830] {strides = array<i32>} : memref<256x128xf32, #tpu.memory_space<vmem>>, vector<1x16xf32>,
          %swap3A_832 = vector.shape_cast %swap3A_831 : vector<1x16xf32> to vector<16xf32>
          %swap3A_833 = vector.shape_cast %mul3A_828 : vector<16xf32> to vector<1x16xf32>
          tpu.vector_store %arg11[%swap3A_829, %swap3A_830], %swap3A_833 {strides = array<i32>} : memref<256x128xf32, #tpu.memory_space<vmem>>, vector<1x16xf32>,
          %get3A_834 = arith.index_cast %add3A_793 : i32 to index
          %get3A_835 = arith.constant 64 : index
          %get3A_836 = tpu.vector_load %arg11[%get3A_834, %get3A_835] {strides = array<i32>} : memref<256x128xf32, #tpu.memory_space<vmem>>, vector<1x16xf32>,
          %get3A_837 = vector.shape_cast %get3A_836 : vector<1x16xf32> to vector<16xf32>
          %mul3A_838 = arith.mulf %get3A_837, %gather3A_786 : vector<16xf32>
          %swap3A_839 = arith.index_cast %add3A_793 : i32 to index
          %swap3A_840 = arith.constant 64 : index
          %swap3A_841 = tpu.vector_load %arg11[%swap3A_839, %swap3A_840] {strides = array<i32>} : memref<256x128xf32, #tpu.memory_space<vmem>>, vector<1x16xf32>,
          %swap3A_842 = vector.shape_cast %swap3A_841 : vector<1x16xf32> to vector<16xf32>
          %swap3A_843 = vector.shape_cast %mul3A_838 : vector<16xf32> to vector<1x16xf32>
          tpu.vector_store %arg11[%swap3A_839, %swap3A_840], %swap3A_843 {strides = array<i32>} : memref<256x128xf32, #tpu.memory_space<vmem>>, vector<1x16xf32>,
          %get3A_844 = arith.index_cast %add3A_793 : i32 to index
          %get3A_845 = arith.constant 80 : index
          %get3A_846 = tpu.vector_load %arg11[%get3A_844, %get3A_845] {strides = array<i32>} : memref<256x128xf32, #tpu.memory_space<vmem>>, vector<1x16xf32>,
          %get3A_847 = vector.shape_cast %get3A_846 : vector<1x16xf32> to vector<16xf32>
          %mul3A_848 = arith.mulf %get3A_847, %gather3A_786 : vector<16xf32>
          %swap3A_849 = arith.index_cast %add3A_793 : i32 to index
          %swap3A_850 = arith.constant 80 : index
          %swap3A_851 = tpu.vector_load %arg11[%swap3A_849, %swap3A_850] {strides = array<i32>} : memref<256x128xf32, #tpu.memory_space<vmem>>, vector<1x16xf32>,
          %swap3A_852 = vector.shape_cast %swap3A_851 : vector<1x16xf32> to vector<16xf32>
          %swap3A_853 = vector.shape_cast %mul3A_848 : vector<16xf32> to vector<1x16xf32>
          tpu.vector_store %arg11[%swap3A_849, %swap3A_850], %swap3A_853 {strides = array<i32>} : memref<256x128xf32, #tpu.memory_space<vmem>>, vector<1x16xf32>,
          %get3A_854 = arith.index_cast %add3A_793 : i32 to index
          %get3A_855 = arith.constant 96 : index
          %get3A_856 = tpu.vector_load %arg11[%get3A_854, %get3A_855] {strides = array<i32>} : memref<256x128xf32, #tpu.memory_space<vmem>>, vector<1x16xf32>,
          %get3A_857 = vector.shape_cast %get3A_856 : vector<1x16xf32> to vector<16xf32>
          %mul3A_858 = arith.mulf %get3A_857, %gather3A_786 : vector<16xf32>
          %swap3A_859 = arith.index_cast %add3A_793 : i32 to index
          %swap3A_860 = arith.constant 96 : index
          %swap3A_861 = tpu.vector_load %arg11[%swap3A_859, %swap3A_860] {strides = array<i32>} : memref<256x128xf32, #tpu.memory_space<vmem>>, vector<1x16xf32>,
          %swap3A_862 = vector.shape_cast %swap3A_861 : vector<1x16xf32> to vector<16xf32>
          %swap3A_863 = vector.shape_cast %mul3A_858 : vector<16xf32> to vector<1x16xf32>
          tpu.vector_store %arg11[%swap3A_859, %swap3A_860], %swap3A_863 {strides = array<i32>} : memref<256x128xf32, #tpu.memory_space<vmem>>, vector<1x16xf32>,
          %get3A_864 = arith.index_cast %add3A_793 : i32 to index
          %get3A_865 = arith.constant 112 : index
          %get3A_866 = tpu.vector_load %arg11[%get3A_864, %get3A_865] {strides = array<i32>} : memref<256x128xf32, #tpu.memory_space<vmem>>, vector<1x16xf32>,
          %get3A_867 = vector.shape_cast %get3A_866 : vector<1x16xf32> to vector<16xf32>
          %mul3A_868 = arith.mulf %get3A_867, %gather3A_786 : vector<16xf32>
          %swap3A_869 = arith.index_cast %add3A_793 : i32 to index
          %swap3A_870 = arith.constant 112 : index
          %swap3A_871 = tpu.vector_load %arg11[%swap3A_869, %swap3A_870] {strides = array<i32>} : memref<256x128xf32, #tpu.memory_space<vmem>>, vector<1x16xf32>,
          %swap3A_872 = vector.shape_cast %swap3A_871 : vector<1x16xf32> to vector<16xf32>
          %swap3A_873 = vector.shape_cast %mul3A_868 : vector<16xf32> to vector<1x16xf32>
          tpu.vector_store %arg11[%swap3A_869, %swap3A_870], %swap3A_873 {strides = array<i32>} : memref<256x128xf32, #tpu.memory_space<vmem>>, vector<1x16xf32>,
          %broadcast_in_dim3A_874 = arith.constant 6 : i32
          %broadcast_in_dim3A_875 = vector.broadcast %broadcast_in_dim3A_874 : i32 to vector<16x1xi32>
          %gather3A_876 = vector.shape_cast %broadcast_in_dim3A_875 : vector<16x1xi32> to vector<16xi32>
          %gather3A_877 = tpu.dynamic_gather %get3A_330[%gather3A_876] in [0] : vector<16xf32>, vector<16xi32> -> vector<16xf32>
          %mul3A_878 = arith.constant 128 : i32
          %mul3A_879 = arith.muli %rem3A_160, %mul3A_878 : i32
          %mul3A_880 = arith.constant 16 : i32
          %mul3A_881 = arith.muli %scan3A_323, %mul3A_880 : i32
          %add3A_882 = arith.addi %mul3A_879, %mul3A_881 : i32
          %add3A_883 = arith.constant 6 : i32
          %add3A_884 = arith.addi %add3A_882, %add3A_883 : i32
          %get3A_885 = arith.index_cast %add3A_884 : i32 to index
          %get3A_886 = arith.constant 0 : index
          %get3A_887 = tpu.vector_load %arg11[%get3A_885, %get3A_886] {strides = array<i32>} : memref<256x128xf32, #tpu.memory_space<vmem>>, vector<1x16xf32>,
          %get3A_888 = vector.shape_cast %get3A_887 : vector<1x16xf32> to vector<16xf32>
          %mul3A_889 = arith.mulf %get3A_888, %gather3A_877 : vector<16xf32>
          %swap3A_890 = arith.index_cast %add3A_884 : i32 to index
          %swap3A_891 = arith.constant 0 : index
          %swap3A_892 = tpu.vector_load %arg11[%swap3A_890, %swap3A_891] {strides = array<i32>} : memref<256x128xf32, #tpu.memory_space<vmem>>, vector<1x16xf32>,
          %swap3A_893 = vector.shape_cast %swap3A_892 : vector<1x16xf32> to vector<16xf32>
          %swap3A_894 = vector.shape_cast %mul3A_889 : vector<16xf32> to vector<1x16xf32>
          tpu.vector_store %arg11[%swap3A_890, %swap3A_891], %swap3A_894 {strides = array<i32>} : memref<256x128xf32, #tpu.memory_space<vmem>>, vector<1x16xf32>,
          %get3A_895 = arith.index_cast %add3A_884 : i32 to index
          %get3A_896 = arith.constant 16 : index
          %get3A_897 = tpu.vector_load %arg11[%get3A_895, %get3A_896] {strides = array<i32>} : memref<256x128xf32, #tpu.memory_space<vmem>>, vector<1x16xf32>,
          %get3A_898 = vector.shape_cast %get3A_897 : vector<1x16xf32> to vector<16xf32>
          %mul3A_899 = arith.mulf %get3A_898, %gather3A_877 : vector<16xf32>
          %swap3A_900 = arith.index_cast %add3A_884 : i32 to index
          %swap3A_901 = arith.constant 16 : index
          %swap3A_902 = tpu.vector_load %arg11[%swap3A_900, %swap3A_901] {strides = array<i32>} : memref<256x128xf32, #tpu.memory_space<vmem>>, vector<1x16xf32>,
          %swap3A_903 = vector.shape_cast %swap3A_902 : vector<1x16xf32> to vector<16xf32>
          %swap3A_904 = vector.shape_cast %mul3A_899 : vector<16xf32> to vector<1x16xf32>
          tpu.vector_store %arg11[%swap3A_900, %swap3A_901], %swap3A_904 {strides = array<i32>} : memref<256x128xf32, #tpu.memory_space<vmem>>, vector<1x16xf32>,
          %get3A_905 = arith.index_cast %add3A_884 : i32 to index
          %get3A_906 = arith.constant 32 : index
          %get3A_907 = tpu.vector_load %arg11[%get3A_905, %get3A_906] {strides = array<i32>} : memref<256x128xf32, #tpu.memory_space<vmem>>, vector<1x16xf32>,
          %get3A_908 = vector.shape_cast %get3A_907 : vector<1x16xf32> to vector<16xf32>
          %mul3A_909 = arith.mulf %get3A_908, %gather3A_877 : vector<16xf32>
          %swap3A_910 = arith.index_cast %add3A_884 : i32 to index
          %swap3A_911 = arith.constant 32 : index
          %swap3A_912 = tpu.vector_load %arg11[%swap3A_910, %swap3A_911] {strides = array<i32>} : memref<256x128xf32, #tpu.memory_space<vmem>>, vector<1x16xf32>,
          %swap3A_913 = vector.shape_cast %swap3A_912 : vector<1x16xf32> to vector<16xf32>
          %swap3A_914 = vector.shape_cast %mul3A_909 : vector<16xf32> to vector<1x16xf32>
          tpu.vector_store %arg11[%swap3A_910, %swap3A_911], %swap3A_914 {strides = array<i32>} : memref<256x128xf32, #tpu.memory_space<vmem>>, vector<1x16xf32>,
          %get3A_915 = arith.index_cast %add3A_884 : i32 to index
          %get3A_916 = arith.constant 48 : index
          %get3A_917 = tpu.vector_load %arg11[%get3A_915, %get3A_916] {strides = array<i32>} : memref<256x128xf32, #tpu.memory_space<vmem>>, vector<1x16xf32>,
          %get3A_918 = vector.shape_cast %get3A_917 : vector<1x16xf32> to vector<16xf32>
          %mul3A_919 = arith.mulf %get3A_918, %gather3A_877 : vector<16xf32>
          %swap3A_920 = arith.index_cast %add3A_884 : i32 to index
          %swap3A_921 = arith.constant 48 : index
          %swap3A_922 = tpu.vector_load %arg11[%swap3A_920, %swap3A_921] {strides = array<i32>} : memref<256x128xf32, #tpu.memory_space<vmem>>, vector<1x16xf32>,
          %swap3A_923 = vector.shape_cast %swap3A_922 : vector<1x16xf32> to vector<16xf32>
          %swap3A_924 = vector.shape_cast %mul3A_919 : vector<16xf32> to vector<1x16xf32>
          tpu.vector_store %arg11[%swap3A_920, %swap3A_921], %swap3A_924 {strides = array<i32>} : memref<256x128xf32, #tpu.memory_space<vmem>>, vector<1x16xf32>,
          %get3A_925 = arith.index_cast %add3A_884 : i32 to index
          %get3A_926 = arith.constant 64 : index
          %get3A_927 = tpu.vector_load %arg11[%get3A_925, %get3A_926] {strides = array<i32>} : memref<256x128xf32, #tpu.memory_space<vmem>>, vector<1x16xf32>,
          %get3A_928 = vector.shape_cast %get3A_927 : vector<1x16xf32> to vector<16xf32>
          %mul3A_929 = arith.mulf %get3A_928, %gather3A_877 : vector<16xf32>
          %swap3A_930 = arith.index_cast %add3A_884 : i32 to index
          %swap3A_931 = arith.constant 64 : index
          %swap3A_932 = tpu.vector_load %arg11[%swap3A_930, %swap3A_931] {strides = array<i32>} : memref<256x128xf32, #tpu.memory_space<vmem>>, vector<1x16xf32>,
          %swap3A_933 = vector.shape_cast %swap3A_932 : vector<1x16xf32> to vector<16xf32>
          %swap3A_934 = vector.shape_cast %mul3A_929 : vector<16xf32> to vector<1x16xf32>
          tpu.vector_store %arg11[%swap3A_930, %swap3A_931], %swap3A_934 {strides = array<i32>} : memref<256x128xf32, #tpu.memory_space<vmem>>, vector<1x16xf32>,
          %get3A_935 = arith.index_cast %add3A_884 : i32 to index
          %get3A_936 = arith.constant 80 : index
          %get3A_937 = tpu.vector_load %arg11[%get3A_935, %get3A_936] {strides = array<i32>} : memref<256x128xf32, #tpu.memory_space<vmem>>, vector<1x16xf32>,
          %get3A_938 = vector.shape_cast %get3A_937 : vector<1x16xf32> to vector<16xf32>
          %mul3A_939 = arith.mulf %get3A_938, %gather3A_877 : vector<16xf32>
          %swap3A_940 = arith.index_cast %add3A_884 : i32 to index
          %swap3A_941 = arith.constant 80 : index
          %swap3A_942 = tpu.vector_load %arg11[%swap3A_940, %swap3A_941] {strides = array<i32>} : memref<256x128xf32, #tpu.memory_space<vmem>>, vector<1x16xf32>,
          %swap3A_943 = vector.shape_cast %swap3A_942 : vector<1x16xf32> to vector<16xf32>
          %swap3A_944 = vector.shape_cast %mul3A_939 : vector<16xf32> to vector<1x16xf32>
          tpu.vector_store %arg11[%swap3A_940, %swap3A_941], %swap3A_944 {strides = array<i32>} : memref<256x128xf32, #tpu.memory_space<vmem>>, vector<1x16xf32>,
          %get3A_945 = arith.index_cast %add3A_884 : i32 to index
          %get3A_946 = arith.constant 96 : index
          %get3A_947 = tpu.vector_load %arg11[%get3A_945, %get3A_946] {strides = array<i32>} : memref<256x128xf32, #tpu.memory_space<vmem>>, vector<1x16xf32>,
          %get3A_948 = vector.shape_cast %get3A_947 : vector<1x16xf32> to vector<16xf32>
          %mul3A_949 = arith.mulf %get3A_948, %gather3A_877 : vector<16xf32>
          %swap3A_950 = arith.index_cast %add3A_884 : i32 to index
          %swap3A_951 = arith.constant 96 : index
          %swap3A_952 = tpu.vector_load %arg11[%swap3A_950, %swap3A_951] {strides = array<i32>} : memref<256x128xf32, #tpu.memory_space<vmem>>, vector<1x16xf32>,
          %swap3A_953 = vector.shape_cast %swap3A_952 : vector<1x16xf32> to vector<16xf32>
          %swap3A_954 = vector.shape_cast %mul3A_949 : vector<16xf32> to vector<1x16xf32>
          tpu.vector_store %arg11[%swap3A_950, %swap3A_951], %swap3A_954 {strides = array<i32>} : memref<256x128xf32, #tpu.memory_space<vmem>>, vector<1x16xf32>,
          %get3A_955 = arith.index_cast %add3A_884 : i32 to index
          %get3A_956 = arith.constant 112 : index
          %get3A_957 = tpu.vector_load %arg11[%get3A_955, %get3A_956] {strides = array<i32>} : memref<256x128xf32, #tpu.memory_space<vmem>>, vector<1x16xf32>,
          %get3A_958 = vector.shape_cast %get3A_957 : vector<1x16xf32> to vector<16xf32>
          %mul3A_959 = arith.mulf %get3A_958, %gather3A_877 : vector<16xf32>
          %swap3A_960 = arith.index_cast %add3A_884 : i32 to index
          %swap3A_961 = arith.constant 112 : index
          %swap3A_962 = tpu.vector_load %arg11[%swap3A_960, %swap3A_961] {strides = array<i32>} : memref<256x128xf32, #tpu.memory_space<vmem>>, vector<1x16xf32>,
          %swap3A_963 = vector.shape_cast %swap3A_962 : vector<1x16xf32> to vector<16xf32>
          %swap3A_964 = vector.shape_cast %mul3A_959 : vector<16xf32> to vector<1x16xf32>
          tpu.vector_store %arg11[%swap3A_960, %swap3A_961], %swap3A_964 {strides = array<i32>} : memref<256x128xf32, #tpu.memory_space<vmem>>, vector<1x16xf32>,
          %broadcast_in_dim3A_965 = arith.constant 7 : i32
          %broadcast_in_dim3A_966 = vector.broadcast %broadcast_in_dim3A_965 : i32 to vector<16x1xi32>
          %gather3A_967 = vector.shape_cast %broadcast_in_dim3A_966 : vector<16x1xi32> to vector<16xi32>
          %gather3A_968 = tpu.dynamic_gather %get3A_330[%gather3A_967] in [0] : vector<16xf32>, vector<16xi32> -> vector<16xf32>
          %mul3A_969 = arith.constant 128 : i32
          %mul3A_970 = arith.muli %rem3A_160, %mul3A_969 : i32
          %mul3A_971 = arith.constant 16 : i32
          %mul3A_972 = arith.muli %scan3A_323, %mul3A_971 : i32
          %add3A_973 = arith.addi %mul3A_970, %mul3A_972 : i32
          %add3A_974 = arith.constant 7 : i32
          %add3A_975 = arith.addi %add3A_973, %add3A_974 : i32
          %get3A_976 = arith.index_cast %add3A_975 : i32 to index
          %get3A_977 = arith.constant 0 : index
          %get3A_978 = tpu.vector_load %arg11[%get3A_976, %get3A_977] {strides = array<i32>} : memref<256x128xf32, #tpu.memory_space<vmem>>, vector<1x16xf32>,
          %get3A_979 = vector.shape_cast %get3A_978 : vector<1x16xf32> to vector<16xf32>
          %mul3A_980 = arith.mulf %get3A_979, %gather3A_968 : vector<16xf32>
          %swap3A_981 = arith.index_cast %add3A_975 : i32 to index
          %swap3A_982 = arith.constant 0 : index
          %swap3A_983 = tpu.vector_load %arg11[%swap3A_981, %swap3A_982] {strides = array<i32>} : memref<256x128xf32, #tpu.memory_space<vmem>>, vector<1x16xf32>,
          %swap3A_984 = vector.shape_cast %swap3A_983 : vector<1x16xf32> to vector<16xf32>
          %swap3A_985 = vector.shape_cast %mul3A_980 : vector<16xf32> to vector<1x16xf32>
          tpu.vector_store %arg11[%swap3A_981, %swap3A_982], %swap3A_985 {strides = array<i32>} : memref<256x128xf32, #tpu.memory_space<vmem>>, vector<1x16xf32>,
          %get3A_986 = arith.index_cast %add3A_975 : i32 to index
          %get3A_987 = arith.constant 16 : index
          %get3A_988 = tpu.vector_load %arg11[%get3A_986, %get3A_987] {strides = array<i32>} : memref<256x128xf32, #tpu.memory_space<vmem>>, vector<1x16xf32>,
          %get3A_989 = vector.shape_cast %get3A_988 : vector<1x16xf32> to vector<16xf32>
          %mul3A_990 = arith.mulf %get3A_989, %gather3A_968 : vector<16xf32>
          %swap3A_991 = arith.index_cast %add3A_975 : i32 to index
          %swap3A_992 = arith.constant 16 : index
          %swap3A_993 = tpu.vector_load %arg11[%swap3A_991, %swap3A_992] {strides = array<i32>} : memref<256x128xf32, #tpu.memory_space<vmem>>, vector<1x16xf32>,
          %swap3A_994 = vector.shape_cast %swap3A_993 : vector<1x16xf32> to vector<16xf32>
          %swap3A_995 = vector.shape_cast %mul3A_990 : vector<16xf32> to vector<1x16xf32>
          tpu.vector_store %arg11[%swap3A_991, %swap3A_992], %swap3A_995 {strides = array<i32>} : memref<256x128xf32, #tpu.memory_space<vmem>>, vector<1x16xf32>,
          %get3A_996 = arith.index_cast %add3A_975 : i32 to index
          %get3A_997 = arith.constant 32 : index
          %get3A_998 = tpu.vector_load %arg11[%get3A_996, %get3A_997] {strides = array<i32>} : memref<256x128xf32, #tpu.memory_space<vmem>>, vector<1x16xf32>,
          %get3A_999 = vector.shape_cast %get3A_998 : vector<1x16xf32> to vector<16xf32>
          %mul3A_1000 = arith.mulf %get3A_999, %gather3A_968 : vector<16xf32>
          %swap3A_1001 = arith.index_cast %add3A_975 : i32 to index
          %swap3A_1002 = arith.constant 32 : index
          %swap3A_1003 = tpu.vector_load %arg11[%swap3A_1001, %swap3A_1002] {strides = array<i32>} : memref<256x128xf32, #tpu.memory_space<vmem>>, vector<1x16xf32>,
          %swap3A_1004 = vector.shape_cast %swap3A_1003 : vector<1x16xf32> to vector<16xf32>
          %swap3A_1005 = vector.shape_cast %mul3A_1000 : vector<16xf32> to vector<1x16xf32>
          tpu.vector_store %arg11[%swap3A_1001, %swap3A_1002], %swap3A_1005 {strides = array<i32>} : memref<256x128xf32, #tpu.memory_space<vmem>>, vector<1x16xf32>,
          %get3A_1006 = arith.index_cast %add3A_975 : i32 to index
          %get3A_1007 = arith.constant 48 : index
          %get3A_1008 = tpu.vector_load %arg11[%get3A_1006, %get3A_1007] {strides = array<i32>} : memref<256x128xf32, #tpu.memory_space<vmem>>, vector<1x16xf32>,
          %get3A_1009 = vector.shape_cast %get3A_1008 : vector<1x16xf32> to vector<16xf32>
          %mul3A_1010 = arith.mulf %get3A_1009, %gather3A_968 : vector<16xf32>
          %swap3A_1011 = arith.index_cast %add3A_975 : i32 to index
          %swap3A_1012 = arith.constant 48 : index
          %swap3A_1013 = tpu.vector_load %arg11[%swap3A_1011, %swap3A_1012] {strides = array<i32>} : memref<256x128xf32, #tpu.memory_space<vmem>>, vector<1x16xf32>,
          %swap3A_1014 = vector.shape_cast %swap3A_1013 : vector<1x16xf32> to vector<16xf32>
          %swap3A_1015 = vector.shape_cast %mul3A_1010 : vector<16xf32> to vector<1x16xf32>
          tpu.vector_store %arg11[%swap3A_1011, %swap3A_1012], %swap3A_1015 {strides = array<i32>} : memref<256x128xf32, #tpu.memory_space<vmem>>, vector<1x16xf32>,
          %get3A_1016 = arith.index_cast %add3A_975 : i32 to index
          %get3A_1017 = arith.constant 64 : index
          %get3A_1018 = tpu.vector_load %arg11[%get3A_1016, %get3A_1017] {strides = array<i32>} : memref<256x128xf32, #tpu.memory_space<vmem>>, vector<1x16xf32>,
          %get3A_1019 = vector.shape_cast %get3A_1018 : vector<1x16xf32> to vector<16xf32>
          %mul3A_1020 = arith.mulf %get3A_1019, %gather3A_968 : vector<16xf32>
          %swap3A_1021 = arith.index_cast %add3A_975 : i32 to index
          %swap3A_1022 = arith.constant 64 : index
          %swap3A_1023 = tpu.vector_load %arg11[%swap3A_1021, %swap3A_1022] {strides = array<i32>} : memref<256x128xf32, #tpu.memory_space<vmem>>, vector<1x16xf32>,
          %swap3A_1024 = vector.shape_cast %swap3A_1023 : vector<1x16xf32> to vector<16xf32>
          %swap3A_1025 = vector.shape_cast %mul3A_1020 : vector<16xf32> to vector<1x16xf32>
          tpu.vector_store %arg11[%swap3A_1021, %swap3A_1022], %swap3A_1025 {strides = array<i32>} : memref<256x128xf32, #tpu.memory_space<vmem>>, vector<1x16xf32>,
          %get3A_1026 = arith.index_cast %add3A_975 : i32 to index
          %get3A_1027 = arith.constant 80 : index
          %get3A_1028 = tpu.vector_load %arg11[%get3A_1026, %get3A_1027] {strides = array<i32>} : memref<256x128xf32, #tpu.memory_space<vmem>>, vector<1x16xf32>,
          %get3A_1029 = vector.shape_cast %get3A_1028 : vector<1x16xf32> to vector<16xf32>
          %mul3A_1030 = arith.mulf %get3A_1029, %gather3A_968 : vector<16xf32>
          %swap3A_1031 = arith.index_cast %add3A_975 : i32 to index
          %swap3A_1032 = arith.constant 80 : index
          %swap3A_1033 = tpu.vector_load %arg11[%swap3A_1031, %swap3A_1032] {strides = array<i32>} : memref<256x128xf32, #tpu.memory_space<vmem>>, vector<1x16xf32>,
          %swap3A_1034 = vector.shape_cast %swap3A_1033 : vector<1x16xf32> to vector<16xf32>
          %swap3A_1035 = vector.shape_cast %mul3A_1030 : vector<16xf32> to vector<1x16xf32>
          tpu.vector_store %arg11[%swap3A_1031, %swap3A_1032], %swap3A_1035 {strides = array<i32>} : memref<256x128xf32, #tpu.memory_space<vmem>>, vector<1x16xf32>,
          %get3A_1036 = arith.index_cast %add3A_975 : i32 to index
          %get3A_1037 = arith.constant 96 : index
          %get3A_1038 = tpu.vector_load %arg11[%get3A_1036, %get3A_1037] {strides = array<i32>} : memref<256x128xf32, #tpu.memory_space<vmem>>, vector<1x16xf32>,
          %get3A_1039 = vector.shape_cast %get3A_1038 : vector<1x16xf32> to vector<16xf32>
          %mul3A_1040 = arith.mulf %get3A_1039, %gather3A_968 : vector<16xf32>
          %swap3A_1041 = arith.index_cast %add3A_975 : i32 to index
          %swap3A_1042 = arith.constant 96 : index
          %swap3A_1043 = tpu.vector_load %arg11[%swap3A_1041, %swap3A_1042] {strides = array<i32>} : memref<256x128xf32, #tpu.memory_space<vmem>>, vector<1x16xf32>,
          %swap3A_1044 = vector.shape_cast %swap3A_1043 : vector<1x16xf32> to vector<16xf32>
          %swap3A_1045 = vector.shape_cast %mul3A_1040 : vector<16xf32> to vector<1x16xf32>
          tpu.vector_store %arg11[%swap3A_1041, %swap3A_1042], %swap3A_1045 {strides = array<i32>} : memref<256x128xf32, #tpu.memory_space<vmem>>, vector<1x16xf32>,
          %get3A_1046 = arith.index_cast %add3A_975 : i32 to index
          %get3A_1047 = arith.constant 112 : index
          %get3A_1048 = tpu.vector_load %arg11[%get3A_1046, %get3A_1047] {strides = array<i32>} : memref<256x128xf32, #tpu.memory_space<vmem>>, vector<1x16xf32>,
          %get3A_1049 = vector.shape_cast %get3A_1048 : vector<1x16xf32> to vector<16xf32>
          %mul3A_1050 = arith.mulf %get3A_1049, %gather3A_968 : vector<16xf32>
          %swap3A_1051 = arith.index_cast %add3A_975 : i32 to index
          %swap3A_1052 = arith.constant 112 : index
          %swap3A_1053 = tpu.vector_load %arg11[%swap3A_1051, %swap3A_1052] {strides = array<i32>} : memref<256x128xf32, #tpu.memory_space<vmem>>, vector<1x16xf32>,
          %swap3A_1054 = vector.shape_cast %swap3A_1053 : vector<1x16xf32> to vector<16xf32>
          %swap3A_1055 = vector.shape_cast %mul3A_1050 : vector<16xf32> to vector<1x16xf32>
          tpu.vector_store %arg11[%swap3A_1051, %swap3A_1052], %swap3A_1055 {strides = array<i32>} : memref<256x128xf32, #tpu.memory_space<vmem>>, vector<1x16xf32>,
          %broadcast_in_dim3A_1056 = arith.constant 8 : i32
          %broadcast_in_dim3A_1057 = vector.broadcast %broadcast_in_dim3A_1056 : i32 to vector<16x1xi32>
          %gather3A_1058 = vector.shape_cast %broadcast_in_dim3A_1057 : vector<16x1xi32> to vector<16xi32>
          %gather3A_1059 = tpu.dynamic_gather %get3A_330[%gather3A_1058] in [0] : vector<16xf32>, vector<16xi32> -> vector<16xf32>
          %mul3A_1060 = arith.constant 128 : i32
          %mul3A_1061 = arith.muli %rem3A_160, %mul3A_1060 : i32
          %mul3A_1062 = arith.constant 16 : i32
          %mul3A_1063 = arith.muli %scan3A_323, %mul3A_1062 : i32
          %add3A_1064 = arith.addi %mul3A_1061, %mul3A_1063 : i32
          %add3A_1065 = arith.constant 8 : i32
          %add3A_1066 = arith.addi %add3A_1064, %add3A_1065 : i32
          %get3A_1067 = arith.index_cast %add3A_1066 : i32 to index
          %get3A_1068 = arith.constant 0 : index
          %get3A_1069 = tpu.vector_load %arg11[%get3A_1067, %get3A_1068] {strides = array<i32>} : memref<256x128xf32, #tpu.memory_space<vmem>>, vector<1x16xf32>,
          %get3A_1070 = vector.shape_cast %get3A_1069 : vector<1x16xf32> to vector<16xf32>
          %mul3A_1071 = arith.mulf %get3A_1070, %gather3A_1059 : vector<16xf32>
          %swap3A_1072 = arith.index_cast %add3A_1066 : i32 to index
          %swap3A_1073 = arith.constant 0 : index
          %swap3A_1074 = tpu.vector_load %arg11[%swap3A_1072, %swap3A_1073] {strides = array<i32>} : memref<256x128xf32, #tpu.memory_space<vmem>>, vector<1x16xf32>,
          %swap3A_1075 = vector.shape_cast %swap3A_1074 : vector<1x16xf32> to vector<16xf32>
          %swap3A_1076 = vector.shape_cast %mul3A_1071 : vector<16xf32> to vector<1x16xf32>
          tpu.vector_store %arg11[%swap3A_1072, %swap3A_1073], %swap3A_1076 {strides = array<i32>} : memref<256x128xf32, #tpu.memory_space<vmem>>, vector<1x16xf32>,
          %get3A_1077 = arith.index_cast %add3A_1066 : i32 to index
          %get3A_1078 = arith.constant 16 : index
          %get3A_1079 = tpu.vector_load %arg11[%get3A_1077, %get3A_1078] {strides = array<i32>} : memref<256x128xf32, #tpu.memory_space<vmem>>, vector<1x16xf32>,
          %get3A_1080 = vector.shape_cast %get3A_1079 : vector<1x16xf32> to vector<16xf32>
          %mul3A_1081 = arith.mulf %get3A_1080, %gather3A_1059 : vector<16xf32>
          %swap3A_1082 = arith.index_cast %add3A_1066 : i32 to index
          %swap3A_1083 = arith.constant 16 : index
          %swap3A_1084 = tpu.vector_load %arg11[%swap3A_1082, %swap3A_1083] {strides = array<i32>} : memref<256x128xf32, #tpu.memory_space<vmem>>, vector<1x16xf32>,
          %swap3A_1085 = vector.shape_cast %swap3A_1084 : vector<1x16xf32> to vector<16xf32>
          %swap3A_1086 = vector.shape_cast %mul3A_1081 : vector<16xf32> to vector<1x16xf32>
          tpu.vector_store %arg11[%swap3A_1082, %swap3A_1083], %swap3A_1086 {strides = array<i32>} : memref<256x128xf32, #tpu.memory_space<vmem>>, vector<1x16xf32>,
          %get3A_1087 = arith.index_cast %add3A_1066 : i32 to index
          %get3A_1088 = arith.constant 32 : index
          %get3A_1089 = tpu.vector_load %arg11[%get3A_1087, %get3A_1088] {strides = array<i32>} : memref<256x128xf32, #tpu.memory_space<vmem>>, vector<1x16xf32>,
          %get3A_1090 = vector.shape_cast %get3A_1089 : vector<1x16xf32> to vector<16xf32>
          %mul3A_1091 = arith.mulf %get3A_1090, %gather3A_1059 : vector<16xf32>
          %swap3A_1092 = arith.index_cast %add3A_1066 : i32 to index
          %swap3A_1093 = arith.constant 32 : index
          %swap3A_1094 = tpu.vector_load %arg11[%swap3A_1092, %swap3A_1093] {strides = array<i32>} : memref<256x128xf32, #tpu.memory_space<vmem>>, vector<1x16xf32>,
          %swap3A_1095 = vector.shape_cast %swap3A_1094 : vector<1x16xf32> to vector<16xf32>
          %swap3A_1096 = vector.shape_cast %mul3A_1091 : vector<16xf32> to vector<1x16xf32>
          tpu.vector_store %arg11[%swap3A_1092, %swap3A_1093], %swap3A_1096 {strides = array<i32>} : memref<256x128xf32, #tpu.memory_space<vmem>>, vector<1x16xf32>,
          %get3A_1097 = arith.index_cast %add3A_1066 : i32 to index
          %get3A_1098 = arith.constant 48 : index
          %get3A_1099 = tpu.vector_load %arg11[%get3A_1097, %get3A_1098] {strides = array<i32>} : memref<256x128xf32, #tpu.memory_space<vmem>>, vector<1x16xf32>,
          %get3A_1100 = vector.shape_cast %get3A_1099 : vector<1x16xf32> to vector<16xf32>
          %mul3A_1101 = arith.mulf %get3A_1100, %gather3A_1059 : vector<16xf32>
          %swap3A_1102 = arith.index_cast %add3A_1066 : i32 to index
          %swap3A_1103 = arith.constant 48 : index
          %swap3A_1104 = tpu.vector_load %arg11[%swap3A_1102, %swap3A_1103] {strides = array<i32>} : memref<256x128xf32, #tpu.memory_space<vmem>>, vector<1x16xf32>,
          %swap3A_1105 = vector.shape_cast %swap3A_1104 : vector<1x16xf32> to vector<16xf32>
          %swap3A_1106 = vector.shape_cast %mul3A_1101 : vector<16xf32> to vector<1x16xf32>
          tpu.vector_store %arg11[%swap3A_1102, %swap3A_1103], %swap3A_1106 {strides = array<i32>} : memref<256x128xf32, #tpu.memory_space<vmem>>, vector<1x16xf32>,
          %get3A_1107 = arith.index_cast %add3A_1066 : i32 to index
          %get3A_1108 = arith.constant 64 : index
          %get3A_1109 = tpu.vector_load %arg11[%get3A_1107, %get3A_1108] {strides = array<i32>} : memref<256x128xf32, #tpu.memory_space<vmem>>, vector<1x16xf32>,
          %get3A_1110 = vector.shape_cast %get3A_1109 : vector<1x16xf32> to vector<16xf32>
          %mul3A_1111 = arith.mulf %get3A_1110, %gather3A_1059 : vector<16xf32>
          %swap3A_1112 = arith.index_cast %add3A_1066 : i32 to index
          %swap3A_1113 = arith.constant 64 : index
          %swap3A_1114 = tpu.vector_load %arg11[%swap3A_1112, %swap3A_1113] {strides = array<i32>} : memref<256x128xf32, #tpu.memory_space<vmem>>, vector<1x16xf32>,
          %swap3A_1115 = vector.shape_cast %swap3A_1114 : vector<1x16xf32> to vector<16xf32>
          %swap3A_1116 = vector.shape_cast %mul3A_1111 : vector<16xf32> to vector<1x16xf32>
          tpu.vector_store %arg11[%swap3A_1112, %swap3A_1113], %swap3A_1116 {strides = array<i32>} : memref<256x128xf32, #tpu.memory_space<vmem>>, vector<1x16xf32>,
          %get3A_1117 = arith.index_cast %add3A_1066 : i32 to index
          %get3A_1118 = arith.constant 80 : index
          %get3A_1119 = tpu.vector_load %arg11[%get3A_1117, %get3A_1118] {strides = array<i32>} : memref<256x128xf32, #tpu.memory_space<vmem>>, vector<1x16xf32>,
          %get3A_1120 = vector.shape_cast %get3A_1119 : vector<1x16xf32> to vector<16xf32>
          %mul3A_1121 = arith.mulf %get3A_1120, %gather3A_1059 : vector<16xf32>
          %swap3A_1122 = arith.index_cast %add3A_1066 : i32 to index
          %swap3A_1123 = arith.constant 80 : index
          %swap3A_1124 = tpu.vector_load %arg11[%swap3A_1122, %swap3A_1123] {strides = array<i32>} : memref<256x128xf32, #tpu.memory_space<vmem>>, vector<1x16xf32>,
          %swap3A_1125 = vector.shape_cast %swap3A_1124 : vector<1x16xf32> to vector<16xf32>
          %swap3A_1126 = vector.shape_cast %mul3A_1121 : vector<16xf32> to vector<1x16xf32>
          tpu.vector_store %arg11[%swap3A_1122, %swap3A_1123], %swap3A_1126 {strides = array<i32>} : memref<256x128xf32, #tpu.memory_space<vmem>>, vector<1x16xf32>,
          %get3A_1127 = arith.index_cast %add3A_1066 : i32 to index
          %get3A_1128 = arith.constant 96 : index
          %get3A_1129 = tpu.vector_load %arg11[%get3A_1127, %get3A_1128] {strides = array<i32>} : memref<256x128xf32, #tpu.memory_space<vmem>>, vector<1x16xf32>,
          %get3A_1130 = vector.shape_cast %get3A_1129 : vector<1x16xf32> to vector<16xf32>
          %mul3A_1131 = arith.mulf %get3A_1130, %gather3A_1059 : vector<16xf32>
          %swap3A_1132 = arith.index_cast %add3A_1066 : i32 to index
          %swap3A_1133 = arith.constant 96 : index
          %swap3A_1134 = tpu.vector_load %arg11[%swap3A_1132, %swap3A_1133] {strides = array<i32>} : memref<256x128xf32, #tpu.memory_space<vmem>>, vector<1x16xf32>,
          %swap3A_1135 = vector.shape_cast %swap3A_1134 : vector<1x16xf32> to vector<16xf32>
          %swap3A_1136 = vector.shape_cast %mul3A_1131 : vector<16xf32> to vector<1x16xf32>
          tpu.vector_store %arg11[%swap3A_1132, %swap3A_1133], %swap3A_1136 {strides = array<i32>} : memref<256x128xf32, #tpu.memory_space<vmem>>, vector<1x16xf32>,
          %get3A_1137 = arith.index_cast %add3A_1066 : i32 to index
          %get3A_1138 = arith.constant 112 : index
          %get3A_1139 = tpu.vector_load %arg11[%get3A_1137, %get3A_1138] {strides = array<i32>} : memref<256x128xf32, #tpu.memory_space<vmem>>, vector<1x16xf32>,
          %get3A_1140 = vector.shape_cast %get3A_1139 : vector<1x16xf32> to vector<16xf32>
          %mul3A_1141 = arith.mulf %get3A_1140, %gather3A_1059 : vector<16xf32>
          %swap3A_1142 = arith.index_cast %add3A_1066 : i32 to index
          %swap3A_1143 = arith.constant 112 : index
          %swap3A_1144 = tpu.vector_load %arg11[%swap3A_1142, %swap3A_1143] {strides = array<i32>} : memref<256x128xf32, #tpu.memory_space<vmem>>, vector<1x16xf32>,
          %swap3A_1145 = vector.shape_cast %swap3A_1144 : vector<1x16xf32> to vector<16xf32>
          %swap3A_1146 = vector.shape_cast %mul3A_1141 : vector<16xf32> to vector<1x16xf32>
          tpu.vector_store %arg11[%swap3A_1142, %swap3A_1143], %swap3A_1146 {strides = array<i32>} : memref<256x128xf32, #tpu.memory_space<vmem>>, vector<1x16xf32>,
          %broadcast_in_dim3A_1147 = arith.constant 9 : i32
          %broadcast_in_dim3A_1148 = vector.broadcast %broadcast_in_dim3A_1147 : i32 to vector<16x1xi32>
          %gather3A_1149 = vector.shape_cast %broadcast_in_dim3A_1148 : vector<16x1xi32> to vector<16xi32>
          %gather3A_1150 = tpu.dynamic_gather %get3A_330[%gather3A_1149] in [0] : vector<16xf32>, vector<16xi32> -> vector<16xf32>
          %mul3A_1151 = arith.constant 128 : i32
          %mul3A_1152 = arith.muli %rem3A_160, %mul3A_1151 : i32
          %mul3A_1153 = arith.constant 16 : i32
          %mul3A_1154 = arith.muli %scan3A_323, %mul3A_1153 : i32
          %add3A_1155 = arith.addi %mul3A_1152, %mul3A_1154 : i32
          %add3A_1156 = arith.constant 9 : i32
          %add3A_1157 = arith.addi %add3A_1155, %add3A_1156 : i32
          %get3A_1158 = arith.index_cast %add3A_1157 : i32 to index
          %get3A_1159 = arith.constant 0 : index
          %get3A_1160 = tpu.vector_load %arg11[%get3A_1158, %get3A_1159] {strides = array<i32>} : memref<256x128xf32, #tpu.memory_space<vmem>>, vector<1x16xf32>,
          %get3A_1161 = vector.shape_cast %get3A_1160 : vector<1x16xf32> to vector<16xf32>
          %mul3A_1162 = arith.mulf %get3A_1161, %gather3A_1150 : vector<16xf32>
          %swap3A_1163 = arith.index_cast %add3A_1157 : i32 to index
          %swap3A_1164 = arith.constant 0 : index
          %swap3A_1165 = tpu.vector_load %arg11[%swap3A_1163, %swap3A_1164] {strides = array<i32>} : memref<256x128xf32, #tpu.memory_space<vmem>>, vector<1x16xf32>,
          %swap3A_1166 = vector.shape_cast %swap3A_1165 : vector<1x16xf32> to vector<16xf32>
          %swap3A_1167 = vector.shape_cast %mul3A_1162 : vector<16xf32> to vector<1x16xf32>
          tpu.vector_store %arg11[%swap3A_1163, %swap3A_1164], %swap3A_1167 {strides = array<i32>} : memref<256x128xf32, #tpu.memory_space<vmem>>, vector<1x16xf32>,
          %get3A_1168 = arith.index_cast %add3A_1157 : i32 to index
          %get3A_1169 = arith.constant 16 : index
          %get3A_1170 = tpu.vector_load %arg11[%get3A_1168, %get3A_1169] {strides = array<i32>} : memref<256x128xf32, #tpu.memory_space<vmem>>, vector<1x16xf32>,
          %get3A_1171 = vector.shape_cast %get3A_1170 : vector<1x16xf32> to vector<16xf32>
          %mul3A_1172 = arith.mulf %get3A_1171, %gather3A_1150 : vector<16xf32>
          %swap3A_1173 = arith.index_cast %add3A_1157 : i32 to index
          %swap3A_1174 = arith.constant 16 : index
          %swap3A_1175 = tpu.vector_load %arg11[%swap3A_1173, %swap3A_1174] {strides = array<i32>} : memref<256x128xf32, #tpu.memory_space<vmem>>, vector<1x16xf32>,
          %swap3A_1176 = vector.shape_cast %swap3A_1175 : vector<1x16xf32> to vector<16xf32>
          %swap3A_1177 = vector.shape_cast %mul3A_1172 : vector<16xf32> to vector<1x16xf32>
          tpu.vector_store %arg11[%swap3A_1173, %swap3A_1174], %swap3A_1177 {strides = array<i32>} : memref<256x128xf32, #tpu.memory_space<vmem>>, vector<1x16xf32>,
          %get3A_1178 = arith.index_cast %add3A_1157 : i32 to index
          %get3A_1179 = arith.constant 32 : index
          %get3A_1180 = tpu.vector_load %arg11[%get3A_1178, %get3A_1179] {strides = array<i32>} : memref<256x128xf32, #tpu.memory_space<vmem>>, vector<1x16xf32>,
          %get3A_1181 = vector.shape_cast %get3A_1180 : vector<1x16xf32> to vector<16xf32>
          %mul3A_1182 = arith.mulf %get3A_1181, %gather3A_1150 : vector<16xf32>
          %swap3A_1183 = arith.index_cast %add3A_1157 : i32 to index
          %swap3A_1184 = arith.constant 32 : index
          %swap3A_1185 = tpu.vector_load %arg11[%swap3A_1183, %swap3A_1184] {strides = array<i32>} : memref<256x128xf32, #tpu.memory_space<vmem>>, vector<1x16xf32>,
          %swap3A_1186 = vector.shape_cast %swap3A_1185 : vector<1x16xf32> to vector<16xf32>
          %swap3A_1187 = vector.shape_cast %mul3A_1182 : vector<16xf32> to vector<1x16xf32>
          tpu.vector_store %arg11[%swap3A_1183, %swap3A_1184], %swap3A_1187 {strides = array<i32>} : memref<256x128xf32, #tpu.memory_space<vmem>>, vector<1x16xf32>,
          %get3A_1188 = arith.index_cast %add3A_1157 : i32 to index
          %get3A_1189 = arith.constant 48 : index
          %get3A_1190 = tpu.vector_load %arg11[%get3A_1188, %get3A_1189] {strides = array<i32>} : memref<256x128xf32, #tpu.memory_space<vmem>>, vector<1x16xf32>,
          %get3A_1191 = vector.shape_cast %get3A_1190 : vector<1x16xf32> to vector<16xf32>
          %mul3A_1192 = arith.mulf %get3A_1191, %gather3A_1150 : vector<16xf32>
          %swap3A_1193 = arith.index_cast %add3A_1157 : i32 to index
          %swap3A_1194 = arith.constant 48 : index
          %swap3A_1195 = tpu.vector_load %arg11[%swap3A_1193, %swap3A_1194] {strides = array<i32>} : memref<256x128xf32, #tpu.memory_space<vmem>>, vector<1x16xf32>,
          %swap3A_1196 = vector.shape_cast %swap3A_1195 : vector<1x16xf32> to vector<16xf32>
          %swap3A_1197 = vector.shape_cast %mul3A_1192 : vector<16xf32> to vector<1x16xf32>
          tpu.vector_store %arg11[%swap3A_1193, %swap3A_1194], %swap3A_1197 {strides = array<i32>} : memref<256x128xf32, #tpu.memory_space<vmem>>, vector<1x16xf32>,
          %get3A_1198 = arith.index_cast %add3A_1157 : i32 to index
          %get3A_1199 = arith.constant 64 : index
          %get3A_1200 = tpu.vector_load %arg11[%get3A_1198, %get3A_1199] {strides = array<i32>} : memref<256x128xf32, #tpu.memory_space<vmem>>, vector<1x16xf32>,
          %get3A_1201 = vector.shape_cast %get3A_1200 : vector<1x16xf32> to vector<16xf32>
          %mul3A_1202 = arith.mulf %get3A_1201, %gather3A_1150 : vector<16xf32>
          %swap3A_1203 = arith.index_cast %add3A_1157 : i32 to index
          %swap3A_1204 = arith.constant 64 : index
          %swap3A_1205 = tpu.vector_load %arg11[%swap3A_1203, %swap3A_1204] {strides = array<i32>} : memref<256x128xf32, #tpu.memory_space<vmem>>, vector<1x16xf32>,
          %swap3A_1206 = vector.shape_cast %swap3A_1205 : vector<1x16xf32> to vector<16xf32>
          %swap3A_1207 = vector.shape_cast %mul3A_1202 : vector<16xf32> to vector<1x16xf32>
          tpu.vector_store %arg11[%swap3A_1203, %swap3A_1204], %swap3A_1207 {strides = array<i32>} : memref<256x128xf32, #tpu.memory_space<vmem>>, vector<1x16xf32>,
          %get3A_1208 = arith.index_cast %add3A_1157 : i32 to index
          %get3A_1209 = arith.constant 80 : index
          %get3A_1210 = tpu.vector_load %arg11[%get3A_1208, %get3A_1209] {strides = array<i32>} : memref<256x128xf32, #tpu.memory_space<vmem>>, vector<1x16xf32>,
          %get3A_1211 = vector.shape_cast %get3A_1210 : vector<1x16xf32> to vector<16xf32>
          %mul3A_1212 = arith.mulf %get3A_1211, %gather3A_1150 : vector<16xf32>
          %swap3A_1213 = arith.index_cast %add3A_1157 : i32 to index
          %swap3A_1214 = arith.constant 80 : index
          %swap3A_1215 = tpu.vector_load %arg11[%swap3A_1213, %swap3A_1214] {strides = array<i32>} : memref<256x128xf32, #tpu.memory_space<vmem>>, vector<1x16xf32>,
          %swap3A_1216 = vector.shape_cast %swap3A_1215 : vector<1x16xf32> to vector<16xf32>
          %swap3A_1217 = vector.shape_cast %mul3A_1212 : vector<16xf32> to vector<1x16xf32>
          tpu.vector_store %arg11[%swap3A_1213, %swap3A_1214], %swap3A_1217 {strides = array<i32>} : memref<256x128xf32, #tpu.memory_space<vmem>>, vector<1x16xf32>,
          %get3A_1218 = arith.index_cast %add3A_1157 : i32 to index
          %get3A_1219 = arith.constant 96 : index
          %get3A_1220 = tpu.vector_load %arg11[%get3A_1218, %get3A_1219] {strides = array<i32>} : memref<256x128xf32, #tpu.memory_space<vmem>>, vector<1x16xf32>,
          %get3A_1221 = vector.shape_cast %get3A_1220 : vector<1x16xf32> to vector<16xf32>
          %mul3A_1222 = arith.mulf %get3A_1221, %gather3A_1150 : vector<16xf32>
          %swap3A_1223 = arith.index_cast %add3A_1157 : i32 to index
          %swap3A_1224 = arith.constant 96 : index
          %swap3A_1225 = tpu.vector_load %arg11[%swap3A_1223, %swap3A_1224] {strides = array<i32>} : memref<256x128xf32, #tpu.memory_space<vmem>>, vector<1x16xf32>,
          %swap3A_1226 = vector.shape_cast %swap3A_1225 : vector<1x16xf32> to vector<16xf32>
          %swap3A_1227 = vector.shape_cast %mul3A_1222 : vector<16xf32> to vector<1x16xf32>
          tpu.vector_store %arg11[%swap3A_1223, %swap3A_1224], %swap3A_1227 {strides = array<i32>} : memref<256x128xf32, #tpu.memory_space<vmem>>, vector<1x16xf32>,
          %get3A_1228 = arith.index_cast %add3A_1157 : i32 to index
          %get3A_1229 = arith.constant 112 : index
          %get3A_1230 = tpu.vector_load %arg11[%get3A_1228, %get3A_1229] {strides = array<i32>} : memref<256x128xf32, #tpu.memory_space<vmem>>, vector<1x16xf32>,
          %get3A_1231 = vector.shape_cast %get3A_1230 : vector<1x16xf32> to vector<16xf32>
          %mul3A_1232 = arith.mulf %get3A_1231, %gather3A_1150 : vector<16xf32>
          %swap3A_1233 = arith.index_cast %add3A_1157 : i32 to index
          %swap3A_1234 = arith.constant 112 : index
          %swap3A_1235 = tpu.vector_load %arg11[%swap3A_1233, %swap3A_1234] {strides = array<i32>} : memref<256x128xf32, #tpu.memory_space<vmem>>, vector<1x16xf32>,
          %swap3A_1236 = vector.shape_cast %swap3A_1235 : vector<1x16xf32> to vector<16xf32>
          %swap3A_1237 = vector.shape_cast %mul3A_1232 : vector<16xf32> to vector<1x16xf32>
          tpu.vector_store %arg11[%swap3A_1233, %swap3A_1234], %swap3A_1237 {strides = array<i32>} : memref<256x128xf32, #tpu.memory_space<vmem>>, vector<1x16xf32>,
          %broadcast_in_dim3A_1238 = arith.constant 10 : i32
          %broadcast_in_dim3A_1239 = vector.broadcast %broadcast_in_dim3A_1238 : i32 to vector<16x1xi32>
          %gather3A_1240 = vector.shape_cast %broadcast_in_dim3A_1239 : vector<16x1xi32> to vector<16xi32>
          %gather3A_1241 = tpu.dynamic_gather %get3A_330[%gather3A_1240] in [0] : vector<16xf32>, vector<16xi32> -> vector<16xf32>
          %mul3A_1242 = arith.constant 128 : i32
          %mul3A_1243 = arith.muli %rem3A_160, %mul3A_1242 : i32
          %mul3A_1244 = arith.constant 16 : i32
          %mul3A_1245 = arith.muli %scan3A_323, %mul3A_1244 : i32
          %add3A_1246 = arith.addi %mul3A_1243, %mul3A_1245 : i32
          %add3A_1247 = arith.constant 10 : i32
          %add3A_1248 = arith.addi %add3A_1246, %add3A_1247 : i32
          %get3A_1249 = arith.index_cast %add3A_1248 : i32 to index
          %get3A_1250 = arith.constant 0 : index
          %get3A_1251 = tpu.vector_load %arg11[%get3A_1249, %get3A_1250] {strides = array<i32>} : memref<256x128xf32, #tpu.memory_space<vmem>>, vector<1x16xf32>,
          %get3A_1252 = vector.shape_cast %get3A_1251 : vector<1x16xf32> to vector<16xf32>
          %mul3A_1253 = arith.mulf %get3A_1252, %gather3A_1241 : vector<16xf32>
          %swap3A_1254 = arith.index_cast %add3A_1248 : i32 to index
          %swap3A_1255 = arith.constant 0 : index
          %swap3A_1256 = tpu.vector_load %arg11[%swap3A_1254, %swap3A_1255] {strides = array<i32>} : memref<256x128xf32, #tpu.memory_space<vmem>>, vector<1x16xf32>,
          %swap3A_1257 = vector.shape_cast %swap3A_1256 : vector<1x16xf32> to vector<16xf32>
          %swap3A_1258 = vector.shape_cast %mul3A_1253 : vector<16xf32> to vector<1x16xf32>
          tpu.vector_store %arg11[%swap3A_1254, %swap3A_1255], %swap3A_1258 {strides = array<i32>} : memref<256x128xf32, #tpu.memory_space<vmem>>, vector<1x16xf32>,
          %get3A_1259 = arith.index_cast %add3A_1248 : i32 to index
          %get3A_1260 = arith.constant 16 : index
          %get3A_1261 = tpu.vector_load %arg11[%get3A_1259, %get3A_1260] {strides = array<i32>} : memref<256x128xf32, #tpu.memory_space<vmem>>, vector<1x16xf32>,
          %get3A_1262 = vector.shape_cast %get3A_1261 : vector<1x16xf32> to vector<16xf32>
          %mul3A_1263 = arith.mulf %get3A_1262, %gather3A_1241 : vector<16xf32>
          %swap3A_1264 = arith.index_cast %add3A_1248 : i32 to index
          %swap3A_1265 = arith.constant 16 : index
          %swap3A_1266 = tpu.vector_load %arg11[%swap3A_1264, %swap3A_1265] {strides = array<i32>} : memref<256x128xf32, #tpu.memory_space<vmem>>, vector<1x16xf32>,
          %swap3A_1267 = vector.shape_cast %swap3A_1266 : vector<1x16xf32> to vector<16xf32>
          %swap3A_1268 = vector.shape_cast %mul3A_1263 : vector<16xf32> to vector<1x16xf32>
          tpu.vector_store %arg11[%swap3A_1264, %swap3A_1265], %swap3A_1268 {strides = array<i32>} : memref<256x128xf32, #tpu.memory_space<vmem>>, vector<1x16xf32>,
          %get3A_1269 = arith.index_cast %add3A_1248 : i32 to index
          %get3A_1270 = arith.constant 32 : index
          %get3A_1271 = tpu.vector_load %arg11[%get3A_1269, %get3A_1270] {strides = array<i32>} : memref<256x128xf32, #tpu.memory_space<vmem>>, vector<1x16xf32>,
          %get3A_1272 = vector.shape_cast %get3A_1271 : vector<1x16xf32> to vector<16xf32>
          %mul3A_1273 = arith.mulf %get3A_1272, %gather3A_1241 : vector<16xf32>
          %swap3A_1274 = arith.index_cast %add3A_1248 : i32 to index
          %swap3A_1275 = arith.constant 32 : index
          %swap3A_1276 = tpu.vector_load %arg11[%swap3A_1274, %swap3A_1275] {strides = array<i32>} : memref<256x128xf32, #tpu.memory_space<vmem>>, vector<1x16xf32>,
          %swap3A_1277 = vector.shape_cast %swap3A_1276 : vector<1x16xf32> to vector<16xf32>
          %swap3A_1278 = vector.shape_cast %mul3A_1273 : vector<16xf32> to vector<1x16xf32>
          tpu.vector_store %arg11[%swap3A_1274, %swap3A_1275], %swap3A_1278 {strides = array<i32>} : memref<256x128xf32, #tpu.memory_space<vmem>>, vector<1x16xf32>,
          %get3A_1279 = arith.index_cast %add3A_1248 : i32 to index
          %get3A_1280 = arith.constant 48 : index
          %get3A_1281 = tpu.vector_load %arg11[%get3A_1279, %get3A_1280] {strides = array<i32>} : memref<256x128xf32, #tpu.memory_space<vmem>>, vector<1x16xf32>,
          %get3A_1282 = vector.shape_cast %get3A_1281 : vector<1x16xf32> to vector<16xf32>
          %mul3A_1283 = arith.mulf %get3A_1282, %gather3A_1241 : vector<16xf32>
          %swap3A_1284 = arith.index_cast %add3A_1248 : i32 to index
          %swap3A_1285 = arith.constant 48 : index
          %swap3A_1286 = tpu.vector_load %arg11[%swap3A_1284, %swap3A_1285] {strides = array<i32>} : memref<256x128xf32, #tpu.memory_space<vmem>>, vector<1x16xf32>,
          %swap3A_1287 = vector.shape_cast %swap3A_1286 : vector<1x16xf32> to vector<16xf32>
          %swap3A_1288 = vector.shape_cast %mul3A_1283 : vector<16xf32> to vector<1x16xf32>
          tpu.vector_store %arg11[%swap3A_1284, %swap3A_1285], %swap3A_1288 {strides = array<i32>} : memref<256x128xf32, #tpu.memory_space<vmem>>, vector<1x16xf32>,
          %get3A_1289 = arith.index_cast %add3A_1248 : i32 to index
          %get3A_1290 = arith.constant 64 : index
          %get3A_1291 = tpu.vector_load %arg11[%get3A_1289, %get3A_1290] {strides = array<i32>} : memref<256x128xf32, #tpu.memory_space<vmem>>, vector<1x16xf32>,
          %get3A_1292 = vector.shape_cast %get3A_1291 : vector<1x16xf32> to vector<16xf32>
          %mul3A_1293 = arith.mulf %get3A_1292, %gather3A_1241 : vector<16xf32>
          %swap3A_1294 = arith.index_cast %add3A_1248 : i32 to index
          %swap3A_1295 = arith.constant 64 : index
          %swap3A_1296 = tpu.vector_load %arg11[%swap3A_1294, %swap3A_1295] {strides = array<i32>} : memref<256x128xf32, #tpu.memory_space<vmem>>, vector<1x16xf32>,
          %swap3A_1297 = vector.shape_cast %swap3A_1296 : vector<1x16xf32> to vector<16xf32>
          %swap3A_1298 = vector.shape_cast %mul3A_1293 : vector<16xf32> to vector<1x16xf32>
          tpu.vector_store %arg11[%swap3A_1294, %swap3A_1295], %swap3A_1298 {strides = array<i32>} : memref<256x128xf32, #tpu.memory_space<vmem>>, vector<1x16xf32>,
          %get3A_1299 = arith.index_cast %add3A_1248 : i32 to index
          %get3A_1300 = arith.constant 80 : index
          %get3A_1301 = tpu.vector_load %arg11[%get3A_1299, %get3A_1300] {strides = array<i32>} : memref<256x128xf32, #tpu.memory_space<vmem>>, vector<1x16xf32>,
          %get3A_1302 = vector.shape_cast %get3A_1301 : vector<1x16xf32> to vector<16xf32>
          %mul3A_1303 = arith.mulf %get3A_1302, %gather3A_1241 : vector<16xf32>
          %swap3A_1304 = arith.index_cast %add3A_1248 : i32 to index
          %swap3A_1305 = arith.constant 80 : index
          %swap3A_1306 = tpu.vector_load %arg11[%swap3A_1304, %swap3A_1305] {strides = array<i32>} : memref<256x128xf32, #tpu.memory_space<vmem>>, vector<1x16xf32>,
          %swap3A_1307 = vector.shape_cast %swap3A_1306 : vector<1x16xf32> to vector<16xf32>
          %swap3A_1308 = vector.shape_cast %mul3A_1303 : vector<16xf32> to vector<1x16xf32>
          tpu.vector_store %arg11[%swap3A_1304, %swap3A_1305], %swap3A_1308 {strides = array<i32>} : memref<256x128xf32, #tpu.memory_space<vmem>>, vector<1x16xf32>,
          %get3A_1309 = arith.index_cast %add3A_1248 : i32 to index
          %get3A_1310 = arith.constant 96 : index
          %get3A_1311 = tpu.vector_load %arg11[%get3A_1309, %get3A_1310] {strides = array<i32>} : memref<256x128xf32, #tpu.memory_space<vmem>>, vector<1x16xf32>,
          %get3A_1312 = vector.shape_cast %get3A_1311 : vector<1x16xf32> to vector<16xf32>
          %mul3A_1313 = arith.mulf %get3A_1312, %gather3A_1241 : vector<16xf32>
          %swap3A_1314 = arith.index_cast %add3A_1248 : i32 to index
          %swap3A_1315 = arith.constant 96 : index
          %swap3A_1316 = tpu.vector_load %arg11[%swap3A_1314, %swap3A_1315] {strides = array<i32>} : memref<256x128xf32, #tpu.memory_space<vmem>>, vector<1x16xf32>,
          %swap3A_1317 = vector.shape_cast %swap3A_1316 : vector<1x16xf32> to vector<16xf32>
          %swap3A_1318 = vector.shape_cast %mul3A_1313 : vector<16xf32> to vector<1x16xf32>
          tpu.vector_store %arg11[%swap3A_1314, %swap3A_1315], %swap3A_1318 {strides = array<i32>} : memref<256x128xf32, #tpu.memory_space<vmem>>, vector<1x16xf32>,
          %get3A_1319 = arith.index_cast %add3A_1248 : i32 to index
          %get3A_1320 = arith.constant 112 : index
          %get3A_1321 = tpu.vector_load %arg11[%get3A_1319, %get3A_1320] {strides = array<i32>} : memref<256x128xf32, #tpu.memory_space<vmem>>, vector<1x16xf32>,
          %get3A_1322 = vector.shape_cast %get3A_1321 : vector<1x16xf32> to vector<16xf32>
          %mul3A_1323 = arith.mulf %get3A_1322, %gather3A_1241 : vector<16xf32>
          %swap3A_1324 = arith.index_cast %add3A_1248 : i32 to index
          %swap3A_1325 = arith.constant 112 : index
          %swap3A_1326 = tpu.vector_load %arg11[%swap3A_1324, %swap3A_1325] {strides = array<i32>} : memref<256x128xf32, #tpu.memory_space<vmem>>, vector<1x16xf32>,
          %swap3A_1327 = vector.shape_cast %swap3A_1326 : vector<1x16xf32> to vector<16xf32>
          %swap3A_1328 = vector.shape_cast %mul3A_1323 : vector<16xf32> to vector<1x16xf32>
          tpu.vector_store %arg11[%swap3A_1324, %swap3A_1325], %swap3A_1328 {strides = array<i32>} : memref<256x128xf32, #tpu.memory_space<vmem>>, vector<1x16xf32>,
          %broadcast_in_dim3A_1329 = arith.constant 11 : i32
          %broadcast_in_dim3A_1330 = vector.broadcast %broadcast_in_dim3A_1329 : i32 to vector<16x1xi32>
          %gather3A_1331 = vector.shape_cast %broadcast_in_dim3A_1330 : vector<16x1xi32> to vector<16xi32>
          %gather3A_1332 = tpu.dynamic_gather %get3A_330[%gather3A_1331] in [0] : vector<16xf32>, vector<16xi32> -> vector<16xf32>
          %mul3A_1333 = arith.constant 128 : i32
          %mul3A_1334 = arith.muli %rem3A_160, %mul3A_1333 : i32
          %mul3A_1335 = arith.constant 16 : i32
          %mul3A_1336 = arith.muli %scan3A_323, %mul3A_1335 : i32
          %add3A_1337 = arith.addi %mul3A_1334, %mul3A_1336 : i32
          %add3A_1338 = arith.constant 11 : i32
          %add3A_1339 = arith.addi %add3A_1337, %add3A_1338 : i32
          %get3A_1340 = arith.index_cast %add3A_1339 : i32 to index
          %get3A_1341 = arith.constant 0 : index
          %get3A_1342 = tpu.vector_load %arg11[%get3A_1340, %get3A_1341] {strides = array<i32>} : memref<256x128xf32, #tpu.memory_space<vmem>>, vector<1x16xf32>,
          %get3A_1343 = vector.shape_cast %get3A_1342 : vector<1x16xf32> to vector<16xf32>
          %mul3A_1344 = arith.mulf %get3A_1343, %gather3A_1332 : vector<16xf32>
          %swap3A_1345 = arith.index_cast %add3A_1339 : i32 to index
          %swap3A_1346 = arith.constant 0 : index
          %swap3A_1347 = tpu.vector_load %arg11[%swap3A_1345, %swap3A_1346] {strides = array<i32>} : memref<256x128xf32, #tpu.memory_space<vmem>>, vector<1x16xf32>,
          %swap3A_1348 = vector.shape_cast %swap3A_1347 : vector<1x16xf32> to vector<16xf32>
          %swap3A_1349 = vector.shape_cast %mul3A_1344 : vector<16xf32> to vector<1x16xf32>
          tpu.vector_store %arg11[%swap3A_1345, %swap3A_1346], %swap3A_1349 {strides = array<i32>} : memref<256x128xf32, #tpu.memory_space<vmem>>, vector<1x16xf32>,
          %get3A_1350 = arith.index_cast %add3A_1339 : i32 to index
          %get3A_1351 = arith.constant 16 : index
          %get3A_1352 = tpu.vector_load %arg11[%get3A_1350, %get3A_1351] {strides = array<i32>} : memref<256x128xf32, #tpu.memory_space<vmem>>, vector<1x16xf32>,
          %get3A_1353 = vector.shape_cast %get3A_1352 : vector<1x16xf32> to vector<16xf32>
          %mul3A_1354 = arith.mulf %get3A_1353, %gather3A_1332 : vector<16xf32>
          %swap3A_1355 = arith.index_cast %add3A_1339 : i32 to index
          %swap3A_1356 = arith.constant 16 : index
          %swap3A_1357 = tpu.vector_load %arg11[%swap3A_1355, %swap3A_1356] {strides = array<i32>} : memref<256x128xf32, #tpu.memory_space<vmem>>, vector<1x16xf32>,
          %swap3A_1358 = vector.shape_cast %swap3A_1357 : vector<1x16xf32> to vector<16xf32>
          %swap3A_1359 = vector.shape_cast %mul3A_1354 : vector<16xf32> to vector<1x16xf32>
          tpu.vector_store %arg11[%swap3A_1355, %swap3A_1356], %swap3A_1359 {strides = array<i32>} : memref<256x128xf32, #tpu.memory_space<vmem>>, vector<1x16xf32>,
          %get3A_1360 = arith.index_cast %add3A_1339 : i32 to index
          %get3A_1361 = arith.constant 32 : index
          %get3A_1362 = tpu.vector_load %arg11[%get3A_1360, %get3A_1361] {strides = array<i32>} : memref<256x128xf32, #tpu.memory_space<vmem>>, vector<1x16xf32>,
          %get3A_1363 = vector.shape_cast %get3A_1362 : vector<1x16xf32> to vector<16xf32>
          %mul3A_1364 = arith.mulf %get3A_1363, %gather3A_1332 : vector<16xf32>
          %swap3A_1365 = arith.index_cast %add3A_1339 : i32 to index
          %swap3A_1366 = arith.constant 32 : index
          %swap3A_1367 = tpu.vector_load %arg11[%swap3A_1365, %swap3A_1366] {strides = array<i32>} : memref<256x128xf32, #tpu.memory_space<vmem>>, vector<1x16xf32>,
          %swap3A_1368 = vector.shape_cast %swap3A_1367 : vector<1x16xf32> to vector<16xf32>
          %swap3A_1369 = vector.shape_cast %mul3A_1364 : vector<16xf32> to vector<1x16xf32>
          tpu.vector_store %arg11[%swap3A_1365, %swap3A_1366], %swap3A_1369 {strides = array<i32>} : memref<256x128xf32, #tpu.memory_space<vmem>>, vector<1x16xf32>,
          %get3A_1370 = arith.index_cast %add3A_1339 : i32 to index
          %get3A_1371 = arith.constant 48 : index
          %get3A_1372 = tpu.vector_load %arg11[%get3A_1370, %get3A_1371] {strides = array<i32>} : memref<256x128xf32, #tpu.memory_space<vmem>>, vector<1x16xf32>,
          %get3A_1373 = vector.shape_cast %get3A_1372 : vector<1x16xf32> to vector<16xf32>
          %mul3A_1374 = arith.mulf %get3A_1373, %gather3A_1332 : vector<16xf32>
          %swap3A_1375 = arith.index_cast %add3A_1339 : i32 to index
          %swap3A_1376 = arith.constant 48 : index
          %swap3A_1377 = tpu.vector_load %arg11[%swap3A_1375, %swap3A_1376] {strides = array<i32>} : memref<256x128xf32, #tpu.memory_space<vmem>>, vector<1x16xf32>,
          %swap3A_1378 = vector.shape_cast %swap3A_1377 : vector<1x16xf32> to vector<16xf32>
          %swap3A_1379 = vector.shape_cast %mul3A_1374 : vector<16xf32> to vector<1x16xf32>
          tpu.vector_store %arg11[%swap3A_1375, %swap3A_1376], %swap3A_1379 {strides = array<i32>} : memref<256x128xf32, #tpu.memory_space<vmem>>, vector<1x16xf32>,
          %get3A_1380 = arith.index_cast %add3A_1339 : i32 to index
          %get3A_1381 = arith.constant 64 : index
          %get3A_1382 = tpu.vector_load %arg11[%get3A_1380, %get3A_1381] {strides = array<i32>} : memref<256x128xf32, #tpu.memory_space<vmem>>, vector<1x16xf32>,
          %get3A_1383 = vector.shape_cast %get3A_1382 : vector<1x16xf32> to vector<16xf32>
          %mul3A_1384 = arith.mulf %get3A_1383, %gather3A_1332 : vector<16xf32>
          %swap3A_1385 = arith.index_cast %add3A_1339 : i32 to index
          %swap3A_1386 = arith.constant 64 : index
          %swap3A_1387 = tpu.vector_load %arg11[%swap3A_1385, %swap3A_1386] {strides = array<i32>} : memref<256x128xf32, #tpu.memory_space<vmem>>, vector<1x16xf32>,
          %swap3A_1388 = vector.shape_cast %swap3A_1387 : vector<1x16xf32> to vector<16xf32>
          %swap3A_1389 = vector.shape_cast %mul3A_1384 : vector<16xf32> to vector<1x16xf32>
          tpu.vector_store %arg11[%swap3A_1385, %swap3A_1386], %swap3A_1389 {strides = array<i32>} : memref<256x128xf32, #tpu.memory_space<vmem>>, vector<1x16xf32>,
          %get3A_1390 = arith.index_cast %add3A_1339 : i32 to index
          %get3A_1391 = arith.constant 80 : index
          %get3A_1392 = tpu.vector_load %arg11[%get3A_1390, %get3A_1391] {strides = array<i32>} : memref<256x128xf32, #tpu.memory_space<vmem>>, vector<1x16xf32>,
          %get3A_1393 = vector.shape_cast %get3A_1392 : vector<1x16xf32> to vector<16xf32>
          %mul3A_1394 = arith.mulf %get3A_1393, %gather3A_1332 : vector<16xf32>
          %swap3A_1395 = arith.index_cast %add3A_1339 : i32 to index
          %swap3A_1396 = arith.constant 80 : index
          %swap3A_1397 = tpu.vector_load %arg11[%swap3A_1395, %swap3A_1396] {strides = array<i32>} : memref<256x128xf32, #tpu.memory_space<vmem>>, vector<1x16xf32>,
          %swap3A_1398 = vector.shape_cast %swap3A_1397 : vector<1x16xf32> to vector<16xf32>
          %swap3A_1399 = vector.shape_cast %mul3A_1394 : vector<16xf32> to vector<1x16xf32>
          tpu.vector_store %arg11[%swap3A_1395, %swap3A_1396], %swap3A_1399 {strides = array<i32>} : memref<256x128xf32, #tpu.memory_space<vmem>>, vector<1x16xf32>,
          %get3A_1400 = arith.index_cast %add3A_1339 : i32 to index
          %get3A_1401 = arith.constant 96 : index
          %get3A_1402 = tpu.vector_load %arg11[%get3A_1400, %get3A_1401] {strides = array<i32>} : memref<256x128xf32, #tpu.memory_space<vmem>>, vector<1x16xf32>,
          %get3A_1403 = vector.shape_cast %get3A_1402 : vector<1x16xf32> to vector<16xf32>
          %mul3A_1404 = arith.mulf %get3A_1403, %gather3A_1332 : vector<16xf32>
          %swap3A_1405 = arith.index_cast %add3A_1339 : i32 to index
          %swap3A_1406 = arith.constant 96 : index
          %swap3A_1407 = tpu.vector_load %arg11[%swap3A_1405, %swap3A_1406] {strides = array<i32>} : memref<256x128xf32, #tpu.memory_space<vmem>>, vector<1x16xf32>,
          %swap3A_1408 = vector.shape_cast %swap3A_1407 : vector<1x16xf32> to vector<16xf32>
          %swap3A_1409 = vector.shape_cast %mul3A_1404 : vector<16xf32> to vector<1x16xf32>
          tpu.vector_store %arg11[%swap3A_1405, %swap3A_1406], %swap3A_1409 {strides = array<i32>} : memref<256x128xf32, #tpu.memory_space<vmem>>, vector<1x16xf32>,
          %get3A_1410 = arith.index_cast %add3A_1339 : i32 to index
          %get3A_1411 = arith.constant 112 : index
          %get3A_1412 = tpu.vector_load %arg11[%get3A_1410, %get3A_1411] {strides = array<i32>} : memref<256x128xf32, #tpu.memory_space<vmem>>, vector<1x16xf32>,
          %get3A_1413 = vector.shape_cast %get3A_1412 : vector<1x16xf32> to vector<16xf32>
          %mul3A_1414 = arith.mulf %get3A_1413, %gather3A_1332 : vector<16xf32>
          %swap3A_1415 = arith.index_cast %add3A_1339 : i32 to index
          %swap3A_1416 = arith.constant 112 : index
          %swap3A_1417 = tpu.vector_load %arg11[%swap3A_1415, %swap3A_1416] {strides = array<i32>} : memref<256x128xf32, #tpu.memory_space<vmem>>, vector<1x16xf32>,
          %swap3A_1418 = vector.shape_cast %swap3A_1417 : vector<1x16xf32> to vector<16xf32>
          %swap3A_1419 = vector.shape_cast %mul3A_1414 : vector<16xf32> to vector<1x16xf32>
          tpu.vector_store %arg11[%swap3A_1415, %swap3A_1416], %swap3A_1419 {strides = array<i32>} : memref<256x128xf32, #tpu.memory_space<vmem>>, vector<1x16xf32>,
          %broadcast_in_dim3A_1420 = arith.constant 12 : i32
          %broadcast_in_dim3A_1421 = vector.broadcast %broadcast_in_dim3A_1420 : i32 to vector<16x1xi32>
          %gather3A_1422 = vector.shape_cast %broadcast_in_dim3A_1421 : vector<16x1xi32> to vector<16xi32>
          %gather3A_1423 = tpu.dynamic_gather %get3A_330[%gather3A_1422] in [0] : vector<16xf32>, vector<16xi32> -> vector<16xf32>
          %mul3A_1424 = arith.constant 128 : i32
          %mul3A_1425 = arith.muli %rem3A_160, %mul3A_1424 : i32
          %mul3A_1426 = arith.constant 16 : i32
          %mul3A_1427 = arith.muli %scan3A_323, %mul3A_1426 : i32
          %add3A_1428 = arith.addi %mul3A_1425, %mul3A_1427 : i32
          %add3A_1429 = arith.constant 12 : i32
          %add3A_1430 = arith.addi %add3A_1428, %add3A_1429 : i32
          %get3A_1431 = arith.index_cast %add3A_1430 : i32 to index
          %get3A_1432 = arith.constant 0 : index
          %get3A_1433 = tpu.vector_load %arg11[%get3A_1431, %get3A_1432] {strides = array<i32>} : memref<256x128xf32, #tpu.memory_space<vmem>>, vector<1x16xf32>,
          %get3A_1434 = vector.shape_cast %get3A_1433 : vector<1x16xf32> to vector<16xf32>
          %mul3A_1435 = arith.mulf %get3A_1434, %gather3A_1423 : vector<16xf32>
          %swap3A_1436 = arith.index_cast %add3A_1430 : i32 to index
          %swap3A_1437 = arith.constant 0 : index
          %swap3A_1438 = tpu.vector_load %arg11[%swap3A_1436, %swap3A_1437] {strides = array<i32>} : memref<256x128xf32, #tpu.memory_space<vmem>>, vector<1x16xf32>,
          %swap3A_1439 = vector.shape_cast %swap3A_1438 : vector<1x16xf32> to vector<16xf32>
          %swap3A_1440 = vector.shape_cast %mul3A_1435 : vector<16xf32> to vector<1x16xf32>
          tpu.vector_store %arg11[%swap3A_1436, %swap3A_1437], %swap3A_1440 {strides = array<i32>} : memref<256x128xf32, #tpu.memory_space<vmem>>, vector<1x16xf32>,
          %get3A_1441 = arith.index_cast %add3A_1430 : i32 to index
          %get3A_1442 = arith.constant 16 : index
          %get3A_1443 = tpu.vector_load %arg11[%get3A_1441, %get3A_1442] {strides = array<i32>} : memref<256x128xf32, #tpu.memory_space<vmem>>, vector<1x16xf32>,
          %get3A_1444 = vector.shape_cast %get3A_1443 : vector<1x16xf32> to vector<16xf32>
          %mul3A_1445 = arith.mulf %get3A_1444, %gather3A_1423 : vector<16xf32>
          %swap3A_1446 = arith.index_cast %add3A_1430 : i32 to index
          %swap3A_1447 = arith.constant 16 : index
          %swap3A_1448 = tpu.vector_load %arg11[%swap3A_1446, %swap3A_1447] {strides = array<i32>} : memref<256x128xf32, #tpu.memory_space<vmem>>, vector<1x16xf32>,
          %swap3A_1449 = vector.shape_cast %swap3A_1448 : vector<1x16xf32> to vector<16xf32>
          %swap3A_1450 = vector.shape_cast %mul3A_1445 : vector<16xf32> to vector<1x16xf32>
          tpu.vector_store %arg11[%swap3A_1446, %swap3A_1447], %swap3A_1450 {strides = array<i32>} : memref<256x128xf32, #tpu.memory_space<vmem>>, vector<1x16xf32>,
          %get3A_1451 = arith.index_cast %add3A_1430 : i32 to index
          %get3A_1452 = arith.constant 32 : index
          %get3A_1453 = tpu.vector_load %arg11[%get3A_1451, %get3A_1452] {strides = array<i32>} : memref<256x128xf32, #tpu.memory_space<vmem>>, vector<1x16xf32>,
          %get3A_1454 = vector.shape_cast %get3A_1453 : vector<1x16xf32> to vector<16xf32>
          %mul3A_1455 = arith.mulf %get3A_1454, %gather3A_1423 : vector<16xf32>
          %swap3A_1456 = arith.index_cast %add3A_1430 : i32 to index
          %swap3A_1457 = arith.constant 32 : index
          %swap3A_1458 = tpu.vector_load %arg11[%swap3A_1456, %swap3A_1457] {strides = array<i32>} : memref<256x128xf32, #tpu.memory_space<vmem>>, vector<1x16xf32>,
          %swap3A_1459 = vector.shape_cast %swap3A_1458 : vector<1x16xf32> to vector<16xf32>
          %swap3A_1460 = vector.shape_cast %mul3A_1455 : vector<16xf32> to vector<1x16xf32>
          tpu.vector_store %arg11[%swap3A_1456, %swap3A_1457], %swap3A_1460 {strides = array<i32>} : memref<256x128xf32, #tpu.memory_space<vmem>>, vector<1x16xf32>,
          %get3A_1461 = arith.index_cast %add3A_1430 : i32 to index
          %get3A_1462 = arith.constant 48 : index
          %get3A_1463 = tpu.vector_load %arg11[%get3A_1461, %get3A_1462] {strides = array<i32>} : memref<256x128xf32, #tpu.memory_space<vmem>>, vector<1x16xf32>,
          %get3A_1464 = vector.shape_cast %get3A_1463 : vector<1x16xf32> to vector<16xf32>
          %mul3A_1465 = arith.mulf %get3A_1464, %gather3A_1423 : vector<16xf32>
          %swap3A_1466 = arith.index_cast %add3A_1430 : i32 to index
          %swap3A_1467 = arith.constant 48 : index
          %swap3A_1468 = tpu.vector_load %arg11[%swap3A_1466, %swap3A_1467] {strides = array<i32>} : memref<256x128xf32, #tpu.memory_space<vmem>>, vector<1x16xf32>,
          %swap3A_1469 = vector.shape_cast %swap3A_1468 : vector<1x16xf32> to vector<16xf32>
          %swap3A_1470 = vector.shape_cast %mul3A_1465 : vector<16xf32> to vector<1x16xf32>
          tpu.vector_store %arg11[%swap3A_1466, %swap3A_1467], %swap3A_1470 {strides = array<i32>} : memref<256x128xf32, #tpu.memory_space<vmem>>, vector<1x16xf32>,
          %get3A_1471 = arith.index_cast %add3A_1430 : i32 to index
          %get3A_1472 = arith.constant 64 : index
          %get3A_1473 = tpu.vector_load %arg11[%get3A_1471, %get3A_1472] {strides = array<i32>} : memref<256x128xf32, #tpu.memory_space<vmem>>, vector<1x16xf32>,
          %get3A_1474 = vector.shape_cast %get3A_1473 : vector<1x16xf32> to vector<16xf32>
          %mul3A_1475 = arith.mulf %get3A_1474, %gather3A_1423 : vector<16xf32>
          %swap3A_1476 = arith.index_cast %add3A_1430 : i32 to index
          %swap3A_1477 = arith.constant 64 : index
          %swap3A_1478 = tpu.vector_load %arg11[%swap3A_1476, %swap3A_1477] {strides = array<i32>} : memref<256x128xf32, #tpu.memory_space<vmem>>, vector<1x16xf32>,
          %swap3A_1479 = vector.shape_cast %swap3A_1478 : vector<1x16xf32> to vector<16xf32>
          %swap3A_1480 = vector.shape_cast %mul3A_1475 : vector<16xf32> to vector<1x16xf32>
          tpu.vector_store %arg11[%swap3A_1476, %swap3A_1477], %swap3A_1480 {strides = array<i32>} : memref<256x128xf32, #tpu.memory_space<vmem>>, vector<1x16xf32>,
          %get3A_1481 = arith.index_cast %add3A_1430 : i32 to index
          %get3A_1482 = arith.constant 80 : index
          %get3A_1483 = tpu.vector_load %arg11[%get3A_1481, %get3A_1482] {strides = array<i32>} : memref<256x128xf32, #tpu.memory_space<vmem>>, vector<1x16xf32>,
          %get3A_1484 = vector.shape_cast %get3A_1483 : vector<1x16xf32> to vector<16xf32>
          %mul3A_1485 = arith.mulf %get3A_1484, %gather3A_1423 : vector<16xf32>
          %swap3A_1486 = arith.index_cast %add3A_1430 : i32 to index
          %swap3A_1487 = arith.constant 80 : index
          %swap3A_1488 = tpu.vector_load %arg11[%swap3A_1486, %swap3A_1487] {strides = array<i32>} : memref<256x128xf32, #tpu.memory_space<vmem>>, vector<1x16xf32>,
          %swap3A_1489 = vector.shape_cast %swap3A_1488 : vector<1x16xf32> to vector<16xf32>
          %swap3A_1490 = vector.shape_cast %mul3A_1485 : vector<16xf32> to vector<1x16xf32>
          tpu.vector_store %arg11[%swap3A_1486, %swap3A_1487], %swap3A_1490 {strides = array<i32>} : memref<256x128xf32, #tpu.memory_space<vmem>>, vector<1x16xf32>,
          %get3A_1491 = arith.index_cast %add3A_1430 : i32 to index
          %get3A_1492 = arith.constant 96 : index
          %get3A_1493 = tpu.vector_load %arg11[%get3A_1491, %get3A_1492] {strides = array<i32>} : memref<256x128xf32, #tpu.memory_space<vmem>>, vector<1x16xf32>,
          %get3A_1494 = vector.shape_cast %get3A_1493 : vector<1x16xf32> to vector<16xf32>
          %mul3A_1495 = arith.mulf %get3A_1494, %gather3A_1423 : vector<16xf32>
          %swap3A_1496 = arith.index_cast %add3A_1430 : i32 to index
          %swap3A_1497 = arith.constant 96 : index
          %swap3A_1498 = tpu.vector_load %arg11[%swap3A_1496, %swap3A_1497] {strides = array<i32>} : memref<256x128xf32, #tpu.memory_space<vmem>>, vector<1x16xf32>,
          %swap3A_1499 = vector.shape_cast %swap3A_1498 : vector<1x16xf32> to vector<16xf32>
          %swap3A_1500 = vector.shape_cast %mul3A_1495 : vector<16xf32> to vector<1x16xf32>
          tpu.vector_store %arg11[%swap3A_1496, %swap3A_1497], %swap3A_1500 {strides = array<i32>} : memref<256x128xf32, #tpu.memory_space<vmem>>, vector<1x16xf32>,
          %get3A_1501 = arith.index_cast %add3A_1430 : i32 to index
          %get3A_1502 = arith.constant 112 : index
          %get3A_1503 = tpu.vector_load %arg11[%get3A_1501, %get3A_1502] {strides = array<i32>} : memref<256x128xf32, #tpu.memory_space<vmem>>, vector<1x16xf32>,
          %get3A_1504 = vector.shape_cast %get3A_1503 : vector<1x16xf32> to vector<16xf32>
          %mul3A_1505 = arith.mulf %get3A_1504, %gather3A_1423 : vector<16xf32>
          %swap3A_1506 = arith.index_cast %add3A_1430 : i32 to index
          %swap3A_1507 = arith.constant 112 : index
          %swap3A_1508 = tpu.vector_load %arg11[%swap3A_1506, %swap3A_1507] {strides = array<i32>} : memref<256x128xf32, #tpu.memory_space<vmem>>, vector<1x16xf32>,
          %swap3A_1509 = vector.shape_cast %swap3A_1508 : vector<1x16xf32> to vector<16xf32>
          %swap3A_1510 = vector.shape_cast %mul3A_1505 : vector<16xf32> to vector<1x16xf32>
          tpu.vector_store %arg11[%swap3A_1506, %swap3A_1507], %swap3A_1510 {strides = array<i32>} : memref<256x128xf32, #tpu.memory_space<vmem>>, vector<1x16xf32>,
          %broadcast_in_dim3A_1511 = arith.constant 13 : i32
          %broadcast_in_dim3A_1512 = vector.broadcast %broadcast_in_dim3A_1511 : i32 to vector<16x1xi32>
          %gather3A_1513 = vector.shape_cast %broadcast_in_dim3A_1512 : vector<16x1xi32> to vector<16xi32>
          %gather3A_1514 = tpu.dynamic_gather %get3A_330[%gather3A_1513] in [0] : vector<16xf32>, vector<16xi32> -> vector<16xf32>
          %mul3A_1515 = arith.constant 128 : i32
          %mul3A_1516 = arith.muli %rem3A_160, %mul3A_1515 : i32
          %mul3A_1517 = arith.constant 16 : i32
          %mul3A_1518 = arith.muli %scan3A_323, %mul3A_1517 : i32
          %add3A_1519 = arith.addi %mul3A_1516, %mul3A_1518 : i32
          %add3A_1520 = arith.constant 13 : i32
          %add3A_1521 = arith.addi %add3A_1519, %add3A_1520 : i32
          %get3A_1522 = arith.index_cast %add3A_1521 : i32 to index
          %get3A_1523 = arith.constant 0 : index
          %get3A_1524 = tpu.vector_load %arg11[%get3A_1522, %get3A_1523] {strides = array<i32>} : memref<256x128xf32, #tpu.memory_space<vmem>>, vector<1x16xf32>,
          %get3A_1525 = vector.shape_cast %get3A_1524 : vector<1x16xf32> to vector<16xf32>
          %mul3A_1526 = arith.mulf %get3A_1525, %gather3A_1514 : vector<16xf32>
          %swap3A_1527 = arith.index_cast %add3A_1521 : i32 to index
          %swap3A_1528 = arith.constant 0 : index
          %swap3A_1529 = tpu.vector_load %arg11[%swap3A_1527, %swap3A_1528] {strides = array<i32>} : memref<256x128xf32, #tpu.memory_space<vmem>>, vector<1x16xf32>,
          %swap3A_1530 = vector.shape_cast %swap3A_1529 : vector<1x16xf32> to vector<16xf32>
          %swap3A_1531 = vector.shape_cast %mul3A_1526 : vector<16xf32> to vector<1x16xf32>
          tpu.vector_store %arg11[%swap3A_1527, %swap3A_1528], %swap3A_1531 {strides = array<i32>} : memref<256x128xf32, #tpu.memory_space<vmem>>, vector<1x16xf32>,
          %get3A_1532 = arith.index_cast %add3A_1521 : i32 to index
          %get3A_1533 = arith.constant 16 : index
          %get3A_1534 = tpu.vector_load %arg11[%get3A_1532, %get3A_1533] {strides = array<i32>} : memref<256x128xf32, #tpu.memory_space<vmem>>, vector<1x16xf32>,
          %get3A_1535 = vector.shape_cast %get3A_1534 : vector<1x16xf32> to vector<16xf32>
          %mul3A_1536 = arith.mulf %get3A_1535, %gather3A_1514 : vector<16xf32>
          %swap3A_1537 = arith.index_cast %add3A_1521 : i32 to index
          %swap3A_1538 = arith.constant 16 : index
          %swap3A_1539 = tpu.vector_load %arg11[%swap3A_1537, %swap3A_1538] {strides = array<i32>} : memref<256x128xf32, #tpu.memory_space<vmem>>, vector<1x16xf32>,
          %swap3A_1540 = vector.shape_cast %swap3A_1539 : vector<1x16xf32> to vector<16xf32>
          %swap3A_1541 = vector.shape_cast %mul3A_1536 : vector<16xf32> to vector<1x16xf32>
          tpu.vector_store %arg11[%swap3A_1537, %swap3A_1538], %swap3A_1541 {strides = array<i32>} : memref<256x128xf32, #tpu.memory_space<vmem>>, vector<1x16xf32>,
          %get3A_1542 = arith.index_cast %add3A_1521 : i32 to index
          %get3A_1543 = arith.constant 32 : index
          %get3A_1544 = tpu.vector_load %arg11[%get3A_1542, %get3A_1543] {strides = array<i32>} : memref<256x128xf32, #tpu.memory_space<vmem>>, vector<1x16xf32>,
          %get3A_1545 = vector.shape_cast %get3A_1544 : vector<1x16xf32> to vector<16xf32>
          %mul3A_1546 = arith.mulf %get3A_1545, %gather3A_1514 : vector<16xf32>
          %swap3A_1547 = arith.index_cast %add3A_1521 : i32 to index
          %swap3A_1548 = arith.constant 32 : index
          %swap3A_1549 = tpu.vector_load %arg11[%swap3A_1547, %swap3A_1548] {strides = array<i32>} : memref<256x128xf32, #tpu.memory_space<vmem>>, vector<1x16xf32>,
          %swap3A_1550 = vector.shape_cast %swap3A_1549 : vector<1x16xf32> to vector<16xf32>
          %swap3A_1551 = vector.shape_cast %mul3A_1546 : vector<16xf32> to vector<1x16xf32>
          tpu.vector_store %arg11[%swap3A_1547, %swap3A_1548], %swap3A_1551 {strides = array<i32>} : memref<256x128xf32, #tpu.memory_space<vmem>>, vector<1x16xf32>,
          %get3A_1552 = arith.index_cast %add3A_1521 : i32 to index
          %get3A_1553 = arith.constant 48 : index
          %get3A_1554 = tpu.vector_load %arg11[%get3A_1552, %get3A_1553] {strides = array<i32>} : memref<256x128xf32, #tpu.memory_space<vmem>>, vector<1x16xf32>,
          %get3A_1555 = vector.shape_cast %get3A_1554 : vector<1x16xf32> to vector<16xf32>
          %mul3A_1556 = arith.mulf %get3A_1555, %gather3A_1514 : vector<16xf32>
          %swap3A_1557 = arith.index_cast %add3A_1521 : i32 to index
          %swap3A_1558 = arith.constant 48 : index
          %swap3A_1559 = tpu.vector_load %arg11[%swap3A_1557, %swap3A_1558] {strides = array<i32>} : memref<256x128xf32, #tpu.memory_space<vmem>>, vector<1x16xf32>,
          %swap3A_1560 = vector.shape_cast %swap3A_1559 : vector<1x16xf32> to vector<16xf32>
          %swap3A_1561 = vector.shape_cast %mul3A_1556 : vector<16xf32> to vector<1x16xf32>
          tpu.vector_store %arg11[%swap3A_1557, %swap3A_1558], %swap3A_1561 {strides = array<i32>} : memref<256x128xf32, #tpu.memory_space<vmem>>, vector<1x16xf32>,
          %get3A_1562 = arith.index_cast %add3A_1521 : i32 to index
          %get3A_1563 = arith.constant 64 : index
          %get3A_1564 = tpu.vector_load %arg11[%get3A_1562, %get3A_1563] {strides = array<i32>} : memref<256x128xf32, #tpu.memory_space<vmem>>, vector<1x16xf32>,
          %get3A_1565 = vector.shape_cast %get3A_1564 : vector<1x16xf32> to vector<16xf32>
          %mul3A_1566 = arith.mulf %get3A_1565, %gather3A_1514 : vector<16xf32>
          %swap3A_1567 = arith.index_cast %add3A_1521 : i32 to index
          %swap3A_1568 = arith.constant 64 : index
          %swap3A_1569 = tpu.vector_load %arg11[%swap3A_1567, %swap3A_1568] {strides = array<i32>} : memref<256x128xf32, #tpu.memory_space<vmem>>, vector<1x16xf32>,
          %swap3A_1570 = vector.shape_cast %swap3A_1569 : vector<1x16xf32> to vector<16xf32>
          %swap3A_1571 = vector.shape_cast %mul3A_1566 : vector<16xf32> to vector<1x16xf32>
          tpu.vector_store %arg11[%swap3A_1567, %swap3A_1568], %swap3A_1571 {strides = array<i32>} : memref<256x128xf32, #tpu.memory_space<vmem>>, vector<1x16xf32>,
          %get3A_1572 = arith.index_cast %add3A_1521 : i32 to index
          %get3A_1573 = arith.constant 80 : index
          %get3A_1574 = tpu.vector_load %arg11[%get3A_1572, %get3A_1573] {strides = array<i32>} : memref<256x128xf32, #tpu.memory_space<vmem>>, vector<1x16xf32>,
          %get3A_1575 = vector.shape_cast %get3A_1574 : vector<1x16xf32> to vector<16xf32>
          %mul3A_1576 = arith.mulf %get3A_1575, %gather3A_1514 : vector<16xf32>
          %swap3A_1577 = arith.index_cast %add3A_1521 : i32 to index
          %swap3A_1578 = arith.constant 80 : index
          %swap3A_1579 = tpu.vector_load %arg11[%swap3A_1577, %swap3A_1578] {strides = array<i32>} : memref<256x128xf32, #tpu.memory_space<vmem>>, vector<1x16xf32>,
          %swap3A_1580 = vector.shape_cast %swap3A_1579 : vector<1x16xf32> to vector<16xf32>
          %swap3A_1581 = vector.shape_cast %mul3A_1576 : vector<16xf32> to vector<1x16xf32>
          tpu.vector_store %arg11[%swap3A_1577, %swap3A_1578], %swap3A_1581 {strides = array<i32>} : memref<256x128xf32, #tpu.memory_space<vmem>>, vector<1x16xf32>,
          %get3A_1582 = arith.index_cast %add3A_1521 : i32 to index
          %get3A_1583 = arith.constant 96 : index
          %get3A_1584 = tpu.vector_load %arg11[%get3A_1582, %get3A_1583] {strides = array<i32>} : memref<256x128xf32, #tpu.memory_space<vmem>>, vector<1x16xf32>,
          %get3A_1585 = vector.shape_cast %get3A_1584 : vector<1x16xf32> to vector<16xf32>
          %mul3A_1586 = arith.mulf %get3A_1585, %gather3A_1514 : vector<16xf32>
          %swap3A_1587 = arith.index_cast %add3A_1521 : i32 to index
          %swap3A_1588 = arith.constant 96 : index
          %swap3A_1589 = tpu.vector_load %arg11[%swap3A_1587, %swap3A_1588] {strides = array<i32>} : memref<256x128xf32, #tpu.memory_space<vmem>>, vector<1x16xf32>,
          %swap3A_1590 = vector.shape_cast %swap3A_1589 : vector<1x16xf32> to vector<16xf32>
          %swap3A_1591 = vector.shape_cast %mul3A_1586 : vector<16xf32> to vector<1x16xf32>
          tpu.vector_store %arg11[%swap3A_1587, %swap3A_1588], %swap3A_1591 {strides = array<i32>} : memref<256x128xf32, #tpu.memory_space<vmem>>, vector<1x16xf32>,
          %get3A_1592 = arith.index_cast %add3A_1521 : i32 to index
          %get3A_1593 = arith.constant 112 : index
          %get3A_1594 = tpu.vector_load %arg11[%get3A_1592, %get3A_1593] {strides = array<i32>} : memref<256x128xf32, #tpu.memory_space<vmem>>, vector<1x16xf32>,
          %get3A_1595 = vector.shape_cast %get3A_1594 : vector<1x16xf32> to vector<16xf32>
          %mul3A_1596 = arith.mulf %get3A_1595, %gather3A_1514 : vector<16xf32>
          %swap3A_1597 = arith.index_cast %add3A_1521 : i32 to index
          %swap3A_1598 = arith.constant 112 : index
          %swap3A_1599 = tpu.vector_load %arg11[%swap3A_1597, %swap3A_1598] {strides = array<i32>} : memref<256x128xf32, #tpu.memory_space<vmem>>, vector<1x16xf32>,
          %swap3A_1600 = vector.shape_cast %swap3A_1599 : vector<1x16xf32> to vector<16xf32>
          %swap3A_1601 = vector.shape_cast %mul3A_1596 : vector<16xf32> to vector<1x16xf32>
          tpu.vector_store %arg11[%swap3A_1597, %swap3A_1598], %swap3A_1601 {strides = array<i32>} : memref<256x128xf32, #tpu.memory_space<vmem>>, vector<1x16xf32>,
          %broadcast_in_dim3A_1602 = arith.constant 14 : i32
          %broadcast_in_dim3A_1603 = vector.broadcast %broadcast_in_dim3A_1602 : i32 to vector<16x1xi32>
          %gather3A_1604 = vector.shape_cast %broadcast_in_dim3A_1603 : vector<16x1xi32> to vector<16xi32>
          %gather3A_1605 = tpu.dynamic_gather %get3A_330[%gather3A_1604] in [0] : vector<16xf32>, vector<16xi32> -> vector<16xf32>
          %mul3A_1606 = arith.constant 128 : i32
          %mul3A_1607 = arith.muli %rem3A_160, %mul3A_1606 : i32
          %mul3A_1608 = arith.constant 16 : i32
          %mul3A_1609 = arith.muli %scan3A_323, %mul3A_1608 : i32
          %add3A_1610 = arith.addi %mul3A_1607, %mul3A_1609 : i32
          %add3A_1611 = arith.constant 14 : i32
          %add3A_1612 = arith.addi %add3A_1610, %add3A_1611 : i32
          %get3A_1613 = arith.index_cast %add3A_1612 : i32 to index
          %get3A_1614 = arith.constant 0 : index
          %get3A_1615 = tpu.vector_load %arg11[%get3A_1613, %get3A_1614] {strides = array<i32>} : memref<256x128xf32, #tpu.memory_space<vmem>>, vector<1x16xf32>,
          %get3A_1616 = vector.shape_cast %get3A_1615 : vector<1x16xf32> to vector<16xf32>
          %mul3A_1617 = arith.mulf %get3A_1616, %gather3A_1605 : vector<16xf32>
          %swap3A_1618 = arith.index_cast %add3A_1612 : i32 to index
          %swap3A_1619 = arith.constant 0 : index
          %swap3A_1620 = tpu.vector_load %arg11[%swap3A_1618, %swap3A_1619] {strides = array<i32>} : memref<256x128xf32, #tpu.memory_space<vmem>>, vector<1x16xf32>,
          %swap3A_1621 = vector.shape_cast %swap3A_1620 : vector<1x16xf32> to vector<16xf32>
          %swap3A_1622 = vector.shape_cast %mul3A_1617 : vector<16xf32> to vector<1x16xf32>
          tpu.vector_store %arg11[%swap3A_1618, %swap3A_1619], %swap3A_1622 {strides = array<i32>} : memref<256x128xf32, #tpu.memory_space<vmem>>, vector<1x16xf32>,
          %get3A_1623 = arith.index_cast %add3A_1612 : i32 to index
          %get3A_1624 = arith.constant 16 : index
          %get3A_1625 = tpu.vector_load %arg11[%get3A_1623, %get3A_1624] {strides = array<i32>} : memref<256x128xf32, #tpu.memory_space<vmem>>, vector<1x16xf32>,
          %get3A_1626 = vector.shape_cast %get3A_1625 : vector<1x16xf32> to vector<16xf32>
          %mul3A_1627 = arith.mulf %get3A_1626, %gather3A_1605 : vector<16xf32>
          %swap3A_1628 = arith.index_cast %add3A_1612 : i32 to index
          %swap3A_1629 = arith.constant 16 : index
          %swap3A_1630 = tpu.vector_load %arg11[%swap3A_1628, %swap3A_1629] {strides = array<i32>} : memref<256x128xf32, #tpu.memory_space<vmem>>, vector<1x16xf32>,
          %swap3A_1631 = vector.shape_cast %swap3A_1630 : vector<1x16xf32> to vector<16xf32>
          %swap3A_1632 = vector.shape_cast %mul3A_1627 : vector<16xf32> to vector<1x16xf32>
          tpu.vector_store %arg11[%swap3A_1628, %swap3A_1629], %swap3A_1632 {strides = array<i32>} : memref<256x128xf32, #tpu.memory_space<vmem>>, vector<1x16xf32>,
          %get3A_1633 = arith.index_cast %add3A_1612 : i32 to index
          %get3A_1634 = arith.constant 32 : index
          %get3A_1635 = tpu.vector_load %arg11[%get3A_1633, %get3A_1634] {strides = array<i32>} : memref<256x128xf32, #tpu.memory_space<vmem>>, vector<1x16xf32>,
          %get3A_1636 = vector.shape_cast %get3A_1635 : vector<1x16xf32> to vector<16xf32>
          %mul3A_1637 = arith.mulf %get3A_1636, %gather3A_1605 : vector<16xf32>
          %swap3A_1638 = arith.index_cast %add3A_1612 : i32 to index
          %swap3A_1639 = arith.constant 32 : index
          %swap3A_1640 = tpu.vector_load %arg11[%swap3A_1638, %swap3A_1639] {strides = array<i32>} : memref<256x128xf32, #tpu.memory_space<vmem>>, vector<1x16xf32>,
          %swap3A_1641 = vector.shape_cast %swap3A_1640 : vector<1x16xf32> to vector<16xf32>
          %swap3A_1642 = vector.shape_cast %mul3A_1637 : vector<16xf32> to vector<1x16xf32>
          tpu.vector_store %arg11[%swap3A_1638, %swap3A_1639], %swap3A_1642 {strides = array<i32>} : memref<256x128xf32, #tpu.memory_space<vmem>>, vector<1x16xf32>,
          %get3A_1643 = arith.index_cast %add3A_1612 : i32 to index
          %get3A_1644 = arith.constant 48 : index
          %get3A_1645 = tpu.vector_load %arg11[%get3A_1643, %get3A_1644] {strides = array<i32>} : memref<256x128xf32, #tpu.memory_space<vmem>>, vector<1x16xf32>,
          %get3A_1646 = vector.shape_cast %get3A_1645 : vector<1x16xf32> to vector<16xf32>
          %mul3A_1647 = arith.mulf %get3A_1646, %gather3A_1605 : vector<16xf32>
          %swap3A_1648 = arith.index_cast %add3A_1612 : i32 to index
          %swap3A_1649 = arith.constant 48 : index
          %swap3A_1650 = tpu.vector_load %arg11[%swap3A_1648, %swap3A_1649] {strides = array<i32>} : memref<256x128xf32, #tpu.memory_space<vmem>>, vector<1x16xf32>,
          %swap3A_1651 = vector.shape_cast %swap3A_1650 : vector<1x16xf32> to vector<16xf32>
          %swap3A_1652 = vector.shape_cast %mul3A_1647 : vector<16xf32> to vector<1x16xf32>
          tpu.vector_store %arg11[%swap3A_1648, %swap3A_1649], %swap3A_1652 {strides = array<i32>} : memref<256x128xf32, #tpu.memory_space<vmem>>, vector<1x16xf32>,
          %get3A_1653 = arith.index_cast %add3A_1612 : i32 to index
          %get3A_1654 = arith.constant 64 : index
          %get3A_1655 = tpu.vector_load %arg11[%get3A_1653, %get3A_1654] {strides = array<i32>} : memref<256x128xf32, #tpu.memory_space<vmem>>, vector<1x16xf32>,
          %get3A_1656 = vector.shape_cast %get3A_1655 : vector<1x16xf32> to vector<16xf32>
          %mul3A_1657 = arith.mulf %get3A_1656, %gather3A_1605 : vector<16xf32>
          %swap3A_1658 = arith.index_cast %add3A_1612 : i32 to index
          %swap3A_1659 = arith.constant 64 : index
          %swap3A_1660 = tpu.vector_load %arg11[%swap3A_1658, %swap3A_1659] {strides = array<i32>} : memref<256x128xf32, #tpu.memory_space<vmem>>, vector<1x16xf32>,
          %swap3A_1661 = vector.shape_cast %swap3A_1660 : vector<1x16xf32> to vector<16xf32>
          %swap3A_1662 = vector.shape_cast %mul3A_1657 : vector<16xf32> to vector<1x16xf32>
          tpu.vector_store %arg11[%swap3A_1658, %swap3A_1659], %swap3A_1662 {strides = array<i32>} : memref<256x128xf32, #tpu.memory_space<vmem>>, vector<1x16xf32>,
          %get3A_1663 = arith.index_cast %add3A_1612 : i32 to index
          %get3A_1664 = arith.constant 80 : index
          %get3A_1665 = tpu.vector_load %arg11[%get3A_1663, %get3A_1664] {strides = array<i32>} : memref<256x128xf32, #tpu.memory_space<vmem>>, vector<1x16xf32>,
          %get3A_1666 = vector.shape_cast %get3A_1665 : vector<1x16xf32> to vector<16xf32>
          %mul3A_1667 = arith.mulf %get3A_1666, %gather3A_1605 : vector<16xf32>
          %swap3A_1668 = arith.index_cast %add3A_1612 : i32 to index
          %swap3A_1669 = arith.constant 80 : index
          %swap3A_1670 = tpu.vector_load %arg11[%swap3A_1668, %swap3A_1669] {strides = array<i32>} : memref<256x128xf32, #tpu.memory_space<vmem>>, vector<1x16xf32>,
          %swap3A_1671 = vector.shape_cast %swap3A_1670 : vector<1x16xf32> to vector<16xf32>
          %swap3A_1672 = vector.shape_cast %mul3A_1667 : vector<16xf32> to vector<1x16xf32>
          tpu.vector_store %arg11[%swap3A_1668, %swap3A_1669], %swap3A_1672 {strides = array<i32>} : memref<256x128xf32, #tpu.memory_space<vmem>>, vector<1x16xf32>,
          %get3A_1673 = arith.index_cast %add3A_1612 : i32 to index
          %get3A_1674 = arith.constant 96 : index
          %get3A_1675 = tpu.vector_load %arg11[%get3A_1673, %get3A_1674] {strides = array<i32>} : memref<256x128xf32, #tpu.memory_space<vmem>>, vector<1x16xf32>,
          %get3A_1676 = vector.shape_cast %get3A_1675 : vector<1x16xf32> to vector<16xf32>
          %mul3A_1677 = arith.mulf %get3A_1676, %gather3A_1605 : vector<16xf32>
          %swap3A_1678 = arith.index_cast %add3A_1612 : i32 to index
          %swap3A_1679 = arith.constant 96 : index
          %swap3A_1680 = tpu.vector_load %arg11[%swap3A_1678, %swap3A_1679] {strides = array<i32>} : memref<256x128xf32, #tpu.memory_space<vmem>>, vector<1x16xf32>,
          %swap3A_1681 = vector.shape_cast %swap3A_1680 : vector<1x16xf32> to vector<16xf32>
          %swap3A_1682 = vector.shape_cast %mul3A_1677 : vector<16xf32> to vector<1x16xf32>
          tpu.vector_store %arg11[%swap3A_1678, %swap3A_1679], %swap3A_1682 {strides = array<i32>} : memref<256x128xf32, #tpu.memory_space<vmem>>, vector<1x16xf32>,
          %get3A_1683 = arith.index_cast %add3A_1612 : i32 to index
          %get3A_1684 = arith.constant 112 : index
          %get3A_1685 = tpu.vector_load %arg11[%get3A_1683, %get3A_1684] {strides = array<i32>} : memref<256x128xf32, #tpu.memory_space<vmem>>, vector<1x16xf32>,
          %get3A_1686 = vector.shape_cast %get3A_1685 : vector<1x16xf32> to vector<16xf32>
          %mul3A_1687 = arith.mulf %get3A_1686, %gather3A_1605 : vector<16xf32>
          %swap3A_1688 = arith.index_cast %add3A_1612 : i32 to index
          %swap3A_1689 = arith.constant 112 : index
          %swap3A_1690 = tpu.vector_load %arg11[%swap3A_1688, %swap3A_1689] {strides = array<i32>} : memref<256x128xf32, #tpu.memory_space<vmem>>, vector<1x16xf32>,
          %swap3A_1691 = vector.shape_cast %swap3A_1690 : vector<1x16xf32> to vector<16xf32>
          %swap3A_1692 = vector.shape_cast %mul3A_1687 : vector<16xf32> to vector<1x16xf32>
          tpu.vector_store %arg11[%swap3A_1688, %swap3A_1689], %swap3A_1692 {strides = array<i32>} : memref<256x128xf32, #tpu.memory_space<vmem>>, vector<1x16xf32>,
          %broadcast_in_dim3A_1693 = arith.constant 15 : i32
          %broadcast_in_dim3A_1694 = vector.broadcast %broadcast_in_dim3A_1693 : i32 to vector<16x1xi32>
          %gather3A_1695 = vector.shape_cast %broadcast_in_dim3A_1694 : vector<16x1xi32> to vector<16xi32>
          %gather3A_1696 = tpu.dynamic_gather %get3A_330[%gather3A_1695] in [0] : vector<16xf32>, vector<16xi32> -> vector<16xf32>
          %mul3A_1697 = arith.constant 128 : i32
          %mul3A_1698 = arith.muli %rem3A_160, %mul3A_1697 : i32
          %mul3A_1699 = arith.constant 16 : i32
          %mul3A_1700 = arith.muli %scan3A_323, %mul3A_1699 : i32
          %add3A_1701 = arith.addi %mul3A_1698, %mul3A_1700 : i32
          %add3A_1702 = arith.constant 15 : i32
          %add3A_1703 = arith.addi %add3A_1701, %add3A_1702 : i32
          %get3A_1704 = arith.index_cast %add3A_1703 : i32 to index
          %get3A_1705 = arith.constant 0 : index
          %get3A_1706 = tpu.vector_load %arg11[%get3A_1704, %get3A_1705] {strides = array<i32>} : memref<256x128xf32, #tpu.memory_space<vmem>>, vector<1x16xf32>,
          %get3A_1707 = vector.shape_cast %get3A_1706 : vector<1x16xf32> to vector<16xf32>
          %mul3A_1708 = arith.mulf %get3A_1707, %gather3A_1696 : vector<16xf32>
          %swap3A_1709 = arith.index_cast %add3A_1703 : i32 to index
          %swap3A_1710 = arith.constant 0 : index
          %swap3A_1711 = tpu.vector_load %arg11[%swap3A_1709, %swap3A_1710] {strides = array<i32>} : memref<256x128xf32, #tpu.memory_space<vmem>>, vector<1x16xf32>,
          %swap3A_1712 = vector.shape_cast %swap3A_1711 : vector<1x16xf32> to vector<16xf32>
          %swap3A_1713 = vector.shape_cast %mul3A_1708 : vector<16xf32> to vector<1x16xf32>
          tpu.vector_store %arg11[%swap3A_1709, %swap3A_1710], %swap3A_1713 {strides = array<i32>} : memref<256x128xf32, #tpu.memory_space<vmem>>, vector<1x16xf32>,
          %get3A_1714 = arith.index_cast %add3A_1703 : i32 to index
          %get3A_1715 = arith.constant 16 : index
          %get3A_1716 = tpu.vector_load %arg11[%get3A_1714, %get3A_1715] {strides = array<i32>} : memref<256x128xf32, #tpu.memory_space<vmem>>, vector<1x16xf32>,
          %get3A_1717 = vector.shape_cast %get3A_1716 : vector<1x16xf32> to vector<16xf32>
          %mul3A_1718 = arith.mulf %get3A_1717, %gather3A_1696 : vector<16xf32>
          %swap3A_1719 = arith.index_cast %add3A_1703 : i32 to index
          %swap3A_1720 = arith.constant 16 : index
          %swap3A_1721 = tpu.vector_load %arg11[%swap3A_1719, %swap3A_1720] {strides = array<i32>} : memref<256x128xf32, #tpu.memory_space<vmem>>, vector<1x16xf32>,
          %swap3A_1722 = vector.shape_cast %swap3A_1721 : vector<1x16xf32> to vector<16xf32>
          %swap3A_1723 = vector.shape_cast %mul3A_1718 : vector<16xf32> to vector<1x16xf32>
          tpu.vector_store %arg11[%swap3A_1719, %swap3A_1720], %swap3A_1723 {strides = array<i32>} : memref<256x128xf32, #tpu.memory_space<vmem>>, vector<1x16xf32>,
          %get3A_1724 = arith.index_cast %add3A_1703 : i32 to index
          %get3A_1725 = arith.constant 32 : index
          %get3A_1726 = tpu.vector_load %arg11[%get3A_1724, %get3A_1725] {strides = array<i32>} : memref<256x128xf32, #tpu.memory_space<vmem>>, vector<1x16xf32>,
          %get3A_1727 = vector.shape_cast %get3A_1726 : vector<1x16xf32> to vector<16xf32>
          %mul3A_1728 = arith.mulf %get3A_1727, %gather3A_1696 : vector<16xf32>
          %swap3A_1729 = arith.index_cast %add3A_1703 : i32 to index
          %swap3A_1730 = arith.constant 32 : index
          %swap3A_1731 = tpu.vector_load %arg11[%swap3A_1729, %swap3A_1730] {strides = array<i32>} : memref<256x128xf32, #tpu.memory_space<vmem>>, vector<1x16xf32>,
          %swap3A_1732 = vector.shape_cast %swap3A_1731 : vector<1x16xf32> to vector<16xf32>
          %swap3A_1733 = vector.shape_cast %mul3A_1728 : vector<16xf32> to vector<1x16xf32>
          tpu.vector_store %arg11[%swap3A_1729, %swap3A_1730], %swap3A_1733 {strides = array<i32>} : memref<256x128xf32, #tpu.memory_space<vmem>>, vector<1x16xf32>,
          %get3A_1734 = arith.index_cast %add3A_1703 : i32 to index
          %get3A_1735 = arith.constant 48 : index
          %get3A_1736 = tpu.vector_load %arg11[%get3A_1734, %get3A_1735] {strides = array<i32>} : memref<256x128xf32, #tpu.memory_space<vmem>>, vector<1x16xf32>,
          %get3A_1737 = vector.shape_cast %get3A_1736 : vector<1x16xf32> to vector<16xf32>
          %mul3A_1738 = arith.mulf %get3A_1737, %gather3A_1696 : vector<16xf32>
          %swap3A_1739 = arith.index_cast %add3A_1703 : i32 to index
          %swap3A_1740 = arith.constant 48 : index
          %swap3A_1741 = tpu.vector_load %arg11[%swap3A_1739, %swap3A_1740] {strides = array<i32>} : memref<256x128xf32, #tpu.memory_space<vmem>>, vector<1x16xf32>,
          %swap3A_1742 = vector.shape_cast %swap3A_1741 : vector<1x16xf32> to vector<16xf32>
          %swap3A_1743 = vector.shape_cast %mul3A_1738 : vector<16xf32> to vector<1x16xf32>
          tpu.vector_store %arg11[%swap3A_1739, %swap3A_1740], %swap3A_1743 {strides = array<i32>} : memref<256x128xf32, #tpu.memory_space<vmem>>, vector<1x16xf32>,
          %get3A_1744 = arith.index_cast %add3A_1703 : i32 to index
          %get3A_1745 = arith.constant 64 : index
          %get3A_1746 = tpu.vector_load %arg11[%get3A_1744, %get3A_1745] {strides = array<i32>} : memref<256x128xf32, #tpu.memory_space<vmem>>, vector<1x16xf32>,
          %get3A_1747 = vector.shape_cast %get3A_1746 : vector<1x16xf32> to vector<16xf32>
          %mul3A_1748 = arith.mulf %get3A_1747, %gather3A_1696 : vector<16xf32>
          %swap3A_1749 = arith.index_cast %add3A_1703 : i32 to index
          %swap3A_1750 = arith.constant 64 : index
          %swap3A_1751 = tpu.vector_load %arg11[%swap3A_1749, %swap3A_1750] {strides = array<i32>} : memref<256x128xf32, #tpu.memory_space<vmem>>, vector<1x16xf32>,
          %swap3A_1752 = vector.shape_cast %swap3A_1751 : vector<1x16xf32> to vector<16xf32>
          %swap3A_1753 = vector.shape_cast %mul3A_1748 : vector<16xf32> to vector<1x16xf32>
          tpu.vector_store %arg11[%swap3A_1749, %swap3A_1750], %swap3A_1753 {strides = array<i32>} : memref<256x128xf32, #tpu.memory_space<vmem>>, vector<1x16xf32>,
          %get3A_1754 = arith.index_cast %add3A_1703 : i32 to index
          %get3A_1755 = arith.constant 80 : index
          %get3A_1756 = tpu.vector_load %arg11[%get3A_1754, %get3A_1755] {strides = array<i32>} : memref<256x128xf32, #tpu.memory_space<vmem>>, vector<1x16xf32>,
          %get3A_1757 = vector.shape_cast %get3A_1756 : vector<1x16xf32> to vector<16xf32>
          %mul3A_1758 = arith.mulf %get3A_1757, %gather3A_1696 : vector<16xf32>
          %swap3A_1759 = arith.index_cast %add3A_1703 : i32 to index
          %swap3A_1760 = arith.constant 80 : index
          %swap3A_1761 = tpu.vector_load %arg11[%swap3A_1759, %swap3A_1760] {strides = array<i32>} : memref<256x128xf32, #tpu.memory_space<vmem>>, vector<1x16xf32>,
          %swap3A_1762 = vector.shape_cast %swap3A_1761 : vector<1x16xf32> to vector<16xf32>
          %swap3A_1763 = vector.shape_cast %mul3A_1758 : vector<16xf32> to vector<1x16xf32>
          tpu.vector_store %arg11[%swap3A_1759, %swap3A_1760], %swap3A_1763 {strides = array<i32>} : memref<256x128xf32, #tpu.memory_space<vmem>>, vector<1x16xf32>,
          %get3A_1764 = arith.index_cast %add3A_1703 : i32 to index
          %get3A_1765 = arith.constant 96 : index
          %get3A_1766 = tpu.vector_load %arg11[%get3A_1764, %get3A_1765] {strides = array<i32>} : memref<256x128xf32, #tpu.memory_space<vmem>>, vector<1x16xf32>,
          %get3A_1767 = vector.shape_cast %get3A_1766 : vector<1x16xf32> to vector<16xf32>
          %mul3A_1768 = arith.mulf %get3A_1767, %gather3A_1696 : vector<16xf32>
          %swap3A_1769 = arith.index_cast %add3A_1703 : i32 to index
          %swap3A_1770 = arith.constant 96 : index
          %swap3A_1771 = tpu.vector_load %arg11[%swap3A_1769, %swap3A_1770] {strides = array<i32>} : memref<256x128xf32, #tpu.memory_space<vmem>>, vector<1x16xf32>,
          %swap3A_1772 = vector.shape_cast %swap3A_1771 : vector<1x16xf32> to vector<16xf32>
          %swap3A_1773 = vector.shape_cast %mul3A_1768 : vector<16xf32> to vector<1x16xf32>
          tpu.vector_store %arg11[%swap3A_1769, %swap3A_1770], %swap3A_1773 {strides = array<i32>} : memref<256x128xf32, #tpu.memory_space<vmem>>, vector<1x16xf32>,
          %get3A_1774 = arith.index_cast %add3A_1703 : i32 to index
          %get3A_1775 = arith.constant 112 : index
          %get3A_1776 = tpu.vector_load %arg11[%get3A_1774, %get3A_1775] {strides = array<i32>} : memref<256x128xf32, #tpu.memory_space<vmem>>, vector<1x16xf32>,
          %get3A_1777 = vector.shape_cast %get3A_1776 : vector<1x16xf32> to vector<16xf32>
          %mul3A_1778 = arith.mulf %get3A_1777, %gather3A_1696 : vector<16xf32>
          %swap3A_1779 = arith.index_cast %add3A_1703 : i32 to index
          %swap3A_1780 = arith.constant 112 : index
          %swap3A_1781 = tpu.vector_load %arg11[%swap3A_1779, %swap3A_1780] {strides = array<i32>} : memref<256x128xf32, #tpu.memory_space<vmem>>, vector<1x16xf32>,
          %swap3A_1782 = vector.shape_cast %swap3A_1781 : vector<1x16xf32> to vector<16xf32>
          %swap3A_1783 = vector.shape_cast %mul3A_1778 : vector<16xf32> to vector<1x16xf32>
          tpu.vector_store %arg11[%swap3A_1779, %swap3A_1780], %swap3A_1783 {strides = array<i32>} : memref<256x128xf32, #tpu.memory_space<vmem>>, vector<1x16xf32>,
          %scan3A_1784 = arith.constant 0 : i32
          scf.yield %scan3A_1784 : i32
        }
        %scan3A_309 = arith.constant 8 : i32
        %mul3A_310 = arith.constant 128 : i32
        %mul3A_311 = arith.muli %rem3A_160, %mul3A_310 : i32
        %dma_start3A_312 = arith.constant 0 : i32
        %dma_start3A_313 = tpu.memref_slice %arg11[%mul3A_311, %dma_start3A_312] : memref<256x128xf32, #tpu.memory_space<vmem>> -> memref<128x128xf32, #tpu.memory_space<vmem>>
        %dma_start3A_314 = arith.constant 0 : i32
        %dma_start3A_315 = tpu.memref_slice %arg9[%rem3A_145, %scan3A_155, %dma_start3A_314] : memref<2x8x128xi32, #tpu.memory_space<vmem>> -> memref<1x1x128xi32, #tpu.memory_space<vmem>>
        %dma_start3A_316 = tpu.memref_squeeze %dma_start3A_315 : memref<1x1x128xi32, #tpu.memory_space<vmem>> -> memref<128xi32, #tpu.memory_space<vmem>>
        %dma_start3A_317 = arith.constant 0 : i32
        %dma_start3A_318 = arith.constant 0 : i32
        %dma_start3A_319 = tpu.memref_slice %arg12[%dma_start3A_317, %dma_start3A_318] : memref<10240x128xf32, #tpu.memory_space<vmem_shared>> -> memref<10240x128xf32, #tpu.memory_space<vmem_shared>>
        %dma_start3A_320 = tpu.memref_slice %arg14[%rem3A_160] : memref<2x!tpu.dma_semaphore, #tpu.memory_space<semaphore_mem>> -> memref<1x!tpu.dma_semaphore, #tpu.memory_space<semaphore_mem>>
        %dma_start3A_321 = tpu.memref_squeeze %dma_start3A_320 : memref<1x!tpu.dma_semaphore, #tpu.memory_space<semaphore_mem>> -> memref<!tpu.dma_semaphore, #tpu.memory_space<semaphore_mem>>
        tpu.enqueue_indirect_dma source(%dma_start3A_313 : memref<128x128xf32, #tpu.memory_space<vmem>>) target(%dma_start3A_319 : memref<10240x128xf32, #tpu.memory_space<vmem_shared>>) offsets(%dma_start3A_316 : memref<128xi32, #tpu.memory_space<vmem>>) semaphore(%dma_start3A_321 : memref<!tpu.dma_semaphore, #tpu.memory_space<semaphore_mem>>) {add = true}
        %scan3A_322 = arith.constant 0 : i32
        scf.yield %scan3A_322 : i32
      }
      %scan3A_153 = arith.constant 8 : i32
      %scan3A_154 = arith.constant 0 : i32
      scf.yield %scan3A_154 : i32
    }
    %scan3A_124 = arith.constant 10 : i32
    %dma_wait3A = arith.constant 1 : i32
    %dma_wait3A_125 = arith.constant 7 : i32
    %dma_wait3A_126 = arith.constant 1 : i32
    %dma_wait3A_127 = arith.constant 128 : i32
    %dma_wait3A_128 = arith.constant 0 : i32
    %dma_wait3A_129 = tpu.memref_slice %arg11[%dma_wait3A_127, %dma_wait3A_128] : memref<256x128xf32, #tpu.memory_space<vmem>> -> memref<128x128xf32, #tpu.memory_space<vmem>>
    %dma_wait3A_130 = arith.constant 0 : i32
    %dma_wait3A_131 = tpu.memref_slice %arg9[%dma_wait3A, %dma_wait3A_125, %dma_wait3A_130] : memref<2x8x128xi32, #tpu.memory_space<vmem>> -> memref<1x1x128xi32, #tpu.memory_space<vmem>>
    %dma_wait3A_132 = tpu.memref_squeeze %dma_wait3A_131 : memref<1x1x128xi32, #tpu.memory_space<vmem>> -> memref<128xi32, #tpu.memory_space<vmem>>
    %dma_wait3A_133 = arith.constant 0 : i32
    %dma_wait3A_134 = arith.constant 0 : i32
    %dma_wait3A_135 = tpu.memref_slice %arg12[%dma_wait3A_133, %dma_wait3A_134] : memref<10240x128xf32, #tpu.memory_space<vmem_shared>> -> memref<10240x128xf32, #tpu.memory_space<vmem_shared>>
    %dma_wait3A_136 = tpu.memref_slice %arg14[%dma_wait3A_126] : memref<2x!tpu.dma_semaphore, #tpu.memory_space<semaphore_mem>> -> memref<1x!tpu.dma_semaphore, #tpu.memory_space<semaphore_mem>>
    %dma_wait3A_137 = tpu.memref_squeeze %dma_wait3A_136 : memref<1x!tpu.dma_semaphore, #tpu.memory_space<semaphore_mem>> -> memref<!tpu.dma_semaphore, #tpu.memory_space<semaphore_mem>>
    tpu.wait_indirect_dma semaphore(%dma_wait3A_137 : memref<!tpu.dma_semaphore, #tpu.memory_space<semaphore_mem>>) src(%dma_wait3A_129 : memref<128x128xf32, #tpu.memory_space<vmem>>) dst(%dma_wait3A_135 : memref<10240x128xf32, #tpu.memory_space<vmem_shared>>)
    %barrier3A_138 = arith.constant 0 : index
    tpu.barrier barrier_id(%barrier3A_138)
    %mul3A_139 = arith.constant 640 : i32
    %mul3A_140 = arith.muli %arg1, %mul3A_139 : i32
    %mul3A_141 = arith.constant 640 : i32
    %mul3A_142 = arith.muli %arg1, %mul3A_141 : i32
    "tpu.region"() ({
      %run_scoped3A_143 = tpu.sem_alloc : memref<!tpu.dma_semaphore, #tpu.memory_space<semaphore_mem>>
      %dma_start3A_144 = arith.constant 0 : i32
      %dma_start3A_145 = tpu.memref_slice %arg7[%arg0, %mul3A_142, %dma_start3A_144] : memref<2x10240x128xf32, #tpu.memory_space<hbm>> -> memref<1x640x128xf32, #tpu.memory_space<hbm>>
      %dma_start3A_146 = tpu.memref_squeeze %dma_start3A_145 : memref<1x640x128xf32, #tpu.memory_space<hbm>> -> memref<640x128xf32, #tpu.memory_space<hbm>>
      %dma_start3A_147 = arith.constant 0 : i32
      %dma_start3A_148 = tpu.memref_slice %arg12[%mul3A_140, %dma_start3A_147] : memref<10240x128xf32, #tpu.memory_space<vmem_shared>> -> memref<640x128xf32, #tpu.memory_space<vmem_shared>>
      tpu.enqueue_dma source(%dma_start3A_148 : memref<640x128xf32, #tpu.memory_space<vmem_shared>>) target(%dma_start3A_146 : memref<640x128xf32, #tpu.memory_space<hbm>>) target_semaphore(%run_scoped3A_143 : memref<!tpu.dma_semaphore, #tpu.memory_space<semaphore_mem>>)
      %dma_wait3A_149 = arith.constant 0 : i32
      %dma_wait3A_150 = tpu.memref_slice %arg7[%arg0, %mul3A_142, %dma_wait3A_149] : memref<2x10240x128xf32, #tpu.memory_space<hbm>> -> memref<1x640x128xf32, #tpu.memory_space<hbm>>
      %dma_wait3A_151 = tpu.memref_squeeze %dma_wait3A_150 : memref<1x640x128xf32, #tpu.memory_space<hbm>> -> memref<640x128xf32, #tpu.memory_space<hbm>>
      %dma_wait3A_152 = arith.constant 0 : i32
      %dma_wait3A_153 = tpu.memref_slice %arg12[%mul3A_140, %dma_wait3A_152] : memref<10240x128xf32, #tpu.memory_space<vmem_shared>> -> memref<640x128xf32, #tpu.memory_space<vmem_shared>>
      tpu.wait_dma2 semaphore(%run_scoped3A_143 : memref<!tpu.dma_semaphore, #tpu.memory_space<semaphore_mem>>) src(%dma_wait3A_153 : memref<640x128xf32, #tpu.memory_space<vmem_shared>>) dst(%dma_wait3A_151 : memref<640x128xf32, #tpu.memory_space<hbm>>)
      tpu.yield
    }) : () -> ()
    return
  }
}

module attributes {stable_mosaic.version = 14 : i64} {
  func.func @_mm_body(%arg0: i32, %arg1: memref<1000x128xf32, #tpu.memory_space<vmem>>, %arg2: memref<128x128xf32, #tpu.memory_space<vmem>>, %arg3: memref<1000x128xf32, #tpu.memory_space<vmem>>) attributes {dimension_semantics = [#tpu.dimension_semantics<arbitrary>], iteration_bounds = array<i64: 10>, scalar_prefetch = 0 : i64, scratch_operands = 0 : i64, tpu.core_type = #tpu.core_type<tc>, window_params = [{transform_indices = @transform_0, window_bounds = array<i64: 1000, 128>}, {pipeline_mode = #tpu.pipeline_mode<synchronous>, transform_indices = @transform_1, window_bounds = array<i64: 128, 128>}, {transform_indices = @transform_2, window_bounds = array<i64: 1000, 128>}]} {
    %get3A = arith.constant 0 : index
    %get3A_0 = arith.constant 0 : index
    %get3A_1 = vector.load %arg1[%get3A, %get3A_0] : memref<1000x128xf32, #tpu.memory_space<vmem>>, vector<1000x128xf32>
    %get3A_2 = arith.constant 0 : index
    %get3A_3 = arith.constant 0 : index
    %get3A_4 = vector.load %arg2[%get3A_2, %get3A_3] : memref<128x128xf32, #tpu.memory_space<vmem>>, vector<128x128xf32>
    %dot_general3A = arith.constant dense<0.000000e+00> : vector<1000x128xf32>
    %dot_general3A_5 = tpu.matmul %get3A_1, %get3A_4, %dot_general3A {dimension_numbers = #tpu.dot_dimension_numbers<[1], [0], [0], [1], [0, 0, 1, 1], [], []>, transpose_lhs_hint = false} : vector<1000x128xf32>, vector<128x128xf32>, vector<1000x128xf32> -> vector<1000x128xf32>
    %swap3A = arith.constant 0 : index
    %swap3A_6 = arith.constant 0 : index
    %swap3A_7 = vector.load %arg3[%swap3A, %swap3A_6] : memref<1000x128xf32, #tpu.memory_space<vmem>>, vector<1000x128xf32>
    tpu.vector_store %arg3[%swap3A, %swap3A_6], %dot_general3A_5 {strides = array<i32>} : memref<1000x128xf32, #tpu.memory_space<vmem>>, vector<1000x128xf32>,
    return
  }
  func.func @transform_0(%arg0: i32) -> (i32, i32) {
    %c0_i32 = arith.constant 0 : i32
    %c0_i32_0 = arith.constant 0 : i32
    return %arg0, %c0_i32 : i32, i32
  }
  func.func @transform_1(%arg0: i32) -> (i32, i32) {
    %c0_i32 = arith.constant 0 : i32
    %c0_i32_0 = arith.constant 0 : i32
    %c0_i32_1 = arith.constant 0 : i32
    return %c0_i32, %c0_i32_0 : i32, i32
  }
  func.func @transform_2(%arg0: i32) -> (i32, i32) {
    %c0_i32 = arith.constant 0 : i32
    %c0_i32_0 = arith.constant 0 : i32
    return %arg0, %c0_i32 : i32, i32
  }
}

module attributes {stable_mosaic.version = 14 : i64} {
  func.func @_combine_body(%arg0: i32, %arg1: memref<2x1024x128xf32, #tpu.memory_space<vmem>>, %arg2: memref<1x128xf32, #tpu.memory_space<vmem>>, %arg3: memref<1024x128xf32, #tpu.memory_space<vmem>>) attributes {dimension_semantics = [#tpu.dimension_semantics<arbitrary>], iteration_bounds = array<i64: 10>, scalar_prefetch = 0 : i64, scratch_operands = 0 : i64, tpu.core_type = #tpu.core_type<tc>, window_params = [{transform_indices = @transform_0, window_bounds = array<i64: 2, 1024, 128>}, {pipeline_mode = #tpu.pipeline_mode<synchronous>, transform_indices = @transform_1, window_bounds = array<i64: 1, 128>}, {transform_indices = @transform_2, window_bounds = array<i64: 1024, 128>}]} {
    %get3A = arith.constant 0 : index
    %get3A_0 = arith.constant 0 : index
    %get3A_1 = arith.constant 0 : index
    %get3A_2 = vector.load %arg1[%get3A, %get3A_0, %get3A_1] : memref<2x1024x128xf32, #tpu.memory_space<vmem>>, vector<1x1024x128xf32>
    %get3A_3 = vector.shape_cast %get3A_2 : vector<1x1024x128xf32> to vector<1024x128xf32>
    %get3A_4 = arith.constant 1 : index
    %get3A_5 = arith.constant 0 : index
    %get3A_6 = arith.constant 0 : index
    %get3A_7 = vector.load %arg1[%get3A_4, %get3A_5, %get3A_6] : memref<2x1024x128xf32, #tpu.memory_space<vmem>>, vector<1x1024x128xf32>
    %get3A_8 = vector.shape_cast %get3A_7 : vector<1x1024x128xf32> to vector<1024x128xf32>
    %add3A = arith.addf %get3A_3, %get3A_8 : vector<1024x128xf32>
    %get3A_9 = arith.constant 0 : index
    %get3A_10 = arith.constant 0 : index
    %get3A_11 = vector.load %arg2[%get3A_9, %get3A_10] : memref<1x128xf32, #tpu.memory_space<vmem>>, vector<1x128xf32>
    %add3A_12 = vector.broadcast %get3A_11 : vector<1x128xf32> to vector<1024x128xf32>
    %add3A_13 = arith.addf %add3A, %add3A_12 : vector<1024x128xf32>
    %swap3A = arith.constant 0 : index
    %swap3A_14 = arith.constant 0 : index
    %swap3A_15 = vector.load %arg3[%swap3A, %swap3A_14] : memref<1024x128xf32, #tpu.memory_space<vmem>>, vector<1024x128xf32>
    tpu.vector_store %arg3[%swap3A, %swap3A_14], %add3A_13 {strides = array<i32>} : memref<1024x128xf32, #tpu.memory_space<vmem>>, vector<1024x128xf32>,
    return
  }
  func.func @transform_0(%arg0: i32) -> (i32, i32, i32) {
    %c0_i32 = arith.constant 0 : i32
    %c0_i32_0 = arith.constant 0 : i32
    %c0_i32_1 = arith.constant 0 : i32
    return %c0_i32, %arg0, %c0_i32_0 : i32, i32, i32
  }
  func.func @transform_1(%arg0: i32) -> (i32, i32) {
    %c0_i32 = arith.constant 0 : i32
    %c0_i32_0 = arith.constant 0 : i32
    %c0_i32_1 = arith.constant 0 : i32
    return %c0_i32, %c0_i32_0 : i32, i32
  }
  func.func @transform_2(%arg0: i32) -> (i32, i32) {
    %c0_i32 = arith.constant 0 : i32
    %c0_i32_0 = arith.constant 0 : i32
    return %arg0, %c0_i32 : i32, i32
  }
}

</mosaic_0001>

<sc_bundles>
// kernel: kernel.5.cloned.1.call-start
scs
__scs_entry_jumppad:
0x0: {  	(pc) =	sbr.rel $0x88, $3  }
0x1: {  	(tag) =	ssettag $0x0;
	lr =	simm.s32 $0x1  }
0x2: {  	[smem:$0x3F9C] =	sst lr;
	_ =	strace $0xD0000000  }
0x3: {  	_ = 	snop  }
0x4: {  	_ = 	snop  }
0x5: {  	_ = 	snop  }
0x6: {  	_ = 	snop  }
0x7: {  	_ = 	snop  }
__scs_overlays_trampoline_lowered:
0x8: {  	[smem:$0x3FAB] =	sst s0  }
0x9: {  	[smem:$0x3FAC] =	sst s1  }
0xa: {  	[smem:$0x3FAD] =	sst s2  }
0xb: {  	[smem:$0x3FAE] =	sst s3  }
0xc: {  	[smem:$0x3FAF] =	sst s4  }
0xd: {  	[smem:$0x3FB0] =	sst s5  }
0xe: {  	[smem:$0x3FB1] =	sst s6  }
0xf: {  	[smem:$0x3FB2] =	sst s7  }
0x10: {  	[smem:$0x3FB3] =	sst s8  }
0x11: {  	[smem:$0x3FB4] =	sst s9;
	s0 =	simm.s32 @!p0 $0x0  }
0x12: {  	s1 =	sld [smem:$0x3F9A];
	s0 =	simm.s32 @p0 $0x1  }
0x13: {  	[smem:$0x3FB5] =	sst s0;
	s0 =	simm.s32 @!p1 $0x0  }
0x14: {  	s2 =	sld [smem:$0x3F99];
	s0 =	simm.s32 @p1 $0x1  }
0x15: {  	[smem:$0x3FB6] =	sst s0;
	s0 =	simm.s32 @!p2 $0x0  }
0x16: {  	s3 =	sld [smem:$0x3FDB];
	s0 =	simm.s32 @p2 $0x1  }
0x17: {  	s4 =	simm.s32 $0x1BF5;
	[smem:$0x3FB8] =	sst s0  }
0x18: {  	s0 =	sld [smem:$0x3F9B];
	_ =	swait.ge [sflag:s4], $0x0  }
0x19: {  	s7 =	sld [smem:$0x3F9C]  }
0x1a: {  	s8 =	sadd.s32 $0xFFFFE003, lr  }
0x1b: {  	s9 =	sadd.s32 $0xFFFFFEF7, lr;
	s5 =	simm.s32 $0xFFFFFFFF;
	p2 =	slt.u32 s8, $0xFFFFF086  }
0x1c: {  	p1 =	slt.u32 s9, $0xF7A;
	s5 =	simm.s32 @!p2 $0x0  }
0x1d: {  	s5 =	simm.s32 @p1 $0x1;
	p0 =	seq.s32 s7, s2  }
0x1e: {  	s7 =	smul.u32 @!p0 $0xF7A, s2;
	p2 =	seq.s32 @!p0 s5, $0x0  }
0x1f: {  	s9 =	smul.u32 $0xF7A, s1;
	s8 =	simm.s32 @!p0 $0x1BF5;
	p2 =	por !p2, p0  }
0x20: {  	[sflag:s8] =	ssyncset.s32 @!p0 $0xFFFFF086;
	s6 =	sadd.s32 @!p0 s3, s7;
	s7 =	simm.s32 @!p0 $0x108  }
0x21: {  	s3 =	sadd.s32 s3, s9;
	s6 =	sadd.s32 @!p0 $0x88, s6;
	s7 =	simm.s32 @p2 $0x1082  }
0x22: {  	[simem:s7], [sflag:s8] =	dma.local @!p0 [hbm:s6], $0xF7A  }
0x23: {  	s9 =	sor.u32 $0xD0000000, s2;
	s6 =	simm.s32 $0x108;
	_ =	swait.ge @!p0 [sflag:s8], $0x0  }
0x24: {  	s3 =	sadd.s32 $0x88, s3;
	s6 =	simm.s32 @!p1 $0x1082;
	[sflag:s4] =	ssyncset.s32 $0xFFFFF086  }
0x25: {  	[simem:s6], [sflag:s4] =	dma.local [hbm:s3], $0xF7A  }
0x26: {  	[smem:$0x3F9C] =	sst s1;
	(tag) =	ssettag s2;
	_ =	strace s9  }
0x27: {  	s1 =	sld [smem:$0x3FAC]  }
0x28: {  	s2 =	sld [smem:$0x3FAD]  }
0x29: {  	s4 =	sld [smem:$0x3FAF]  }
0x2a: {  	p0 =	seq.s32 s5, $0x0;
	s5 =	sld [smem:$0x3FB0]  }
0x2b: {  	s6 =	sld [smem:$0x3FB1]  }
0x2c: {  	s7 =	sld [smem:$0x3FB2]  }
0x2d: {  	s3 =	simm.s32 $0x108;
	s8 =	sld [smem:$0x3FB3]  }
0x2e: {  	s3 =	simm.s32 @!p0 $0x1082;
	s9 =	sld [smem:$0x3FB4]  }
0x2f: {  	lr =	sadd.s32 s0, s3;
	s0 =	sld [smem:$0x3FAB]  }
0x30: {  	s3 =	sld [smem:$0x3FAE]  }
0x31: {  	[smem:$0x3FB7] =	sst s10  }
0x32: {  	s10 =	sld [smem:$0x3FB5];
	_ =	sdelay $0x3  }
0x33: {  	p0 =	seq.s32 s10, $0x1;
	s10 =	sld [smem:$0x3FB7];
	_ =	sdelay $0x3  }
0x34: {  	[smem:$0x3FB7] =	sst s10  }
0x35: {  	s10 =	sld [smem:$0x3FB6];
	_ =	sdelay $0x3  }
0x36: {  	p1 =	seq.s32 s10, $0x1;
	s10 =	sld [smem:$0x3FB7];
	_ =	sdelay $0x3  }
0x37: {  	[smem:$0x3FB7] =	sst s10  }
0x38: {  	s10 =	sld [smem:$0x3FB8]  }
0x39: {  	_ = 	snop;
	(pc) =	sbr.ind lr, $3  }
0x3a: {  	_ = 	snop  }
0x3b: {  	_ = 	snop  }
0x3c: {  	p2 =	seq.s32 s10, $0x1;
	s10 =	sld [smem:$0x3FB7]  }
0x3d: {  	_ =	shalt  }
0x3e: {  	_ =	shalt  }
0x3f: {  	_ =	shalt  }
0x40: {  	_ =	shalt  }
0x41: {  	_ =	shalt  }
0x42: {  	_ =	shalt  }
0x43: {  	_ =	shalt  }
0x44: {  	_ =	shalt  }
0x45: {  	_ =	shalt  }
0x46: {  	_ =	shalt  }
0x47: {  	_ =	shalt  }
0x48: {  	_ =	shalt  }
0x49: {  	_ =	shalt  }
0x4a: {  	_ =	shalt  }
0x4b: {  	_ =	shalt  }
0x4c: {  	_ =	shalt  }
0x4d: {  	_ =	shalt  }
0x4e: {  	_ =	shalt  }
0x4f: {  	_ =	shalt  }
0x50: {  	_ =	shalt  }
0x51: {  	_ =	shalt  }
0x52: {  	_ =	shalt  }
0x53: {  	_ =	shalt  }
0x54: {  	_ =	shalt  }
0x55: {  	_ =	shalt  }
0x56: {  	_ =	shalt  }
0x57: {  	_ =	shalt  }
0x58: {  	_ =	shalt  }
0x59: {  	_ =	shalt  }
0x5a: {  	_ =	shalt  }
0x5b: {  	_ =	shalt  }
0x5c: {  	_ =	shalt  }
0x5d: {  	_ =	shalt  }
0x5e: {  	_ =	shalt  }
0x5f: {  	_ =	shalt  }
0x60: {  	_ =	shalt  }
0x61: {  	_ =	shalt  }
0x62: {  	_ =	shalt  }
0x63: {  	_ =	shalt  }
0x64: {  	_ =	shalt  }
0x65: {  	_ =	shalt  }
0x66: {  	_ =	shalt  }
0x67: {  	_ =	shalt  }
0x68: {  	_ =	shalt  }
0x69: {  	_ =	shalt  }
0x6a: {  	_ =	shalt  }
0x6b: {  	_ =	shalt  }
0x6c: {  	_ =	shalt  }
0x6d: {  	_ =	shalt  }
0x6e: {  	_ =	shalt  }
0x6f: {  	_ =	shalt  }
0x70: {  	_ =	shalt  }
0x71: {  	_ =	shalt  }
0x72: {  	_ =	shalt  }
0x73: {  	_ =	shalt  }
0x74: {  	_ =	shalt  }
0x75: {  	_ =	shalt  }
0x76: {  	_ =	shalt  }
0x77: {  	_ =	shalt  }
0x78: {  	_ =	shalt  }
0x79: {  	_ =	shalt  }
0x7a: {  	_ =	shalt  }
0x7b: {  	_ =	shalt  }
0x7c: {  	_ =	shalt  }
0x7d: {  	_ =	shalt  }
0x7e: {  	_ =	shalt  }
0x7f: {  	_ =	shalt  }
0x80: {  	_ =	shalt  }
0x81: {  	_ =	shalt  }
0x82: {  	_ =	shalt  }
0x83: {  	_ =	shalt  }
0x84: {  	_ =	shalt  }
0x85: {  	_ =	shalt  }
0x86: {  	_ =	shalt  }
0x87: {  	_ =	shalt  }
.Lfunc_end0:
.L_simem_size_0:
called_computation_lowered:
.L_overlay_start_0:
0x88: {  	s2 =	sld [smem:$0x3FD9]  }
0x89: {  	s3 =	sld [smem:$0x3FFE];
	_ =	sdelay $0x1  }
0x8a: {  	s1 =	srdreg.scid  }
0x8b: {  	s0 =	sand.u32 $0x1, s1  }
0x8c: {  	s17 =	sshll.u32 s0, $0xA;
	s2 =	sadd.s32 s3, s2  }
0x8d: {  	s2 =	sadd.s32 s2, s17  }
0x8e: {  	[smem:$0x3FC3] =	sst s2  }
0x8f: {  	_ = 	snop  }
0x90: {  	s2 =	sld [smem:$0x3FD0];
	(tm) =	ssettm $0x1  }
0x91: {  	s18 =	sld [smem:$0x3FFB];
	_ =	sdelay $0x3  }
0x92: {  	_ =	strace s18  }
0x93: {  	s3 =	sld [smem:$0x3FFC];
	_ =	sdelay $0x3  }
0x94: {  	_ =	strace s3  }
0x95: {  	s3 =	sld [smem:$0x3FFD];
	_ =	sdelay $0x3  }
0x96: {  	_ =	strace s3  }
0x97: {  	_ =	strace $0x8FFFFFFF  }
0x98: {  	s19 =	sld [smem:$0x3FDB];
	_ =	sdelay $0x1  }
0x99: {  	s4 =	simm.s32 $_scs_section_size  }
0x9a: {  	s5 =	simm.s32 $_size__tile_overlayer_lowered;
	s6 =	simm.s32 $_tile_overlayer_lowered  }
0x9b: {  	s22 =	simm.s32 $0x1BFF;
	s21 =	sshll.u32 s6, $0x1;
	s3 =	sadd.s32 s4, s19  }
0x9c: {  	s7 =	simm.s32 $0x0;
	s20 =	sshll.u32 s5, $0x1;
	s5 =	sadd.s32 s21, s3  }
0x9d: {  	[timem:s7], [sflag:s22] =	dma.local [hbm:s5], s20  }
0x9e: {  	_ =	swait.ge [sflag:s22], s20  }
0x9f: {  	s4 =	ssub.s32 $0x0, s20;
	[sflag:s22] =	ssyncset.done $0x0  }
0xa0: {  	[sflag:s22] =	ssyncadd.s32 s4;
	_ =	sdelay $0x1  }
0xa1: {  	s23 =	simm.s32 $0x1B8B  }
0xa2: {  	_ =	swait.ge [sflag:s23], $0x1  }
0xa3: {  	[sflag:s23] =	ssyncset.done $0x0  }
0xa4: {  	s25 =	simm.s32 $0x1B8E;
	s24 =	sld [smem:$0x3FFE];
	[sflag:s23] =	ssyncadd.s32 $0xFFFFFFFF  }
0xa5: {  	s26 =	simm.s32 $execute0_lowered;
	[smem:$0x3FD2] =	sst s25  }
0xa6: {  	s5 =	sshll.u32 s26, $0x1;
	_ =	strace $0x80000046;
	[dreg:$0x1] =	wrdreg $0xFFFFFFFF  }
0xa7: {  	s28 =	simm.s32 $_size_execute0_lowered;
	s3 =	sadd.s32 s3, s5;
	[dreg:$0x0] =	wrdreg $0x0  }
0xa8: {  	s5 =	sshll.u32 s28, $0x1;
	[dreg:$0x2] =	wrdreg s3  }
0xa9: {  	[dreg:$0x3] =	wrdreg s5  }
0xaa: {  	[dreg:$0x4] =	wrdreg $0xC0  }
0xab: {  	_ =	task [dreg:s7], $0x5FFFF  }
0xac: {  	[dreg:$0x1] =	wrdreg $0xFFFFFFFF  }
0xad: {  	[dreg:$0x0] =	wrdreg $0x60  }
0xae: {  	[dreg:$0x2] =	wrdreg s2  }
0xaf: {  	[dreg:$0x3] =	wrdreg s24  }
0xb0: {  	[dreg:$0x4] =	wrdreg $0x98000  }
0xb1: {  	[dreg:$0x5] =	wrdreg $0x9  }
0xb2: {  	_ =	task.clear_ibuf [dreg:s7], $0x6FFFF;
	_ =	strace $0x90000046  }
0xb3: {  	s29 =	simm.s32 $0x9;
	_ =	strace $0x80000048  }
0xb4: {  	_ =	swait.ge [sflag:s29], $0x1  }
0xb5: {  	[sflag:s29] =	ssyncadd.s32 $0xFFFFFFFF  }
0xb6: {  	_ =	strace $0x90000048  }
0xb7: {  	_ =	sfence  }
0xb8: {  	s30 =	sld [smem:$0x0];
	_ =	sdelay $0x2  }
0xb9: {  	s31 =	sshll.u32 s1, $0xD;
	s1 =	sshrl.u32 s1, $0x2  }
0xba: {  	s3 =	sand.u32 $0x4000, s31;
	s1 =	sadd.s32 s1, s30  }
0xbb: {  	s0 =	sor.u32 s3, s0;
	s1 =	sshll.u32 s1, $0x11  }
0xbc: {  	s0 =	sor.u32 s1, s0  }
0xbd: {  	s0 =	sadd.s32 $0x8F2B, s0  }
0xbe: {  	[sflag:s0] =	ssyncadd.remote.s32 $0x1  }
0xbf: {  	_ =	sfence.sel $0xFFFF  }
0xc0: {  	[dreg:$0x0] =	wrdreg $0xFFFFFFFF;
	(pc) =	sbr.abs _section_cstart, $3  }
0xc1: {  	[dreg:$0x1] =	wrdreg $0xFFFFFFFF  }
0xc2: {  	_ =	task.clear_ibuf [dreg:s7], $0x2FFFF;
	_ =	strace $0x9FFFFFFF  }
0xc3: {  	(tm) =	ssettm $0x7FFFFFFF  }
tec
execute0_lowered:
.L_overlay_start_1:
0x0: {  	(tag) =	ssettag $0x1  }
0x1: {  	s1 =	rddreg [dreg:$0x0]  }
0x2: {  	s0 =	rddreg [dreg:$0x1]  }
0x3: {  	s3 =	rddreg [dreg:$0x2];
	s4 =	simm.s32 $0x0;
	s7 =	stileid.u32  }
0x4: {  	s2 =	srdreg.scid;
	s20 =	simm.s32 $0x10;
	s5 =	smul.u32 $0x14000, s7  }
0x5: {  	[smem:$0x7FF] =	sst s4;
	s2 =	sand.u32 $0x1, s2;
	s8 =	smul.u32 $0x50000, s7  }
0x6: {  	s11 =	sadd.s32 $0x14800, s0;
	s12 =	sadd.s32 $0xA800, s0;
	s10 =	smul.u32 $0x2800, s7  }
0x7: {  	s13 =	sadd.s32 $0x800, s0;
	s25 =	sshll.u32 s7, $0x6;
	s6 =	smul.u32 $0x140000, s2  }
0x8: {  	_ =	strace $0x80000047;
	s22 =	smul.u32 $0x28000, s2;
	[dreg:$0x4] =	wrdreg s11  }
0x9: {  	s2 =	ssub.s32 $0x2, s2;
	s7 =	sor.u32 $0x1C07, s25;
	[dreg:$0x5] =	wrdreg s12  }
0xa: {  	[dreg:$0x6] =	wrdreg s13;
	s9 =	sshrl.u32 s5, $0x3;
	s23 =	sshrl.u32 s2, $0x1  }
0xb: {  	[dreg:$0x8] =	wrdreg s7;
	s5 =	sadd.s32 s5, s6;
	s9 =	sadd.s32 s9, s0  }
0xc: {  	s2 =	ssub.s32 s2, s23;
	s6 =	sadd.s32 s10, s22;
	s26 =	sadd.s32 $0x1E800, s9  }
0xd: {  	s10 =	sshrl.u32 s6, $0x3;
	s6 =	sor.u32 $0x400, s6;
	[dreg:$0x7] =	wrdreg s26  }
0xe: {  	s24 =	sshrl.u32 s8, $0x2;
	s31 =	smax.u32 s2, $0x1;
	[dreg:$0xc] =	wrdreg s6  }
0xf: {  	v0 =	vimm.s32 $0x0;
	s5 =	sshrl.u32 s5, $0x3;
	s28 =	sadd.s32 s11, s10;
	[dreg:$0xe] =	wrdreg s31  }
.Ltmp0:
0x10: {  	v1 =	vimm.s32 $0x1;
	v2 =	vimm.s32 $0x2;
	v3 =	vimm.s32 $0x3;
	s29 =	sadd.s32 s12, s10;
	[dreg:$0x9] =	wrdreg s28;
	(pc) =	sbr.rel .LBB2_1-.Ltmp0, $4  }
0x11: {  	v4 =	vimm.s32 $0x4;
	v5 =	vimm.s32 $0x5;
	v6 =	vimm.s32 $0x6;
	s0 =	sadd.s32 s5, s0;
	s30 =	sadd.s32 s13, s10;
	[dreg:$0xa] =	wrdreg s29  }
0x12: {  	v7 =	vimm.s32 $0x7;
	v8 =	vimm.s32 $0x8;
	v9 =	vimm.s32 $0x9;
	s5 =	sadd.s32 s24, s3;
	[dreg:$0xb] =	wrdreg s30;
	s0 =	sadd.s32 $0x46800, s0  }
0x13: {  	v10 =	vimm.s32 $0xA;
	v11 =	vimm.s32 $0xB;
	v12 =	vimm.s32 $0xC;
	s21 =	simm.s32 $0x80;
	s2 =	sshrl.u32 s5, $0x3;
	[dreg:$0xd] =	wrdreg s0  }
0x14: {  	v13 =	vimm.s32 $0xD;
	v14 =	vimm.s32 $0xE;
	v15 =	vimm.s32 $0xF;
	s6 =	simm.s32 $0x0;
	s5 =	simm.s32 $0x7;
	[dreg:$0xf] =	wrdreg s2  }
.LBB2_13:
0x15: {  	s0 =	simm.s32 $0x4  }
0x16: {  	_ =	swait.ge [sflag:s0], $0x4000  }
0x17: {  	[sflag:s0] =	ssyncset.done $0x0  }
0x18: {  	[sflag:s0] =	ssyncadd.s32 $0xFFFFC000  }
0x19: {  	[bflag:$0x0] =	sbarrier.arrive $0xFFFF  }
0x1a: {  	s7 =	rddreg [dreg:$0x8]  }
0x1b: {  	s30 =	rddreg [dreg:$0xd]  }
0x1c: {  	s5 =	simm.s32 $0x7;
	s2 =	rddreg [dreg:$0xf]  }
0x1d: {  	[hbm:s30], [sflag:s7] =	dma.local [spmem:s2], $0x2800  }
0x1e: {  	_ =	swait.ge [sflag:s5], $0x2800  }
0x1f: {  	s6 =	rddreg [dreg:$0x10]  }
0x20: {  	s31 =	rddreg [dreg:$0xe];
	s6 =	sadd.s32 $0x1, s6  }
0x21: {  	p0 =	sne.s32 s6, s31  }
.Ltmp1:
0x22: {  	_ = 	snop;
	(pc) =	sbr.rel @!p0 .LBB2_14-.Ltmp1, $3  }
0x23: {  	_ =	sdelay $0x1  }
0x24: {  	[sflag:s5] =	ssyncset.done $0x0  }
0x25: {  	[sflag:s5] =	ssyncadd.s32 $0xFFFFD800  }
.LBB2_1:
0x26: {  	[dreg:$0x10] =	wrdreg s6  }
0x27: {  	s0 =	rddreg [dreg:$0x7]  }
0x28: {  	[spmem:s2], [sflag:s7] =	dma.local [hbm:s0], $0x2800  }
0x29: {  	_ =	swait.ge [sflag:s5], $0x2800  }
0x2a: {  	[sflag:s5] =	ssyncset.done $0x0  }
0x2b: {  	s10 =	rddreg [dreg:$0x9];
	[sflag:s5] =	ssyncadd.s32 $0xFFFFD800  }
0x2c: {  	[tilespmem:s4], [sflag:$0x7] =	stream.linear.gather [hbm4b:s10+s4], $0x400, $0x38;
	[tilespmem:$0x1D800] =	vst v63  }
0x2d: {  	_ =	swait.ge [sflag:s5], $0x400  }
0x2e: {  	[sflag:s5] =	ssyncset.done $0x0  }
0x2f: {  	s12 =	simm.s32 $0x800;
	s11 =	rddreg [dreg:$0xa];
	[sflag:s5] =	ssyncadd.s32 $0xFFFFFC00  }
0x30: {  	[tilespmem:s12], [sflag:$0x7] =	stream.linear.gather [hbm4b:s11+s4], $0x400, $0x38;
	[tilespmem:$0x1D800] =	vst v63  }
0x31: {  	_ =	swait.ge [sflag:s5], $0x400  }
0x32: {  	[sflag:s5] =	ssyncset.done $0x0  }
0x33: {  	s14 =	simm.s32 $0x1000;
	s13 =	rddreg [dreg:$0xb];
	[sflag:s5] =	ssyncadd.s32 $0xFFFFFC00  }
0x34: {  	[tilespmem:s14], [sflag:$0x7] =	stream.linear.gather [hbm4b:s13+s4], $0x400, $0x38;
	[tilespmem:$0x1D800] =	vst v63  }
0x35: {  	_ =	swait.ge [sflag:s5], $0x400  }
0x36: {  	[sflag:s5] =	ssyncset.done $0x0  }
0x37: {  	[sflag:s5] =	ssyncadd.s32 $0xFFFFFC00  }
0x38: {  	s15 =	simm.s32 $0x1800;
	[bflag:$0x0] =	sbarrier.arrive $0xFFFF  }
0x39: {  	[tilespmem:s15], [sflag:$0x1] =	stream.indirect.gather [hbm4b:s1+s20], $0x80, s4, s20, $0xb8;
	[tilespmem:$0x1D800] =	vst v63  }
0x3a: {  	s16 =	simm.s32 $0x2000  }
0x3b: {  	[tilespmem:s16], [sflag:$0x1] =	stream.indirect.gather [hbm4b:s1+s20], $0x80, s20, s20, $0xb8;
	[tilespmem:$0x1D800] =	vst v63  }
0x3c: {  	s17 =	simm.s32 $0x20;
	s18 =	simm.s32 $0x2800  }
0x3d: {  	[tilespmem:s18], [sflag:$0x1] =	stream.indirect.gather [hbm4b:s1+s20], $0x80, s17, s20, $0xb8;
	[tilespmem:$0x1D800] =	vst v63  }
0x3e: {  	s19 =	simm.s32 $0x30;
	s22 =	simm.s32 $0x3000  }
0x3f: {  	[tilespmem:s22], [sflag:$0x1] =	stream.indirect.gather [hbm4b:s1+s20], $0x80, s19, s20, $0xb8;
	[tilespmem:$0x1D800] =	vst v63  }
0x40: {  	s23 =	simm.s32 $0x40;
	s24 =	simm.s32 $0x3800  }
0x41: {  	[tilespmem:s24], [sflag:$0x1] =	stream.indirect.gather [hbm4b:s1+s20], $0x80, s23, s20, $0xb8;
	[tilespmem:$0x1D800] =	vst v63  }
0x42: {  	s25 =	simm.s32 $0x50;
	s26 =	simm.s32 $0x4000  }
0x43: {  	[tilespmem:s26], [sflag:$0x1] =	stream.indirect.gather [hbm4b:s1+s20], $0x80, s25, s20, $0xb8;
	[tilespmem:$0x1D800] =	vst v63  }
.Ltmp2:
0x44: {  	_ = 	snop;
	(pc) =	sbr.rel .LBB2_2-.Ltmp2, $4  }
0x45: {  	s28 =	simm.s32 $0x60;
	s29 =	simm.s32 $0x4800  }
0x46: {  	[tilespmem:s29], [sflag:$0x1] =	stream.indirect.gather [hbm4b:s1+s20], $0x80, s28, s20, $0xb8;
	[tilespmem:$0x1D800] =	vst v63  }
0x47: {  	s30 =	simm.s32 $0x70;
	s31 =	simm.s32 $0x5000;
	s24 =	simm.s32 $0x0  }
0x48: {  	[tilespmem:s31], [sflag:$0x1] =	stream.indirect.gather [hbm4b:s1+s20], $0x80, s30, s20, $0xb8;
	[tilespmem:$0x1D800] =	vst v63  }
.LBB2_12:
0x49: {  	s24 =	sadd.s32 $0x1, s24  }
0x4a: {  	p0 =	sne.s32 s24, $0xA  }
.Ltmp3:
0x4b: {  	_ = 	snop;
	(pc) =	sbr.rel @!p0 .LBB2_13-.Ltmp3, $1  }
0x4c: {  	_ =	sdelay $0x3  }
.LBB2_2:
0x4d: {  	s2 =	rddreg [dreg:$0xc]  }
0x4e: {  	s7 =	rddreg [dreg:$0x4]  }
0x4f: {  	s5 =	sand.u32 $0x1, s24;
	s22 =	rddreg [dreg:$0x5]  }
0x50: {  	s19 =	sshll.u32 s24, $0xA;
	s23 =	rddreg [dreg:$0x6];
	p0 =	seq.s32 s24, $0x9  }
0x51: {  	s0 =	sxor.u32 $0x1, s5;
	s2 =	sadd.s32 s19, s2;
	s11 =	sshll.u32 s5, $0xA  }
0x52: {  	s5 =	simm.s32 $0x0;
	s25 =	sshll.u32 s0, $0xA;
	s26 =	sadd.s32 $0x5, s0  }
0x53: {  	s6 =	sshrl.u32 s2, $0x3;
	s15 =	sor.u32 $0x1000, s11;
	s28 =	sor.u32 $0x10, s25  }
0x54: {  	s29 =	sor.u32 $0x20, s25;
	s30 =	sor.u32 $0x30, s25;
	s31 =	sor.u32 $0x40, s25  }
0x55: {  	s0 =	sor.u32 $0x50, s25;
	s2 =	sor.u32 $0x60, s25;
	s18 =	sor.u32 $0x70, s25  }
0x56: {  	s19 =	sadd.s32 s7, s6;
	s8 =	sor.u32 $0x800, s25;
	s10 =	sadd.s32 s22, s6  }
0x57: {  	s12 =	sor.u32 $0x1000, s25;
	s14 =	sadd.s32 s23, s6;
	s22 =	sor.u32 $0x800, s11  }
.LBB2_3:
0x58: {  	p2 =	sne.s32 @!p0 s5, $0x0  }
0x59: {  	s9 =	sand.u32 $0x1, s5;
	s16 =	sor.u32 s24, s5;
	p2 =	por p0, p2  }
.Ltmp4:
0x5a: {  	s6 =	sxor.u32 $0x1, s9;
	p1 =	seq.s32 s16, $0x0;
	(pc) =	sbr.rel @p2 .LBB2_5-.Ltmp4, $4  }
0x5b: {  	s16 =	sadd.s32 @!p1 $0x3, s6  }
0x5c: {  	_ =	swait.ge @!p1 [sflag:s16], $0x4000  }
0x5d: {  	[sflag:s16] =	ssyncset.done @!p1 $0x0  }
0x5e: {  	[sflag:s16] =	ssyncadd.s32 @!p1 $0xFFFFC000  }
0x5f: {  	[tilespmem:s25], [sflag:s26] =	stream.linear.gather [hbm4b:s19+s4], $0x400, $0x38;
	[tilespmem:$0x1D800] =	vst v63  }
.Ltmp5:
0x60: {  	_ = 	snop;
	(pc) =	sbr.rel .LBB2_7-.Ltmp5, $4  }
0x61: {  	_ = 	snop  }
0x62: {  	[tilespmem:s8], [sflag:s26] =	stream.linear.gather [hbm4b:s10+s4], $0x400, $0x38;
	[tilespmem:$0x1D800] =	vst v63  }
0x63: {  	s16 =	simm.s32 $0x1  }
0x64: {  	[tilespmem:s12], [sflag:s26] =	stream.linear.gather [hbm4b:s14+s4], $0x400, $0x38;
	[tilespmem:$0x1D800] =	vst v63  }
.LBB2_5:
0x65: {  	p1 =	seq.s32 s5, $0x7  }
.Ltmp6:
0x66: {  	_ = 	snop;
	(pc) =	sbr.rel @p1 .LBB2_8-.Ltmp6, $1  }
0x67: {  	_ =	sdelay $0x3  }
0x68: {  	s16 =	sadd.s32 $0x1, s5  }
.LBB2_7:
0x69: {  	s17 =	sshll.u32 s16, $0x9  }
0x6a: {  	s23 =	sshll.u32 s6, $0xE;
	s17 =	sshra.s32 s17, $0x2  }
0x6b: {  	s6 =	sadd.s32 $0x1, s6;
	s7 =	sor.u32 $0x1800, s23;
	s17 =	sadd.s32 s17, s11  }
0x6c: {  	[tilespmem:s7], [sflag:s6] =	stream.indirect.gather [hbm4b:s1+s20], $0x80, s17, s20, $0xb8;
	[tilespmem:$0x1D800] =	vst v63  }
0x6d: {  	s7 =	sor.u32 $0x2000, s23;
	s13 =	sadd.s32 $0x10, s17  }
0x6e: {  	[tilespmem:s7], [sflag:s6] =	stream.indirect.gather [hbm4b:s1+s20], $0x80, s13, s20, $0xb8;
	[tilespmem:$0x1D800] =	vst v63  }
0x6f: {  	s7 =	sor.u32 $0x2800, s23;
	s13 =	sadd.s32 $0x20, s17  }
0x70: {  	[tilespmem:s7], [sflag:s6] =	stream.indirect.gather [hbm4b:s1+s20], $0x80, s13, s20, $0xb8;
	[tilespmem:$0x1D800] =	vst v63  }
0x71: {  	s7 =	sor.u32 $0x3000, s23;
	s13 =	sadd.s32 $0x30, s17  }
0x72: {  	[tilespmem:s7], [sflag:s6] =	stream.indirect.gather [hbm4b:s1+s20], $0x80, s13, s20, $0xb8;
	[tilespmem:$0x1D800] =	vst v63  }
0x73: {  	s7 =	sor.u32 $0x3800, s23;
	s13 =	sadd.s32 $0x40, s17  }
0x74: {  	[tilespmem:s7], [sflag:s6] =	stream.indirect.gather [hbm4b:s1+s20], $0x80, s13, s20, $0xb8;
	[tilespmem:$0x1D800] =	vst v63  }
0x75: {  	s7 =	sadd.s32 $0x4000, s23;
	s13 =	sadd.s32 $0x50, s17  }
0x76: {  	[tilespmem:s7], [sflag:s6] =	stream.indirect.gather [hbm4b:s1+s20], $0x80, s13, s20, $0xb8;
	[tilespmem:$0x1D800] =	vst v63  }
0x77: {  	s7 =	sadd.s32 $0x4800, s23;
	s13 =	sadd.s32 $0x60, s17  }
0x78: {  	[tilespmem:s7], [sflag:s6] =	stream.indirect.gather [hbm4b:s1+s20], $0x80, s13, s20, $0xb8;
	[tilespmem:$0x1D800] =	vst v63  }
0x79: {  	s13 =	sadd.s32 $0x5000, s23;
	s23 =	sadd.s32 $0x70, s17  }
0x7a: {  	[tilespmem:s13], [sflag:s6] =	stream.indirect.gather [hbm4b:s1+s20], $0x80, s23, s20, $0xb8;
	[tilespmem:$0x1D800] =	vst v63  }
.LBB2_9:
0x7b: {  	s6 =	sadd.s32 $0x1, s9  }
0x7c: {  	_ =	swait.ge [sflag:s6], $0x800  }
0x7d: {  	[sflag:s6] =	ssyncset.done $0x0  }
0x7e: {  	[sflag:s6] =	ssyncadd.s32 $0xFFFFF800  }
0x7f: {  	_ =	swait.ge [sflag:s6], $0x800  }
0x80: {  	[sflag:s6] =	ssyncset.done $0x0  }
0x81: {  	[sflag:s6] =	ssyncadd.s32 $0xFFFFF800  }
0x82: {  	_ =	swait.ge [sflag:s6], $0x800  }
0x83: {  	[sflag:s6] =	ssyncset.done $0x0  }
0x84: {  	[sflag:s6] =	ssyncadd.s32 $0xFFFFF800  }
0x85: {  	_ =	swait.ge [sflag:s6], $0x800  }
0x86: {  	[sflag:s6] =	ssyncset.done $0x0  }
0x87: {  	[sflag:s6] =	ssyncadd.s32 $0xFFFFF800  }
0x88: {  	_ =	swait.ge [sflag:s6], $0x800  }
0x89: {  	[sflag:s6] =	ssyncset.done $0x0  }
0x8a: {  	[sflag:s6] =	ssyncadd.s32 $0xFFFFF800  }
0x8b: {  	_ =	swait.ge [sflag:s6], $0x800  }
0x8c: {  	[sflag:s6] =	ssyncset.done $0x0  }
0x8d: {  	[sflag:s6] =	ssyncadd.s32 $0xFFFFF800  }
0x8e: {  	s5 =	sshll.u32 s5, $0x9;
	_ =	swait.ge [sflag:s6], $0x800  }
0x8f: {  	s23 =	sshrl.u32 s5, $0x2;
	[sflag:s6] =	ssyncset.done $0x0  }
0x90: {  	s7 =	sadd.s32 s23, s15;
	[sflag:s6] =	ssyncadd.s32 $0xFFFFF800  }
0x91: {  	s17 =	sshll.u32 s9, $0xE;
	v16 =	vmov s7;
	_ =	swait.ge [sflag:s6], $0x800  }
0x92: {  	s17 =	sor.u32 $0x1800, s17;
	[sflag:s6] =	ssyncset.done $0x0  }
0x93: {  	s5 =	simm.s32 $0x0;
	v17 =	vmov s17;
	[sflag:s6] =	ssyncadd.s32 $0xFFFFF800  }
.LBB2_10:
0x94: {  	s6 =	sshll.u32 s5, $0x4  }
0x95: {  	s6 =	sand.u32 $0x3FFFFFF0, s6  }
0x96: {  	s13 =	sshll.u32 s5, $0xB;
	v18 =	vld.idx.msk [tilespmem:v16+s6+$0x0 ss:$0x1], $0xffff  }
0x97: {  	s6 =	sand.u32 $0x3FFFF800, s13  }
0x98: {  	v19 =	vld.idx.msk [tilespmem:v17+s6+$0x0 ss:$0x1], $0xffff;
	_ =	sdelay $0x2  }
0x99: {  	v20 =	vperm.xlane v18, v0;
	_ =	sdelay $0x1  }
0x9a: {  	v19 =	vmul.f32 v19, v20;
	_ =	sdelay $0x1  }
0x9b: {  	[tilespmem:v17+s6+$0x0 ss:$0x1] =	vst.idx.msk $0xffff, v19  }
0x9c: {  	v19 =	vld.idx.msk [tilespmem:v17+s6+$0x10 ss:$0x1], $0xffff;
	_ =	sdelay $0x4  }
0x9d: {  	v19 =	vmul.f32 v19, v20;
	_ =	sdelay $0x1  }
0x9e: {  	[tilespmem:v17+s6+$0x10 ss:$0x1] =	vst.idx.msk $0xffff, v19  }
0x9f: {  	v19 =	vld.idx.msk [tilespmem:v17+s6+$0x20 ss:$0x1], $0xffff;
	_ =	sdelay $0x4  }
0xa0: {  	v19 =	vmul.f32 v19, v20;
	_ =	sdelay $0x1  }
0xa1: {  	[tilespmem:v17+s6+$0x20 ss:$0x1] =	vst.idx.msk $0xffff, v19  }
0xa2: {  	v19 =	vld.idx.msk [tilespmem:v17+s6+$0x30 ss:$0x1], $0xffff;
	_ =	sdelay $0x4  }
0xa3: {  	v19 =	vmul.f32 v19, v20;
	_ =	sdelay $0x1  }
0xa4: {  	[tilespmem:v17+s6+$0x30 ss:$0x1] =	vst.idx.msk $0xffff, v19  }
0xa5: {  	v19 =	vld.idx.msk [tilespmem:v17+s6+$0x40 ss:$0x1], $0xffff;
	_ =	sdelay $0x4  }
0xa6: {  	v19 =	vmul.f32 v19, v20;
	_ =	sdelay $0x1  }
0xa7: {  	[tilespmem:v17+s6+$0x40 ss:$0x1] =	vst.idx.msk $0xffff, v19  }
0xa8: {  	v19 =	vld.idx.msk [tilespmem:v17+s6+$0x50 ss:$0x1], $0xffff;
	_ =	sdelay $0x4  }
0xa9: {  	v19 =	vmul.f32 v19, v20;
	_ =	sdelay $0x1  }
0xaa: {  	[tilespmem:v17+s6+$0x50 ss:$0x1] =	vst.idx.msk $0xffff, v19  }
0xab: {  	v19 =	vld.idx.msk [tilespmem:v17+s6+$0x60 ss:$0x1], $0xffff;
	_ =	sdelay $0x4  }
0xac: {  	v19 =	vmul.f32 v19, v20;
	_ =	sdelay $0x1  }
0xad: {  	[tilespmem:v17+s6+$0x60 ss:$0x1] =	vst.idx.msk $0xffff, v19  }
0xae: {  	v19 =	vld.idx.msk [tilespmem:v17+s6+$0x70 ss:$0x1], $0xffff;
	_ =	sdelay $0x4  }
0xaf: {  	v19 =	vmul.f32 v19, v20;
	_ =	sdelay $0x1  }
0xb0: {  	[tilespmem:v17+s6+$0x70 ss:$0x1] =	vst.idx.msk $0xffff, v19  }
0xb1: {  	v19 =	vld.idx.msk [tilespmem:v17+s6+$0x80 ss:$0x1], $0xffff;
	_ =	sdelay $0x2  }
0xb2: {  	v50 =	vperm.xlane v18, v1;
	_ =	sdelay $0x1  }
0xb3: {  	v19 =	vmul.f32 v19, v50;
	_ =	sdelay $0x1  }
0xb4: {  	[tilespmem:v17+s6+$0x80 ss:$0x1] =	vst.idx.msk $0xffff, v19  }
0xb5: {  	v19 =	vld.idx.msk [tilespmem:v17+s6+$0x90 ss:$0x1], $0xffff;
	_ =	sdelay $0x4  }
0xb6: {  	v19 =	vmul.f32 v19, v50;
	_ =	sdelay $0x1  }
0xb7: {  	[tilespmem:v17+s6+$0x90 ss:$0x1] =	vst.idx.msk $0xffff, v19  }
0xb8: {  	v19 =	vld.idx.msk [tilespmem:v17+s6+$0xA0 ss:$0x1], $0xffff;
	_ =	sdelay $0x4  }
0xb9: {  	v19 =	vmul.f32 v19, v50;
	_ =	sdelay $0x1  }
0xba: {  	[tilespmem:v17+s6+$0xA0 ss:$0x1] =	vst.idx.msk $0xffff, v19  }
0xbb: {  	v19 =	vld.idx.msk [tilespmem:v17+s6+$0xB0 ss:$0x1], $0xffff;
	_ =	sdelay $0x4  }
0xbc: {  	v19 =	vmul.f32 v19, v50;
	_ =	sdelay $0x1  }
0xbd: {  	[tilespmem:v17+s6+$0xB0 ss:$0x1] =	vst.idx.msk $0xffff, v19  }
0xbe: {  	v19 =	vld.idx.msk [tilespmem:v17+s6+$0xC0 ss:$0x1], $0xffff;
	_ =	sdelay $0x4  }
0xbf: {  	v19 =	vmul.f32 v19, v50;
	_ =	sdelay $0x1  }
0xc0: {  	[tilespmem:v17+s6+$0xC0 ss:$0x1] =	vst.idx.msk $0xffff, v19  }
0xc1: {  	v19 =	vld.idx.msk [tilespmem:v17+s6+$0xD0 ss:$0x1], $0xffff;
	_ =	sdelay $0x4  }
0xc2: {  	v19 =	vmul.f32 v19, v50;
	_ =	sdelay $0x1  }
0xc3: {  	[tilespmem:v17+s6+$0xD0 ss:$0x1] =	vst.idx.msk $0xffff, v19  }
0xc4: {  	v19 =	vld.idx.msk [tilespmem:v17+s6+$0xE0 ss:$0x1], $0xffff;
	_ =	sdelay $0x4  }
0xc5: {  	v19 =	vmul.f32 v19, v50;
	_ =	sdelay $0x1  }
0xc6: {  	[tilespmem:v17+s6+$0xE0 ss:$0x1] =	vst.idx.msk $0xffff, v19  }
0xc7: {  	v19 =	vld.idx.msk [tilespmem:v17+s6+$0xF0 ss:$0x1], $0xffff;
	_ =	sdelay $0x4  }
0xc8: {  	v19 =	vmul.f32 v19, v50;
	_ =	sdelay $0x1  }
0xc9: {  	[tilespmem:v17+s6+$0xF0 ss:$0x1] =	vst.idx.msk $0xffff, v19  }
0xca: {  	v19 =	vld.idx.msk [tilespmem:v17+s6+$0x100 ss:$0x1], $0xffff;
	_ =	sdelay $0x2  }
0xcb: {  	v51 =	vperm.xlane v18, v2;
	_ =	sdelay $0x1  }
0xcc: {  	v19 =	vmul.f32 v19, v51;
	_ =	sdelay $0x1  }
0xcd: {  	[tilespmem:v17+s6+$0x100 ss:$0x1] =	vst.idx.msk $0xffff, v19  }
0xce: {  	v19 =	vld.idx.msk [tilespmem:v17+s6+$0x110 ss:$0x1], $0xffff;
	_ =	sdelay $0x4  }
0xcf: {  	v19 =	vmul.f32 v19, v51;
	_ =	sdelay $0x1  }
0xd0: {  	[tilespmem:v17+s6+$0x110 ss:$0x1] =	vst.idx.msk $0xffff, v19  }
0xd1: {  	v19 =	vld.idx.msk [tilespmem:v17+s6+$0x120 ss:$0x1], $0xffff;
	_ =	sdelay $0x4  }
0xd2: {  	v19 =	vmul.f32 v19, v51;
	_ =	sdelay $0x1  }
0xd3: {  	[tilespmem:v17+s6+$0x120 ss:$0x1] =	vst.idx.msk $0xffff, v19  }
0xd4: {  	v19 =	vld.idx.msk [tilespmem:v17+s6+$0x130 ss:$0x1], $0xffff;
	_ =	sdelay $0x4  }
0xd5: {  	v19 =	vmul.f32 v19, v51;
	_ =	sdelay $0x1  }
0xd6: {  	[tilespmem:v17+s6+$0x130 ss:$0x1] =	vst.idx.msk $0xffff, v19  }
0xd7: {  	v19 =	vld.idx.msk [tilespmem:v17+s6+$0x140 ss:$0x1], $0xffff;
	_ =	sdelay $0x4  }
0xd8: {  	v19 =	vmul.f32 v19, v51;
	_ =	sdelay $0x1  }
0xd9: {  	[tilespmem:v17+s6+$0x140 ss:$0x1] =	vst.idx.msk $0xffff, v19  }
0xda: {  	v19 =	vld.idx.msk [tilespmem:v17+s6+$0x150 ss:$0x1], $0xffff;
	_ =	sdelay $0x4  }
0xdb: {  	v19 =	vmul.f32 v19, v51;
	_ =	sdelay $0x1  }
0xdc: {  	[tilespmem:v17+s6+$0x150 ss:$0x1] =	vst.idx.msk $0xffff, v19  }
0xdd: {  	v19 =	vld.idx.msk [tilespmem:v17+s6+$0x160 ss:$0x1], $0xffff;
	_ =	sdelay $0x4  }
0xde: {  	v19 =	vmul.f32 v19, v51;
	_ =	sdelay $0x1  }
0xdf: {  	[tilespmem:v17+s6+$0x160 ss:$0x1] =	vst.idx.msk $0xffff, v19  }
0xe0: {  	v19 =	vld.idx.msk [tilespmem:v17+s6+$0x170 ss:$0x1], $0xffff;
	_ =	sdelay $0x4  }
0xe1: {  	v19 =	vmul.f32 v19, v51;
	_ =	sdelay $0x1  }
0xe2: {  	[tilespmem:v17+s6+$0x170 ss:$0x1] =	vst.idx.msk $0xffff, v19  }
0xe3: {  	v19 =	vld.idx.msk [tilespmem:v17+s6+$0x180 ss:$0x1], $0xffff;
	_ =	sdelay $0x2  }
0xe4: {  	v52 =	vperm.xlane v18, v3;
	_ =	sdelay $0x1  }
0xe5: {  	v19 =	vmul.f32 v19, v52;
	_ =	sdelay $0x1  }
0xe6: {  	[tilespmem:v17+s6+$0x180 ss:$0x1] =	vst.idx.msk $0xffff, v19  }
0xe7: {  	v19 =	vld.idx.msk [tilespmem:v17+s6+$0x190 ss:$0x1], $0xffff;
	_ =	sdelay $0x4  }
0xe8: {  	v19 =	vmul.f32 v19, v52;
	_ =	sdelay $0x1  }
0xe9: {  	[tilespmem:v17+s6+$0x190 ss:$0x1] =	vst.idx.msk $0xffff, v19  }
0xea: {  	v19 =	vld.idx.msk [tilespmem:v17+s6+$0x1A0 ss:$0x1], $0xffff;
	_ =	sdelay $0x4  }
0xeb: {  	v19 =	vmul.f32 v19, v52;
	_ =	sdelay $0x1  }
0xec: {  	[tilespmem:v17+s6+$0x1A0 ss:$0x1] =	vst.idx.msk $0xffff, v19  }
0xed: {  	v19 =	vld.idx.msk [tilespmem:v17+s6+$0x1B0 ss:$0x1], $0xffff;
	_ =	sdelay $0x4  }
0xee: {  	v19 =	vmul.f32 v19, v52;
	_ =	sdelay $0x1  }
0xef: {  	[tilespmem:v17+s6+$0x1B0 ss:$0x1] =	vst.idx.msk $0xffff, v19  }
0xf0: {  	v19 =	vld.idx.msk [tilespmem:v17+s6+$0x1C0 ss:$0x1], $0xffff;
	_ =	sdelay $0x4  }
0xf1: {  	v19 =	vmul.f32 v19, v52;
	_ =	sdelay $0x1  }
0xf2: {  	[tilespmem:v17+s6+$0x1C0 ss:$0x1] =	vst.idx.msk $0xffff, v19  }
0xf3: {  	v19 =	vld.idx.msk [tilespmem:v17+s6+$0x1D0 ss:$0x1], $0xffff;
	_ =	sdelay $0x4  }
0xf4: {  	v19 =	vmul.f32 v19, v52;
	_ =	sdelay $0x1  }
0xf5: {  	[tilespmem:v17+s6+$0x1D0 ss:$0x1] =	vst.idx.msk $0xffff, v19  }
0xf6: {  	v19 =	vld.idx.msk [tilespmem:v17+s6+$0x1E0 ss:$0x1], $0xffff;
	_ =	sdelay $0x4  }
0xf7: {  	v19 =	vmul.f32 v19, v52;
	_ =	sdelay $0x1  }
0xf8: {  	[tilespmem:v17+s6+$0x1E0 ss:$0x1] =	vst.idx.msk $0xffff, v19  }
0xf9: {  	v19 =	vld.idx.msk [tilespmem:v17+s6+$0x1F0 ss:$0x1], $0xffff;
	_ =	sdelay $0x4  }
0xfa: {  	v19 =	vmul.f32 v19, v52;
	_ =	sdelay $0x1  }
0xfb: {  	[tilespmem:v17+s6+$0x1F0 ss:$0x1] =	vst.idx.msk $0xffff, v19  }
0xfc: {  	v19 =	vld.idx.msk [tilespmem:v17+s6+$0x200 ss:$0x1], $0xffff;
	_ =	sdelay $0x2  }
0xfd: {  	v53 =	vperm.xlane v18, v4;
	_ =	sdelay $0x1  }
0xfe: {  	v19 =	vmul.f32 v19, v53;
	_ =	sdelay $0x1  }
0xff: {  	[tilespmem:v17+s6+$0x200 ss:$0x1] =	vst.idx.msk $0xffff, v19  }
0x100: {  	v19 =	vld.idx.msk [tilespmem:v17+s6+$0x210 ss:$0x1], $0xffff;
	_ =	sdelay $0x4  }
0x101: {  	v19 =	vmul.f32 v19, v53;
	_ =	sdelay $0x1  }
0x102: {  	[tilespmem:v17+s6+$0x210 ss:$0x1] =	vst.idx.msk $0xffff, v19  }
0x103: {  	v19 =	vld.idx.msk [tilespmem:v17+s6+$0x220 ss:$0x1], $0xffff;
	_ =	sdelay $0x4  }
0x104: {  	v19 =	vmul.f32 v19, v53;
	_ =	sdelay $0x1  }
0x105: {  	[tilespmem:v17+s6+$0x220 ss:$0x1] =	vst.idx.msk $0xffff, v19  }
0x106: {  	v19 =	vld.idx.msk [tilespmem:v17+s6+$0x230 ss:$0x1], $0xffff;
	_ =	sdelay $0x4  }
0x107: {  	v19 =	vmul.f32 v19, v53;
	_ =	sdelay $0x1  }
0x108: {  	[tilespmem:v17+s6+$0x230 ss:$0x1] =	vst.idx.msk $0xffff, v19  }
0x109: {  	v19 =	vld.idx.msk [tilespmem:v17+s6+$0x240 ss:$0x1], $0xffff;
	_ =	sdelay $0x4  }
0x10a: {  	v19 =	vmul.f32 v19, v53;
	_ =	sdelay $0x1  }
0x10b: {  	[tilespmem:v17+s6+$0x240 ss:$0x1] =	vst.idx.msk $0xffff, v19  }
0x10c: {  	v19 =	vld.idx.msk [tilespmem:v17+s6+$0x250 ss:$0x1], $0xffff;
	_ =	sdelay $0x4  }
0x10d: {  	v19 =	vmul.f32 v19, v53;
	_ =	sdelay $0x1  }
0x10e: {  	[tilespmem:v17+s6+$0x250 ss:$0x1] =	vst.idx.msk $0xffff, v19  }
0x10f: {  	v19 =	vld.idx.msk [tilespmem:v17+s6+$0x260 ss:$0x1], $0xffff;
	_ =	sdelay $0x4  }
0x110: {  	v19 =	vmul.f32 v19, v53;
	_ =	sdelay $0x1  }
0x111: {  	[tilespmem:v17+s6+$0x260 ss:$0x1] =	vst.idx.msk $0xffff, v19  }
0x112: {  	v19 =	vld.idx.msk [tilespmem:v17+s6+$0x270 ss:$0x1], $0xffff;
	_ =	sdelay $0x4  }
0x113: {  	v19 =	vmul.f32 v19, v53;
	_ =	sdelay $0x1  }
0x114: {  	[tilespmem:v17+s6+$0x270 ss:$0x1] =	vst.idx.msk $0xffff, v19  }
0x115: {  	v19 =	vld.idx.msk [tilespmem:v17+s6+$0x280 ss:$0x1], $0xffff;
	_ =	sdelay $0x2  }
0x116: {  	v54 =	vperm.xlane v18, v5;
	_ =	sdelay $0x1  }
0x117: {  	v19 =	vmul.f32 v19, v54;
	_ =	sdelay $0x1  }
0x118: {  	[tilespmem:v17+s6+$0x280 ss:$0x1] =	vst.idx.msk $0xffff, v19  }
0x119: {  	v19 =	vld.idx.msk [tilespmem:v17+s6+$0x290 ss:$0x1], $0xffff;
	_ =	sdelay $0x4  }
0x11a: {  	v19 =	vmul.f32 v19, v54;
	_ =	sdelay $0x1  }
0x11b: {  	[tilespmem:v17+s6+$0x290 ss:$0x1] =	vst.idx.msk $0xffff, v19  }
0x11c: {  	v19 =	vld.idx.msk [tilespmem:v17+s6+$0x2A0 ss:$0x1], $0xffff;
	_ =	sdelay $0x4  }
0x11d: {  	v19 =	vmul.f32 v19, v54;
	_ =	sdelay $0x1  }
0x11e: {  	[tilespmem:v17+s6+$0x2A0 ss:$0x1] =	vst.idx.msk $0xffff, v19  }
0x11f: {  	v19 =	vld.idx.msk [tilespmem:v17+s6+$0x2B0 ss:$0x1], $0xffff;
	_ =	sdelay $0x4  }
0x120: {  	v19 =	vmul.f32 v19, v54;
	_ =	sdelay $0x1  }
0x121: {  	[tilespmem:v17+s6+$0x2B0 ss:$0x1] =	vst.idx.msk $0xffff, v19  }
0x122: {  	v19 =	vld.idx.msk [tilespmem:v17+s6+$0x2C0 ss:$0x1], $0xffff;
	_ =	sdelay $0x4  }
0x123: {  	v19 =	vmul.f32 v19, v54;
	_ =	sdelay $0x1  }
0x124: {  	[tilespmem:v17+s6+$0x2C0 ss:$0x1] =	vst.idx.msk $0xffff, v19  }
0x125: {  	v19 =	vld.idx.msk [tilespmem:v17+s6+$0x2D0 ss:$0x1], $0xffff;
	_ =	sdelay $0x4  }
0x126: {  	v19 =	vmul.f32 v19, v54;
	_ =	sdelay $0x1  }
0x127: {  	[tilespmem:v17+s6+$0x2D0 ss:$0x1] =	vst.idx.msk $0xffff, v19  }
0x128: {  	v19 =	vld.idx.msk [tilespmem:v17+s6+$0x2E0 ss:$0x1], $0xffff;
	_ =	sdelay $0x4  }
0x129: {  	v19 =	vmul.f32 v19, v54;
	_ =	sdelay $0x1  }
0x12a: {  	[tilespmem:v17+s6+$0x2E0 ss:$0x1] =	vst.idx.msk $0xffff, v19  }
0x12b: {  	v19 =	vld.idx.msk [tilespmem:v17+s6+$0x2F0 ss:$0x1], $0xffff;
	_ =	sdelay $0x4  }
0x12c: {  	v19 =	vmul.f32 v19, v54;
	_ =	sdelay $0x1  }
0x12d: {  	[tilespmem:v17+s6+$0x2F0 ss:$0x1] =	vst.idx.msk $0xffff, v19  }
0x12e: {  	v19 =	vld.idx.msk [tilespmem:v17+s6+$0x300 ss:$0x1], $0xffff;
	_ =	sdelay $0x2  }
0x12f: {  	v55 =	vperm.xlane v18, v6;
	_ =	sdelay $0x1  }
0x130: {  	v19 =	vmul.f32 v19, v55;
	_ =	sdelay $0x1  }
0x131: {  	[tilespmem:v17+s6+$0x300 ss:$0x1] =	vst.idx.msk $0xffff, v19  }
0x132: {  	v19 =	vld.idx.msk [tilespmem:v17+s6+$0x310 ss:$0x1], $0xffff;
	_ =	sdelay $0x4  }
0x133: {  	v19 =	vmul.f32 v19, v55;
	_ =	sdelay $0x1  }
0x134: {  	[tilespmem:v17+s6+$0x310 ss:$0x1] =	vst.idx.msk $0xffff, v19  }
0x135: {  	v19 =	vld.idx.msk [tilespmem:v17+s6+$0x320 ss:$0x1], $0xffff;
	_ =	sdelay $0x4  }
0x136: {  	v19 =	vmul.f32 v19, v55;
	_ =	sdelay $0x1  }
0x137: {  	[tilespmem:v17+s6+$0x320 ss:$0x1] =	vst.idx.msk $0xffff, v19  }
0x138: {  	v19 =	vld.idx.msk [tilespmem:v17+s6+$0x330 ss:$0x1], $0xffff;
	_ =	sdelay $0x4  }
0x139: {  	v19 =	vmul.f32 v19, v55;
	_ =	sdelay $0x1  }
0x13a: {  	[tilespmem:v17+s6+$0x330 ss:$0x1] =	vst.idx.msk $0xffff, v19  }
0x13b: {  	v19 =	vld.idx.msk [tilespmem:v17+s6+$0x340 ss:$0x1], $0xffff;
	_ =	sdelay $0x4  }
0x13c: {  	v19 =	vmul.f32 v19, v55;
	_ =	sdelay $0x1  }
0x13d: {  	[tilespmem:v17+s6+$0x340 ss:$0x1] =	vst.idx.msk $0xffff, v19  }
0x13e: {  	v19 =	vld.idx.msk [tilespmem:v17+s6+$0x350 ss:$0x1], $0xffff;
	_ =	sdelay $0x4  }
0x13f: {  	v19 =	vmul.f32 v19, v55;
	_ =	sdelay $0x1  }
0x140: {  	[tilespmem:v17+s6+$0x350 ss:$0x1] =	vst.idx.msk $0xffff, v19  }
0x141: {  	v19 =	vld.idx.msk [tilespmem:v17+s6+$0x360 ss:$0x1], $0xffff;
	_ =	sdelay $0x4  }
0x142: {  	v19 =	vmul.f32 v19, v55;
	_ =	sdelay $0x1  }
0x143: {  	[tilespmem:v17+s6+$0x360 ss:$0x1] =	vst.idx.msk $0xffff, v19  }
0x144: {  	v19 =	vld.idx.msk [tilespmem:v17+s6+$0x370 ss:$0x1], $0xffff;
	_ =	sdelay $0x4  }
0x145: {  	v19 =	vmul.f32 v19, v55;
	_ =	sdelay $0x1  }
0x146: {  	[tilespmem:v17+s6+$0x370 ss:$0x1] =	vst.idx.msk $0xffff, v19  }
0x147: {  	v19 =	vld.idx.msk [tilespmem:v17+s6+$0x380 ss:$0x1], $0xffff;
	_ =	sdelay $0x2  }
0x148: {  	v56 =	vperm.xlane v18, v7;
	_ =	sdelay $0x1  }
0x149: {  	v19 =	vmul.f32 v19, v56;
	_ =	sdelay $0x1  }
0x14a: {  	[tilespmem:v17+s6+$0x380 ss:$0x1] =	vst.idx.msk $0xffff, v19  }
0x14b: {  	v19 =	vld.idx.msk [tilespmem:v17+s6+$0x390 ss:$0x1], $0xffff;
	_ =	sdelay $0x4  }
0x14c: {  	v19 =	vmul.f32 v19, v56;
	_ =	sdelay $0x1  }
0x14d: {  	[tilespmem:v17+s6+$0x390 ss:$0x1] =	vst.idx.msk $0xffff, v19  }
0x14e: {  	v19 =	vld.idx.msk [tilespmem:v17+s6+$0x3A0 ss:$0x1], $0xffff;
	_ =	sdelay $0x4  }
0x14f: {  	v19 =	vmul.f32 v19, v56;
	_ =	sdelay $0x1  }
0x150: {  	[tilespmem:v17+s6+$0x3A0 ss:$0x1] =	vst.idx.msk $0xffff, v19  }
0x151: {  	v19 =	vld.idx.msk [tilespmem:v17+s6+$0x3B0 ss:$0x1], $0xffff;
	_ =	sdelay $0x4  }
0x152: {  	v19 =	vmul.f32 v19, v56;
	_ =	sdelay $0x1  }
0x153: {  	[tilespmem:v17+s6+$0x3B0 ss:$0x1] =	vst.idx.msk $0xffff, v19  }
0x154: {  	v19 =	vld.idx.msk [tilespmem:v17+s6+$0x3C0 ss:$0x1], $0xffff;
	_ =	sdelay $0x4  }
0x155: {  	v19 =	vmul.f32 v19, v56;
	_ =	sdelay $0x1  }
0x156: {  	[tilespmem:v17+s6+$0x3C0 ss:$0x1] =	vst.idx.msk $0xffff, v19  }
0x157: {  	v19 =	vld.idx.msk [tilespmem:v17+s6+$0x3D0 ss:$0x1], $0xffff;
	_ =	sdelay $0x4  }
0x158: {  	v19 =	vmul.f32 v19, v56;
	_ =	sdelay $0x1  }
0x159: {  	[tilespmem:v17+s6+$0x3D0 ss:$0x1] =	vst.idx.msk $0xffff, v19  }
0x15a: {  	v19 =	vld.idx.msk [tilespmem:v17+s6+$0x3E0 ss:$0x1], $0xffff;
	_ =	sdelay $0x4  }
0x15b: {  	v19 =	vmul.f32 v19, v56;
	_ =	sdelay $0x1  }
0x15c: {  	[tilespmem:v17+s6+$0x3E0 ss:$0x1] =	vst.idx.msk $0xffff, v19  }
0x15d: {  	v19 =	vld.idx.msk [tilespmem:v17+s6+$0x3F0 ss:$0x1], $0xffff;
	_ =	sdelay $0x4  }
0x15e: {  	v19 =	vmul.f32 v19, v56;
	_ =	sdelay $0x1  }
0x15f: {  	[tilespmem:v17+s6+$0x3F0 ss:$0x1] =	vst.idx.msk $0xffff, v19  }
0x160: {  	v19 =	vld.idx.msk [tilespmem:v17+s6+$0x400 ss:$0x1], $0xffff;
	_ =	sdelay $0x2  }
0x161: {  	v57 =	vperm.xlane v18, v8;
	_ =	sdelay $0x1  }
0x162: {  	v19 =	vmul.f32 v19, v57;
	_ =	sdelay $0x1  }
0x163: {  	[tilespmem:v17+s6+$0x400 ss:$0x1] =	vst.idx.msk $0xffff, v19  }
0x164: {  	v19 =	vld.idx.msk [tilespmem:v17+s6+$0x410 ss:$0x1], $0xffff;
	_ =	sdelay $0x4  }
0x165: {  	v19 =	vmul.f32 v19, v57;
	_ =	sdelay $0x1  }
0x166: {  	[tilespmem:v17+s6+$0x410 ss:$0x1] =	vst.idx.msk $0xffff, v19  }
0x167: {  	v19 =	vld.idx.msk [tilespmem:v17+s6+$0x420 ss:$0x1], $0xffff;
	_ =	sdelay $0x4  }
0x168: {  	v19 =	vmul.f32 v19, v57;
	_ =	sdelay $0x1  }
0x169: {  	[tilespmem:v17+s6+$0x420 ss:$0x1] =	vst.idx.msk $0xffff, v19  }
0x16a: {  	v19 =	vld.idx.msk [tilespmem:v17+s6+$0x430 ss:$0x1], $0xffff;
	_ =	sdelay $0x4  }
0x16b: {  	v19 =	vmul.f32 v19, v57;
	_ =	sdelay $0x1  }
0x16c: {  	[tilespmem:v17+s6+$0x430 ss:$0x1] =	vst.idx.msk $0xffff, v19  }
0x16d: {  	v19 =	vld.idx.msk [tilespmem:v17+s6+$0x440 ss:$0x1], $0xffff;
	_ =	sdelay $0x4  }
0x16e: {  	v19 =	vmul.f32 v19, v57;
	_ =	sdelay $0x1  }
0x16f: {  	[tilespmem:v17+s6+$0x440 ss:$0x1] =	vst.idx.msk $0xffff, v19  }
0x170: {  	v19 =	vld.idx.msk [tilespmem:v17+s6+$0x450 ss:$0x1], $0xffff;
	_ =	sdelay $0x4  }
0x171: {  	v19 =	vmul.f32 v19, v57;
	_ =	sdelay $0x1  }
0x172: {  	[tilespmem:v17+s6+$0x450 ss:$0x1] =	vst.idx.msk $0xffff, v19  }
0x173: {  	v19 =	vld.idx.msk [tilespmem:v17+s6+$0x460 ss:$0x1], $0xffff;
	_ =	sdelay $0x4  }
0x174: {  	v19 =	vmul.f32 v19, v57;
	_ =	sdelay $0x1  }
0x175: {  	[tilespmem:v17+s6+$0x460 ss:$0x1] =	vst.idx.msk $0xffff, v19  }
0x176: {  	v19 =	vld.idx.msk [tilespmem:v17+s6+$0x470 ss:$0x1], $0xffff;
	_ =	sdelay $0x4  }
0x177: {  	v19 =	vmul.f32 v19, v57;
	_ =	sdelay $0x1  }
0x178: {  	[tilespmem:v17+s6+$0x470 ss:$0x1] =	vst.idx.msk $0xffff, v19  }
0x179: {  	v19 =	vld.idx.msk [tilespmem:v17+s6+$0x480 ss:$0x1], $0xffff;
	_ =	sdelay $0x2  }
0x17a: {  	v58 =	vperm.xlane v18, v9;
	_ =	sdelay $0x1  }
0x17b: {  	v19 =	vmul.f32 v19, v58;
	_ =	sdelay $0x1  }
0x17c: {  	[tilespmem:v17+s6+$0x480 ss:$0x1] =	vst.idx.msk $0xffff, v19  }
0x17d: {  	v19 =	vld.idx.msk [tilespmem:v17+s6+$0x490 ss:$0x1], $0xffff;
	_ =	sdelay $0x4  }
0x17e: {  	v19 =	vmul.f32 v19, v58;
	_ =	sdelay $0x1  }
0x17f: {  	[tilespmem:v17+s6+$0x490 ss:$0x1] =	vst.idx.msk $0xffff, v19  }
0x180: {  	v19 =	vld.idx.msk [tilespmem:v17+s6+$0x4A0 ss:$0x1], $0xffff;
	_ =	sdelay $0x4  }
0x181: {  	v19 =	vmul.f32 v19, v58;
	_ =	sdelay $0x1  }
0x182: {  	[tilespmem:v17+s6+$0x4A0 ss:$0x1] =	vst.idx.msk $0xffff, v19  }
0x183: {  	v19 =	vld.idx.msk [tilespmem:v17+s6+$0x4B0 ss:$0x1], $0xffff;
	_ =	sdelay $0x4  }
0x184: {  	v19 =	vmul.f32 v19, v58;
	_ =	sdelay $0x1  }
0x185: {  	[tilespmem:v17+s6+$0x4B0 ss:$0x1] =	vst.idx.msk $0xffff, v19  }
0x186: {  	v19 =	vld.idx.msk [tilespmem:v17+s6+$0x4C0 ss:$0x1], $0xffff;
	_ =	sdelay $0x4  }
0x187: {  	v19 =	vmul.f32 v19, v58;
	_ =	sdelay $0x1  }
0x188: {  	[tilespmem:v17+s6+$0x4C0 ss:$0x1] =	vst.idx.msk $0xffff, v19  }
0x189: {  	v19 =	vld.idx.msk [tilespmem:v17+s6+$0x4D0 ss:$0x1], $0xffff;
	_ =	sdelay $0x4  }
0x18a: {  	v19 =	vmul.f32 v19, v58;
	_ =	sdelay $0x1  }
0x18b: {  	[tilespmem:v17+s6+$0x4D0 ss:$0x1] =	vst.idx.msk $0xffff, v19  }
0x18c: {  	v19 =	vld.idx.msk [tilespmem:v17+s6+$0x4E0 ss:$0x1], $0xffff;
	_ =	sdelay $0x4  }
0x18d: {  	v19 =	vmul.f32 v19, v58;
	_ =	sdelay $0x1  }
0x18e: {  	[tilespmem:v17+s6+$0x4E0 ss:$0x1] =	vst.idx.msk $0xffff, v19  }
0x18f: {  	v19 =	vld.idx.msk [tilespmem:v17+s6+$0x4F0 ss:$0x1], $0xffff;
	_ =	sdelay $0x4  }
0x190: {  	v19 =	vmul.f32 v19, v58;
	_ =	sdelay $0x1  }
0x191: {  	[tilespmem:v17+s6+$0x4F0 ss:$0x1] =	vst.idx.msk $0xffff, v19  }
0x192: {  	v19 =	vld.idx.msk [tilespmem:v17+s6+$0x500 ss:$0x1], $0xffff;
	_ =	sdelay $0x2  }
0x193: {  	v59 =	vperm.xlane v18, v10;
	_ =	sdelay $0x1  }
0x194: {  	v19 =	vmul.f32 v19, v59;
	_ =	sdelay $0x1  }
0x195: {  	[tilespmem:v17+s6+$0x500 ss:$0x1] =	vst.idx.msk $0xffff, v19  }
0x196: {  	v19 =	vld.idx.msk [tilespmem:v17+s6+$0x510 ss:$0x1], $0xffff;
	_ =	sdelay $0x4  }
0x197: {  	v19 =	vmul.f32 v19, v59;
	_ =	sdelay $0x1  }
0x198: {  	[tilespmem:v17+s6+$0x510 ss:$0x1] =	vst.idx.msk $0xffff, v19  }
0x199: {  	v19 =	vld.idx.msk [tilespmem:v17+s6+$0x520 ss:$0x1], $0xffff;
	_ =	sdelay $0x4  }
0x19a: {  	v19 =	vmul.f32 v19, v59;
	_ =	sdelay $0x1  }
0x19b: {  	[tilespmem:v17+s6+$0x520 ss:$0x1] =	vst.idx.msk $0xffff, v19  }
0x19c: {  	v19 =	vld.idx.msk [tilespmem:v17+s6+$0x530 ss:$0x1], $0xffff;
	_ =	sdelay $0x4  }
0x19d: {  	v19 =	vmul.f32 v19, v59;
	_ =	sdelay $0x1  }
0x19e: {  	[tilespmem:v17+s6+$0x530 ss:$0x1] =	vst.idx.msk $0xffff, v19  }
0x19f: {  	v19 =	vld.idx.msk [tilespmem:v17+s6+$0x540 ss:$0x1], $0xffff;
	_ =	sdelay $0x4  }
0x1a0: {  	v19 =	vmul.f32 v19, v59;
	_ =	sdelay $0x1  }
0x1a1: {  	[tilespmem:v17+s6+$0x540 ss:$0x1] =	vst.idx.msk $0xffff, v19  }
0x1a2: {  	v19 =	vld.idx.msk [tilespmem:v17+s6+$0x550 ss:$0x1], $0xffff;
	_ =	sdelay $0x4  }
0x1a3: {  	v19 =	vmul.f32 v19, v59;
	_ =	sdelay $0x1  }
0x1a4: {  	[tilespmem:v17+s6+$0x550 ss:$0x1] =	vst.idx.msk $0xffff, v19  }
0x1a5: {  	v19 =	vld.idx.msk [tilespmem:v17+s6+$0x560 ss:$0x1], $0xffff;
	_ =	sdelay $0x4  }
0x1a6: {  	v19 =	vmul.f32 v19, v59;
	_ =	sdelay $0x1  }
0x1a7: {  	[tilespmem:v17+s6+$0x560 ss:$0x1] =	vst.idx.msk $0xffff, v19  }
0x1a8: {  	v19 =	vld.idx.msk [tilespmem:v17+s6+$0x570 ss:$0x1], $0xffff;
	_ =	sdelay $0x4  }
0x1a9: {  	v19 =	vmul.f32 v19, v59;
	_ =	sdelay $0x1  }
0x1aa: {  	[tilespmem:v17+s6+$0x570 ss:$0x1] =	vst.idx.msk $0xffff, v19  }
0x1ab: {  	v19 =	vld.idx.msk [tilespmem:v17+s6+$0x580 ss:$0x1], $0xffff;
	_ =	sdelay $0x2  }
0x1ac: {  	v60 =	vperm.xlane v18, v11;
	_ =	sdelay $0x1  }
0x1ad: {  	v19 =	vmul.f32 v19, v60;
	_ =	sdelay $0x1  }
0x1ae: {  	[tilespmem:v17+s6+$0x580 ss:$0x1] =	vst.idx.msk $0xffff, v19  }
0x1af: {  	v19 =	vld.idx.msk [tilespmem:v17+s6+$0x590 ss:$0x1], $0xffff;
	_ =	sdelay $0x4  }
0x1b0: {  	v19 =	vmul.f32 v19, v60;
	_ =	sdelay $0x1  }
0x1b1: {  	[tilespmem:v17+s6+$0x590 ss:$0x1] =	vst.idx.msk $0xffff, v19  }
0x1b2: {  	v19 =	vld.idx.msk [tilespmem:v17+s6+$0x5A0 ss:$0x1], $0xffff;
	_ =	sdelay $0x4  }
0x1b3: {  	v19 =	vmul.f32 v19, v60;
	_ =	sdelay $0x1  }
0x1b4: {  	[tilespmem:v17+s6+$0x5A0 ss:$0x1] =	vst.idx.msk $0xffff, v19  }
0x1b5: {  	v19 =	vld.idx.msk [tilespmem:v17+s6+$0x5B0 ss:$0x1], $0xffff;
	_ =	sdelay $0x4  }
0x1b6: {  	v19 =	vmul.f32 v19, v60;
	_ =	sdelay $0x1  }
0x1b7: {  	[tilespmem:v17+s6+$0x5B0 ss:$0x1] =	vst.idx.msk $0xffff, v19  }
0x1b8: {  	v19 =	vld.idx.msk [tilespmem:v17+s6+$0x5C0 ss:$0x1], $0xffff;
	_ =	sdelay $0x4  }
0x1b9: {  	v19 =	vmul.f32 v19, v60;
	_ =	sdelay $0x1  }
0x1ba: {  	[tilespmem:v17+s6+$0x5C0 ss:$0x1] =	vst.idx.msk $0xffff, v19  }
0x1bb: {  	v19 =	vld.idx.msk [tilespmem:v17+s6+$0x5D0 ss:$0x1], $0xffff;
	_ =	sdelay $0x4  }
0x1bc: {  	v19 =	vmul.f32 v19, v60;
	_ =	sdelay $0x1  }
0x1bd: {  	[tilespmem:v17+s6+$0x5D0 ss:$0x1] =	vst.idx.msk $0xffff, v19  }
0x1be: {  	v19 =	vld.idx.msk [tilespmem:v17+s6+$0x5E0 ss:$0x1], $0xffff;
	_ =	sdelay $0x4  }
0x1bf: {  	v19 =	vmul.f32 v19, v60;
	_ =	sdelay $0x1  }
0x1c0: {  	[tilespmem:v17+s6+$0x5E0 ss:$0x1] =	vst.idx.msk $0xffff, v19  }
0x1c1: {  	v19 =	vld.idx.msk [tilespmem:v17+s6+$0x5F0 ss:$0x1], $0xffff;
	_ =	sdelay $0x4  }
0x1c2: {  	v19 =	vmul.f32 v19, v60;
	_ =	sdelay $0x1  }
0x1c3: {  	[tilespmem:v17+s6+$0x5F0 ss:$0x1] =	vst.idx.msk $0xffff, v19  }
0x1c4: {  	v19 =	vld.idx.msk [tilespmem:v17+s6+$0x600 ss:$0x1], $0xffff;
	_ =	sdelay $0x2  }
0x1c5: {  	v61 =	vperm.xlane v18, v12;
	_ =	sdelay $0x1  }
0x1c6: {  	v19 =	vmul.f32 v19, v61;
	_ =	sdelay $0x1  }
0x1c7: {  	[tilespmem:v17+s6+$0x600 ss:$0x1] =	vst.idx.msk $0xffff, v19  }
0x1c8: {  	v19 =	vld.idx.msk [tilespmem:v17+s6+$0x610 ss:$0x1], $0xffff;
	_ =	sdelay $0x4  }
0x1c9: {  	v19 =	vmul.f32 v19, v61;
	_ =	sdelay $0x1  }
0x1ca: {  	[tilespmem:v17+s6+$0x610 ss:$0x1] =	vst.idx.msk $0xffff, v19  }
0x1cb: {  	v19 =	vld.idx.msk [tilespmem:v17+s6+$0x620 ss:$0x1], $0xffff;
	_ =	sdelay $0x4  }
0x1cc: {  	v19 =	vmul.f32 v19, v61;
	_ =	sdelay $0x1  }
0x1cd: {  	[tilespmem:v17+s6+$0x620 ss:$0x1] =	vst.idx.msk $0xffff, v19  }
0x1ce: {  	v19 =	vld.idx.msk [tilespmem:v17+s6+$0x630 ss:$0x1], $0xffff;
	_ =	sdelay $0x4  }
0x1cf: {  	v19 =	vmul.f32 v19, v61;
	_ =	sdelay $0x1  }
0x1d0: {  	[tilespmem:v17+s6+$0x630 ss:$0x1] =	vst.idx.msk $0xffff, v19  }
0x1d1: {  	v19 =	vld.idx.msk [tilespmem:v17+s6+$0x640 ss:$0x1], $0xffff;
	_ =	sdelay $0x4  }
0x1d2: {  	v19 =	vmul.f32 v19, v61;
	_ =	sdelay $0x1  }
0x1d3: {  	[tilespmem:v17+s6+$0x640 ss:$0x1] =	vst.idx.msk $0xffff, v19  }
0x1d4: {  	v19 =	vld.idx.msk [tilespmem:v17+s6+$0x650 ss:$0x1], $0xffff;
	_ =	sdelay $0x4  }
0x1d5: {  	v19 =	vmul.f32 v19, v61;
	_ =	sdelay $0x1  }
0x1d6: {  	[tilespmem:v17+s6+$0x650 ss:$0x1] =	vst.idx.msk $0xffff, v19  }
0x1d7: {  	v19 =	vld.idx.msk [tilespmem:v17+s6+$0x660 ss:$0x1], $0xffff;
	_ =	sdelay $0x4  }
0x1d8: {  	v19 =	vmul.f32 v19, v61;
	_ =	sdelay $0x1  }
0x1d9: {  	[tilespmem:v17+s6+$0x660 ss:$0x1] =	vst.idx.msk $0xffff, v19  }
0x1da: {  	v19 =	vld.idx.msk [tilespmem:v17+s6+$0x670 ss:$0x1], $0xffff;
	_ =	sdelay $0x4  }
0x1db: {  	v19 =	vmul.f32 v19, v61;
	_ =	sdelay $0x1  }
0x1dc: {  	[tilespmem:v17+s6+$0x670 ss:$0x1] =	vst.idx.msk $0xffff, v19  }
0x1dd: {  	v19 =	vld.idx.msk [tilespmem:v17+s6+$0x680 ss:$0x1], $0xffff;
	_ =	sdelay $0x2  }
0x1de: {  	v62 =	vperm.xlane v18, v13;
	_ =	sdelay $0x1  }
0x1df: {  	v19 =	vmul.f32 v19, v62;
	_ =	sdelay $0x1  }
0x1e0: {  	[tilespmem:v17+s6+$0x680 ss:$0x1] =	vst.idx.msk $0xffff, v19  }
0x1e1: {  	v19 =	vld.idx.msk [tilespmem:v17+s6+$0x690 ss:$0x1], $0xffff;
	_ =	sdelay $0x4  }
0x1e2: {  	v19 =	vmul.f32 v19, v62;
	_ =	sdelay $0x1  }
0x1e3: {  	[tilespmem:v17+s6+$0x690 ss:$0x1] =	vst.idx.msk $0xffff, v19  }
0x1e4: {  	v19 =	vld.idx.msk [tilespmem:v17+s6+$0x6A0 ss:$0x1], $0xffff;
	_ =	sdelay $0x4  }
0x1e5: {  	v19 =	vmul.f32 v19, v62;
	_ =	sdelay $0x1  }
0x1e6: {  	[tilespmem:v17+s6+$0x6A0 ss:$0x1] =	vst.idx.msk $0xffff, v19  }
0x1e7: {  	v19 =	vld.idx.msk [tilespmem:v17+s6+$0x6B0 ss:$0x1], $0xffff;
	_ =	sdelay $0x4  }
0x1e8: {  	v19 =	vmul.f32 v19, v62;
	_ =	sdelay $0x1  }
0x1e9: {  	[tilespmem:v17+s6+$0x6B0 ss:$0x1] =	vst.idx.msk $0xffff, v19  }
0x1ea: {  	v19 =	vld.idx.msk [tilespmem:v17+s6+$0x6C0 ss:$0x1], $0xffff;
	_ =	sdelay $0x4  }
0x1eb: {  	v19 =	vmul.f32 v19, v62;
	_ =	sdelay $0x1  }
0x1ec: {  	[tilespmem:v17+s6+$0x6C0 ss:$0x1] =	vst.idx.msk $0xffff, v19  }
0x1ed: {  	v19 =	vld.idx.msk [tilespmem:v17+s6+$0x6D0 ss:$0x1], $0xffff;
	_ =	sdelay $0x4  }
0x1ee: {  	v19 =	vmul.f32 v19, v62;
	_ =	sdelay $0x1  }
0x1ef: {  	[tilespmem:v17+s6+$0x6D0 ss:$0x1] =	vst.idx.msk $0xffff, v19  }
0x1f0: {  	v19 =	vld.idx.msk [tilespmem:v17+s6+$0x6E0 ss:$0x1], $0xffff;
	_ =	sdelay $0x4  }
0x1f1: {  	v19 =	vmul.f32 v19, v62;
	_ =	sdelay $0x1  }
0x1f2: {  	[tilespmem:v17+s6+$0x6E0 ss:$0x1] =	vst.idx.msk $0xffff, v19  }
0x1f3: {  	v19 =	vld.idx.msk [tilespmem:v17+s6+$0x6F0 ss:$0x1], $0xffff;
	_ =	sdelay $0x4  }
0x1f4: {  	v19 =	vmul.f32 v19, v62;
	_ =	sdelay $0x1  }
0x1f5: {  	[tilespmem:v17+s6+$0x6F0 ss:$0x1] =	vst.idx.msk $0xffff, v19  }
0x1f6: {  	v19 =	vld.idx.msk [tilespmem:v17+s6+$0x700 ss:$0x1], $0xffff;
	_ =	sdelay $0x2  }
0x1f7: {  	v63 =	vperm.xlane v18, v14;
	_ =	sdelay $0x1  }
0x1f8: {  	v19 =	vmul.f32 v19, v63;
	_ =	sdelay $0x1  }
0x1f9: {  	[tilespmem:v17+s6+$0x700 ss:$0x1] =	vst.idx.msk $0xffff, v19  }
0x1fa: {  	v19 =	vld.idx.msk [tilespmem:v17+s6+$0x710 ss:$0x1], $0xffff;
	_ =	sdelay $0x4  }
0x1fb: {  	v19 =	vmul.f32 v19, v63;
	_ =	sdelay $0x1  }
0x1fc: {  	[tilespmem:v17+s6+$0x710 ss:$0x1] =	vst.idx.msk $0xffff, v19  }
0x1fd: {  	v19 =	vld.idx.msk [tilespmem:v17+s6+$0x720 ss:$0x1], $0xffff;
	_ =	sdelay $0x4  }
0x1fe: {  	v19 =	vmul.f32 v19, v63;
	_ =	sdelay $0x1  }
0x1ff: {  	[tilespmem:v17+s6+$0x720 ss:$0x1] =	vst.idx.msk $0xffff, v19  }
0x200: {  	v19 =	vld.idx.msk [tilespmem:v17+s6+$0x730 ss:$0x1], $0xffff;
	_ =	sdelay $0x4  }
0x201: {  	v19 =	vmul.f32 v19, v63;
	_ =	sdelay $0x1  }
0x202: {  	[tilespmem:v17+s6+$0x730 ss:$0x1] =	vst.idx.msk $0xffff, v19  }
0x203: {  	v19 =	vld.idx.msk [tilespmem:v17+s6+$0x740 ss:$0x1], $0xffff;
	_ =	sdelay $0x4  }
0x204: {  	v19 =	vmul.f32 v19, v63;
	_ =	sdelay $0x1  }
0x205: {  	[tilespmem:v17+s6+$0x740 ss:$0x1] =	vst.idx.msk $0xffff, v19  }
0x206: {  	v19 =	vld.idx.msk [tilespmem:v17+s6+$0x750 ss:$0x1], $0xffff;
	_ =	sdelay $0x4  }
0x207: {  	v19 =	vmul.f32 v19, v63;
	_ =	sdelay $0x1  }
0x208: {  	[tilespmem:v17+s6+$0x750 ss:$0x1] =	vst.idx.msk $0xffff, v19  }
0x209: {  	v19 =	vld.idx.msk [tilespmem:v17+s6+$0x760 ss:$0x1], $0xffff;
	_ =	sdelay $0x4  }
0x20a: {  	v19 =	vmul.f32 v19, v63;
	_ =	sdelay $0x1  }
0x20b: {  	[tilespmem:v17+s6+$0x760 ss:$0x1] =	vst.idx.msk $0xffff, v19  }
0x20c: {  	v19 =	vld.idx.msk [tilespmem:v17+s6+$0x770 ss:$0x1], $0xffff;
	_ =	sdelay $0x4  }
0x20d: {  	v19 =	vmul.f32 v19, v63;
	_ =	sdelay $0x1  }
0x20e: {  	[tilespmem:v17+s6+$0x770 ss:$0x1] =	vst.idx.msk $0xffff, v19  }
0x20f: {  	v19 =	vld.idx.msk [tilespmem:v17+s6+$0x780 ss:$0x1], $0xffff;
	_ =	sdelay $0x2  }
0x210: {  	v18 =	vperm.xlane v18, v15;
	_ =	sdelay $0x1  }
0x211: {  	v19 =	vmul.f32 v19, v18;
	_ =	sdelay $0x1  }
0x212: {  	[tilespmem:v17+s6+$0x780 ss:$0x1] =	vst.idx.msk $0xffff, v19  }
0x213: {  	v19 =	vld.idx.msk [tilespmem:v17+s6+$0x790 ss:$0x1], $0xffff;
	_ =	sdelay $0x4  }
0x214: {  	v19 =	vmul.f32 v19, v18;
	_ =	sdelay $0x1  }
0x215: {  	[tilespmem:v17+s6+$0x790 ss:$0x1] =	vst.idx.msk $0xffff, v19  }
0x216: {  	v19 =	vld.idx.msk [tilespmem:v17+s6+$0x7A0 ss:$0x1], $0xffff;
	_ =	sdelay $0x4  }
0x217: {  	v19 =	vmul.f32 v19, v18;
	_ =	sdelay $0x1  }
0x218: {  	[tilespmem:v17+s6+$0x7A0 ss:$0x1] =	vst.idx.msk $0xffff, v19  }
0x219: {  	v19 =	vld.idx.msk [tilespmem:v17+s6+$0x7B0 ss:$0x1], $0xffff;
	_ =	sdelay $0x4  }
0x21a: {  	v19 =	vmul.f32 v19, v18;
	_ =	sdelay $0x1  }
0x21b: {  	[tilespmem:v17+s6+$0x7B0 ss:$0x1] =	vst.idx.msk $0xffff, v19  }
0x21c: {  	v19 =	vld.idx.msk [tilespmem:v17+s6+$0x7C0 ss:$0x1], $0xffff;
	_ =	sdelay $0x4  }
0x21d: {  	v19 =	vmul.f32 v19, v18;
	_ =	sdelay $0x1  }
0x21e: {  	[tilespmem:v17+s6+$0x7C0 ss:$0x1] =	vst.idx.msk $0xffff, v19  }
0x21f: {  	v19 =	vld.idx.msk [tilespmem:v17+s6+$0x7D0 ss:$0x1], $0xffff;
	_ =	sdelay $0x4  }
0x220: {  	v19 =	vmul.f32 v19, v18;
	_ =	sdelay $0x1  }
0x221: {  	[tilespmem:v17+s6+$0x7D0 ss:$0x1] =	vst.idx.msk $0xffff, v19  }
0x222: {  	v19 =	vld.idx.msk [tilespmem:v17+s6+$0x7E0 ss:$0x1], $0xffff;
	_ =	sdelay $0x4  }
0x223: {  	v19 =	vmul.f32 v19, v18;
	_ =	sdelay $0x1  }
0x224: {  	[tilespmem:v17+s6+$0x7E0 ss:$0x1] =	vst.idx.msk $0xffff, v19  }
0x225: {  	v19 =	vld.idx.msk [tilespmem:v17+s6+$0x7F0 ss:$0x1], $0xffff;
	_ =	sdelay $0x1  }
0x226: {  	p1 =	sne.s32 s5, $0x7  }
.Ltmp7:
0x227: {  	_ = 	snop;
	(pc) =	sbr.rel @p1 .LBB2_10-.Ltmp7, $3  }
0x228: {  	_ = 	snop  }
0x229: {  	v18 =	vmul.f32 v19, v18;
	_ =	sdelay $0x1  }
0x22a: {  	s5 =	sadd.s32 $0x1, s5;
	[tilespmem:v17+s6+$0x7F0 ss:$0x1] =	vst.idx.msk $0xffff, v18  }
0x22b: {  	p1 =	slt.u32 s16, $0x8  }
.Ltmp8:
0x22c: {  	_ = 	snop;
	(pc) =	sbr.rel @p1 .LBB2_3-.Ltmp8, $4  }
.Ltmp9:
0x22d: {  	_ = 	snop;
	(pc) =	sbr.rel @!p1 .LBB2_12-.Ltmp9, $4  }
0x22e: {  	s5 =	sadd.s32 s23, s22;
	s6 =	sadd.s32 $0x3, s9  }
0x22f: {  	[spmem:s3] =	stream.indirect.scatter.add.f32 [tilespmem:s17], [sflag:s6], $0x80, s5, s21, $0xb8;
	[tilespmem:$0x1D800] =	vst v63  }
0x230: {  	s5 =	smov.u32 s16  }
0x231: {  	_ = 	snop  }
.LBB2_8:
0x232: {  	_ =	swait.ge @!p0 [sflag:s26], $0x400  }
0x233: {  	[sflag:s26] =	ssyncset.done @!p0 $0x0  }
0x234: {  	[sflag:s26] =	ssyncadd.s32 @!p0 $0xFFFFFC00  }
0x235: {  	_ =	swait.ge @!p0 [sflag:s26], $0x400  }
0x236: {  	[sflag:s26] =	ssyncset.done @!p0 $0x0  }
0x237: {  	[sflag:s26] =	ssyncadd.s32 @!p0 $0xFFFFFC00  }
0x238: {  	_ =	swait.ge @!p0 [sflag:s26], $0x400  }
0x239: {  	s6 =	sadd.s32 @!p0 $0x1, s6;
	[sflag:s26] =	ssyncset.done @!p0 $0x0  }
0x23a: {  	s7 =	simm.s32 @!p0 $0x10;
	s13 =	simm.s32 @!p0 $0x1800;
	[sflag:s26] =	ssyncadd.s32 @!p0 $0xFFFFFC00  }
0x23b: {  	[tilespmem:s13], [sflag:s6] =	stream.indirect.gather @!p0 [hbm4b:s1+s7], $0x80, s25, s7, $0xb8;
	[tilespmem:$0x1D800] =	vst v63  }
0x23c: {  	s13 =	simm.s32 @!p0 $0x2000  }
0x23d: {  	[tilespmem:s13], [sflag:s6] =	stream.indirect.gather @!p0 [hbm4b:s1+s7], $0x80, s28, s7, $0xb8;
	[tilespmem:$0x1D800] =	vst v63  }
0x23e: {  	s13 =	simm.s32 @!p0 $0x2800  }
0x23f: {  	[tilespmem:s13], [sflag:s6] =	stream.indirect.gather @!p0 [hbm4b:s1+s7], $0x80, s29, s7, $0xb8;
	[tilespmem:$0x1D800] =	vst v63  }
0x240: {  	s13 =	simm.s32 @!p0 $0x3000  }
0x241: {  	[tilespmem:s13], [sflag:s6] =	stream.indirect.gather @!p0 [hbm4b:s1+s7], $0x80, s30, s7, $0xb8;
	[tilespmem:$0x1D800] =	vst v63  }
0x242: {  	s13 =	simm.s32 @!p0 $0x3800  }
0x243: {  	[tilespmem:s13], [sflag:s6] =	stream.indirect.gather @!p0 [hbm4b:s1+s7], $0x80, s31, s7, $0xb8;
	[tilespmem:$0x1D800] =	vst v63  }
0x244: {  	s13 =	simm.s32 @!p0 $0x4000  }
0x245: {  	[tilespmem:s13], [sflag:s6] =	stream.indirect.gather @!p0 [hbm4b:s1+s7], $0x80, s0, s7, $0xb8;
	[tilespmem:$0x1D800] =	vst v63  }
.Ltmp10:
0x246: {  	_ = 	snop;
	(pc) =	sbr.rel .LBB2_9-.Ltmp10, $4  }
0x247: {  	s16 =	simm.s32 @!p0 $0x8;
	s13 =	simm.s32 @!p0 $0x4800  }
0x248: {  	[tilespmem:s13], [sflag:s6] =	stream.indirect.gather @!p0 [hbm4b:s1+s7], $0x80, s2, s7, $0xb8;
	[tilespmem:$0x1D800] =	vst v63  }
0x249: {  	s16 =	simm.s32 @p0 $0x8;
	s13 =	simm.s32 @!p0 $0x5000  }
0x24a: {  	[tilespmem:s13], [sflag:s6] =	stream.indirect.gather @!p0 [hbm4b:s1+s7], $0x80, s18, s7, $0xb8;
	[tilespmem:$0x1D800] =	vst v63  }
.LBB2_14:
0x24b: {  	_ =	sfence.sel $0x180000  }
0x24c: {  	[bflag:$0x0] =	sbarrier.arrive $0xFFFF  }
0x24d: {  	_ =	strace $0x90000047  }
0x24e: {  	s0 =	stileid.u32;
	[bflag:$0x2] =	sbarrier.arrive $0xFFFF  }
0x24f: {  	p0 =	sne.s32 s0, $0x0;
	s0 =	rddreg [dreg:$0x3]  }
0x250: {  	s0 =	sadd.s32 @!p0 $0x100000, s0  }
0x251: {  	[sflag:s0] =	ssyncadd.tile.s32 @!p0 $0x1;
	_ =	shalt  }
.Lfunc_end2:
_tile_overlayer_lowered:
.L_overlay_start_2:
0x252: {  	(tag) =	ssettag $0x2  }
0x253: {  	s0 =	rddreg [dreg:$0x0];
	s2 =	stileid.u32  }
0x254: {  	s1 =	rddreg [dreg:$0x1];
	p0 =	sne.s32 s2, $0x0  }
0x255: {  	s3 =	rddreg [dreg:$0x2];
	[bflag:$0x3] =	sbarrier.arrive $0xFFFF;
	s2 =	simm.s32 @!p0 $0x1C07  }
0x256: {  	[timem:s3], [sflag:s2] =	dma.local @!p0 [hbm:s0], s1  }
0x257: {  	s0 =	simm.s32 @!p0 $0x7  }
0x258: {  	_ =	swait.ge @!p0 [sflag:s0], s1  }
0x259: {  	s1 =	ssub.s32 @!p0 $0x0, s1;
	[sflag:s0] =	ssyncset.done @!p0 $0x0  }
0x25a: {  	[sflag:s0] =	ssyncadd.s32 @!p0 s1  }
0x25b: {  	[bflag:$0x3] =	sbarrier.arrive $0xFFFF  }
0x25c: {  	_ =	shalt  }

</sc_bundles>
